<compile_context>
chip_gen: v7x
topology: tpu7x:2x2x1
jax: 0.10.2.dev20260603
libtpu: 0.0.44.dev20260713+nightly
codegen_flags: <defaults>
</compile_context>

<pallas_src>
import functools

import jax
import jax.numpy as jnp
from jax import lax
from jax.experimental import pallas as pl
from jax.experimental.pallas import tpu as pltpu
from jax.experimental.pallas import tpu_sc as plsc

_D = 16
_N = 16384 * 50
_NC = 2
_NS = 16
_NW = _NC * _NS
_B_PER_W = _N // _NW
_CHUNK = 1280
_N_CHUNKS = _B_PER_W // _CHUNK
_NBUF = 4


def _make_gather():
    mesh = plsc.VectorSubcoreMesh(core_axis_name="c", subcore_axis_name="s")

    @functools.partial(
        pl.kernel,
        mesh=mesh,
        compiler_params=pltpu.CompilerParams(use_tc_tiling_on_sc=False),
        out_type=jax.ShapeDtypeStruct((_N, _D), jnp.float32),
        scratch_types=[
            pltpu.VMEM((_B_PER_W,), jnp.int32),
            pltpu.VMEM((_NBUF, _CHUNK, _D), jnp.float32),
            pltpu.SemaphoreType.DMA((_NBUF,)),
            pltpu.SemaphoreType.DMA((_NBUF,)),
        ],
    )
    def gather_kernel(idx_hbm, table_hbm, out_hbm, idx_v, rows_v, sem_g, sem_o):
        wid = lax.axis_index("s") * _NC + lax.axis_index("c")
        base = wid * _B_PER_W
        pltpu.sync_copy(idx_hbm.at[pl.ds(base, _B_PER_W)], idx_v)

        def gather(i, buf):
            return pltpu.async_copy(
                table_hbm.at[idx_v.at[pl.ds(i * _CHUNK, _CHUNK)]],
                rows_v.at[buf], sem_g.at[buf])

        def store(i, buf):
            return pltpu.async_copy(
                rows_v.at[buf],
                out_hbm.at[pl.ds(base + i * _CHUNK, _CHUNK)], sem_o.at[buf])

        g = [None] * _NBUF
        o = [None] * _NBUF
        for i in range(min(_NBUF - 1, _N_CHUNKS)):
            g[i] = gather(i, i)
        for i in range(_N_CHUNKS):
            buf = i % _NBUF
            g[buf].wait()
            o[buf] = store(i, buf)
            j = i + _NBUF - 1
            if j < _N_CHUNKS:
                jb = j % _NBUF
                if o[jb] is not None:
                    o[jb].wait()
                    o[jb] = None
                g[jb] = gather(j, jb)
        for i in range(_NBUF):
            if o[i] is not None:
                o[i].wait()

    return gather_kernel


_gather = _make_gather()


def kernel(x, table):
    b, h = x.shape
    flat = _gather(x.reshape(-1), table)
    return flat.reshape(b, h, _D)

# --- scband reference (transcript-rebuilt; emitter-appended) ---
"""Pipeline reference for scband-sparse-field-26396869001633 (READ-ONLY COPY).

The authoritative reference and input builder live on the scoring server;
editing this copy changes nothing except your own understanding.
"""

import jax, jax.numpy as jnp
import numpy as np

VOCAB = 1000000
EMBED_DIM = 16
BATCH = 16384
HIST = 50

def setup_inputs(seed: int = 0) -> dict:
    key = jax.random.key(seed)
    k_idx, k_tab = jax.random.split(key)
    # forward arg: indices (B, L) in [0, VOCAB)
    x = jax.random.randint(k_idx, (BATCH, HIST), 0, VOCAB, dtype=jnp.int32)
    # learned parameter: embedding table sized per fit(enum of VOCAB)/embed(EMBED_DIM)
    table = jax.random.normal(k_tab, (VOCAB, EMBED_DIM), dtype=jnp.float32) * 0.02
    return {"x": x, "table": table}

def reference(x, table):
    # SparseField.look_up: (B, *) -> (B, *, d) via nn.Embedding lookup
    return jnp.take(table, x, axis=0)

if __name__ == "__main__":
    import jax
    _d = setup_inputs()
    print(jax.jit(kernel)(*tuple(_d.values())))

</pallas_src>

<mosaic_0001>
#map = affine_map<(d0, d1) -> (0)>
#map1 = affine_map<(d0, d1) -> (0, 0)>
module attributes {stable_mosaic.version = 14 : i64} {
  func.func @gather_kernel(%arg0: i32, %arg1: i32, %arg2: memref<819200xi32, #tpu.memory_space<hbm>>, %arg3: memref<1000000x16xf32, #tpu.memory_space<hbm>>, %arg4: memref<819200x16xf32, #tpu.memory_space<hbm>>, %arg5: memref<25600xi32, #tpu.memory_space<vmem>>, %arg6: memref<4x1280x16xf32, #tpu.memory_space<vmem>>, %arg7: memref<4x!tpu.dma_semaphore, #tpu.memory_space<semaphore_mem>>, %arg8: memref<4x!tpu.dma_semaphore, #tpu.memory_space<semaphore_mem>>) attributes {dimension_semantics = [#tpu.dimension_semantics<core_parallel>, #tpu.dimension_semantics<subcore_parallel>], iteration_bounds = array<i64: 2, 16>, scalar_prefetch = 0 : i64, scratch_operands = 4 : i64, tpu.core_type = #tpu.core_type<sc_vector_subcore>, window_params = [{transform_indices = #map}, {transform_indices = #map1}, {transform_indices = #map1}]} {
    %mul3A = arith.constant 2 : i32
    %mul3A_0 = arith.muli %arg1, %mul3A : i32
    %add3A = arith.addi %mul3A_0, %arg0 : i32
    %mul3A_1 = arith.constant 25600 : i32
    %mul3A_2 = arith.muli %add3A, %mul3A_1 : i32
    "tpu.region"() ({
      %run_scoped3A = tpu.sem_alloc : memref<!tpu.dma_semaphore, #tpu.memory_space<semaphore_mem>>
      %dma_start3A_1201 = tpu.memref_slice %arg2[%mul3A_2] : memref<819200xi32, #tpu.memory_space<hbm>> -> memref<25600xi32, #tpu.memory_space<hbm>>
      %dma_start3A_1202 = tpu.memref_slice %arg2[%mul3A_2] : memref<819200xi32, #tpu.memory_space<hbm>> -> memref<25600xi32, #tpu.memory_space<hbm>>
      tpu.enqueue_dma source(%dma_start3A_1202 : memref<25600xi32, #tpu.memory_space<hbm>>) target(%arg5 : memref<25600xi32, #tpu.memory_space<vmem>>) target_semaphore(%run_scoped3A : memref<!tpu.dma_semaphore, #tpu.memory_space<semaphore_mem>>)
      %dma_wait3A_1203 = tpu.memref_slice %arg2[%mul3A_2] : memref<819200xi32, #tpu.memory_space<hbm>> -> memref<25600xi32, #tpu.memory_space<hbm>>
      %dma_wait3A_1204 = tpu.memref_slice %arg2[%mul3A_2] : memref<819200xi32, #tpu.memory_space<hbm>> -> memref<25600xi32, #tpu.memory_space<hbm>>
      tpu.wait_dma2 semaphore(%run_scoped3A : memref<!tpu.dma_semaphore, #tpu.memory_space<semaphore_mem>>) src(%dma_wait3A_1204 : memref<25600xi32, #tpu.memory_space<hbm>>) dst(%arg5 : memref<25600xi32, #tpu.memory_space<vmem>>)
      tpu.yield
    }) : () -> ()
    %dma_start3A = arith.constant 0 : i32
    %dma_start3A_3 = arith.constant 0 : i32
    %dma_start3A_4 = arith.constant 0 : i32
    %dma_start3A_5 = arith.constant 0 : i32
    %dma_start3A_6 = tpu.memref_slice %arg6[%dma_start3A, %dma_start3A_4, %dma_start3A_5] : memref<4x1280x16xf32, #tpu.memory_space<vmem>> -> memref<1x1280x16xf32, #tpu.memory_space<vmem>>
    %dma_start3A_7 = tpu.memref_squeeze %dma_start3A_6 : memref<1x1280x16xf32, #tpu.memory_space<vmem>> -> memref<1280x16xf32, #tpu.memory_space<vmem>>
    %dma_start3A_8 = arith.constant 0 : i32
    %dma_start3A_9 = tpu.memref_slice %arg5[%dma_start3A_8] : memref<25600xi32, #tpu.memory_space<vmem>> -> memref<1280xi32, #tpu.memory_space<vmem>>
    %dma_start3A_10 = arith.constant 0 : i32
    %dma_start3A_11 = arith.constant 0 : i32
    %dma_start3A_12 = tpu.memref_slice %arg3[%dma_start3A_10, %dma_start3A_11] : memref<1000000x16xf32, #tpu.memory_space<hbm>> -> memref<1000000x16xf32, #tpu.memory_space<hbm>>
    %dma_start3A_13 = tpu.memref_slice %arg7[%dma_start3A_3] : memref<4x!tpu.dma_semaphore, #tpu.memory_space<semaphore_mem>> -> memref<1x!tpu.dma_semaphore, #tpu.memory_space<semaphore_mem>>
    %dma_start3A_14 = tpu.memref_squeeze %dma_start3A_13 : memref<1x!tpu.dma_semaphore, #tpu.memory_space<semaphore_mem>> -> memref<!tpu.dma_semaphore, #tpu.memory_space<semaphore_mem>>
    tpu.enqueue_indirect_dma source(%dma_start3A_12 : memref<1000000x16xf32, #tpu.memory_space<hbm>>) target(%dma_start3A_7 : memref<1280x16xf32, #tpu.memory_space<vmem>>) offsets(%dma_start3A_9 : memref<1280xi32, #tpu.memory_space<vmem>>) semaphore(%dma_start3A_14 : memref<!tpu.dma_semaphore, #tpu.memory_space<semaphore_mem>>)
    %dma_start3A_15 = arith.constant 1 : i32
    %dma_start3A_16 = arith.constant 1 : i32
    %dma_start3A_17 = arith.constant 0 : i32
    %dma_start3A_18 = arith.constant 0 : i32
    %dma_start3A_19 = tpu.memref_slice %arg6[%dma_start3A_15, %dma_start3A_17, %dma_start3A_18] : memref<4x1280x16xf32, #tpu.memory_space<vmem>> -> memref<1x1280x16xf32, #tpu.memory_space<vmem>>
    %dma_start3A_20 = tpu.memref_squeeze %dma_start3A_19 : memref<1x1280x16xf32, #tpu.memory_space<vmem>> -> memref<1280x16xf32, #tpu.memory_space<vmem>>
    %dma_start3A_21 = arith.constant 1280 : i32
    %dma_start3A_22 = tpu.memref_slice %arg5[%dma_start3A_21] : memref<25600xi32, #tpu.memory_space<vmem>> -> memref<1280xi32, #tpu.memory_space<vmem>>
    %dma_start3A_23 = arith.constant 0 : i32
    %dma_start3A_24 = arith.constant 0 : i32
    %dma_start3A_25 = tpu.memref_slice %arg3[%dma_start3A_23, %dma_start3A_24] : memref<1000000x16xf32, #tpu.memory_space<hbm>> -> memref<1000000x16xf32, #tpu.memory_space<hbm>>
    %dma_start3A_26 = tpu.memref_slice %arg7[%dma_start3A_16] : memref<4x!tpu.dma_semaphore, #tpu.memory_space<semaphore_mem>> -> memref<1x!tpu.dma_semaphore, #tpu.memory_space<semaphore_mem>>
    %dma_start3A_27 = tpu.memref_squeeze %dma_start3A_26 : memref<1x!tpu.dma_semaphore, #tpu.memory_space<semaphore_mem>> -> memref<!tpu.dma_semaphore, #tpu.memory_space<semaphore_mem>>
    tpu.enqueue_indirect_dma source(%dma_start3A_25 : memref<1000000x16xf32, #tpu.memory_space<hbm>>) target(%dma_start3A_20 : memref<1280x16xf32, #tpu.memory_space<vmem>>) offsets(%dma_start3A_22 : memref<1280xi32, #tpu.memory_space<vmem>>) semaphore(%dma_start3A_27 : memref<!tpu.dma_semaphore, #tpu.memory_space<semaphore_mem>>)
    %dma_start3A_28 = arith.constant 2 : i32
    %dma_start3A_29 = arith.constant 2 : i32
    %dma_start3A_30 = arith.constant 0 : i32
    %dma_start3A_31 = arith.constant 0 : i32
    %dma_start3A_32 = tpu.memref_slice %arg6[%dma_start3A_28, %dma_start3A_30, %dma_start3A_31] : memref<4x1280x16xf32, #tpu.memory_space<vmem>> -> memref<1x1280x16xf32, #tpu.memory_space<vmem>>
    %dma_start3A_33 = tpu.memref_squeeze %dma_start3A_32 : memref<1x1280x16xf32, #tpu.memory_space<vmem>> -> memref<1280x16xf32, #tpu.memory_space<vmem>>
    %dma_start3A_34 = arith.constant 2560 : i32
    %dma_start3A_35 = tpu.memref_slice %arg5[%dma_start3A_34] : memref<25600xi32, #tpu.memory_space<vmem>> -> memref<1280xi32, #tpu.memory_space<vmem>>
    %dma_start3A_36 = arith.constant 0 : i32
    %dma_start3A_37 = arith.constant 0 : i32
    %dma_start3A_38 = tpu.memref_slice %arg3[%dma_start3A_36, %dma_start3A_37] : memref<1000000x16xf32, #tpu.memory_space<hbm>> -> memref<1000000x16xf32, #tpu.memory_space<hbm>>
    %dma_start3A_39 = tpu.memref_slice %arg7[%dma_start3A_29] : memref<4x!tpu.dma_semaphore, #tpu.memory_space<semaphore_mem>> -> memref<1x!tpu.dma_semaphore, #tpu.memory_space<semaphore_mem>>
    %dma_start3A_40 = tpu.memref_squeeze %dma_start3A_39 : memref<1x!tpu.dma_semaphore, #tpu.memory_space<semaphore_mem>> -> memref<!tpu.dma_semaphore, #tpu.memory_space<semaphore_mem>>
    tpu.enqueue_indirect_dma source(%dma_start3A_38 : memref<1000000x16xf32, #tpu.memory_space<hbm>>) target(%dma_start3A_33 : memref<1280x16xf32, #tpu.memory_space<vmem>>) offsets(%dma_start3A_35 : memref<1280xi32, #tpu.memory_space<vmem>>) semaphore(%dma_start3A_40 : memref<!tpu.dma_semaphore, #tpu.memory_space<semaphore_mem>>)
    %dma_wait3A = arith.constant 0 : i32
    %dma_wait3A_41 = arith.constant 0 : i32
    %dma_wait3A_42 = arith.constant 0 : i32
    %dma_wait3A_43 = arith.constant 0 : i32
    %dma_wait3A_44 = tpu.memref_slice %arg6[%dma_wait3A, %dma_wait3A_42, %dma_wait3A_43] : memref<4x1280x16xf32, #tpu.memory_space<vmem>> -> memref<1x1280x16xf32, #tpu.memory_space<vmem>>
    %dma_wait3A_45 = tpu.memref_squeeze %dma_wait3A_44 : memref<1x1280x16xf32, #tpu.memory_space<vmem>> -> memref<1280x16xf32, #tpu.memory_space<vmem>>
    %dma_wait3A_46 = arith.constant 0 : i32
    %dma_wait3A_47 = tpu.memref_slice %arg5[%dma_wait3A_46] : memref<25600xi32, #tpu.memory_space<vmem>> -> memref<1280xi32, #tpu.memory_space<vmem>>
    %dma_wait3A_48 = arith.constant 0 : i32
    %dma_wait3A_49 = arith.constant 0 : i32
    %dma_wait3A_50 = tpu.memref_slice %arg3[%dma_wait3A_48, %dma_wait3A_49] : memref<1000000x16xf32, #tpu.memory_space<hbm>> -> memref<1000000x16xf32, #tpu.memory_space<hbm>>
    %dma_wait3A_51 = tpu.memref_slice %arg7[%dma_wait3A_41] : memref<4x!tpu.dma_semaphore, #tpu.memory_space<semaphore_mem>> -> memref<1x!tpu.dma_semaphore, #tpu.memory_space<semaphore_mem>>
    %dma_wait3A_52 = tpu.memref_squeeze %dma_wait3A_51 : memref<1x!tpu.dma_semaphore, #tpu.memory_space<semaphore_mem>> -> memref<!tpu.dma_semaphore, #tpu.memory_space<semaphore_mem>>
    tpu.wait_indirect_dma semaphore(%dma_wait3A_52 : memref<!tpu.dma_semaphore, #tpu.memory_space<semaphore_mem>>) src(%dma_wait3A_50 : memref<1000000x16xf32, #tpu.memory_space<hbm>>) dst(%dma_wait3A_45 : memref<1280x16xf32, #tpu.memory_space<vmem>>)
    %add3A_53 = arith.constant 0 : i32
    %add3A_54 = arith.addi %mul3A_2, %add3A_53 : i32
    %dma_start3A_55 = arith.constant 0 : i32
    %dma_start3A_56 = arith.constant 0 : i32
    %dma_start3A_57 = arith.constant 0 : i32
    %dma_start3A_58 = arith.constant 0 : i32
    %dma_start3A_59 = tpu.memref_slice %arg6[%dma_start3A_55, %dma_start3A_57, %dma_start3A_58] : memref<4x1280x16xf32, #tpu.memory_space<vmem>> -> memref<1x1280x16xf32, #tpu.memory_space<vmem>>
    %dma_start3A_60 = tpu.memref_squeeze %dma_start3A_59 : memref<1x1280x16xf32, #tpu.memory_space<vmem>> -> memref<1280x16xf32, #tpu.memory_space<vmem>>
    %dma_start3A_61 = arith.constant 0 : i32
    %dma_start3A_62 = tpu.memref_slice %arg4[%add3A_54, %dma_start3A_61] : memref<819200x16xf32, #tpu.memory_space<hbm>> -> memref<1280x16xf32, #tpu.memory_space<hbm>>
    %dma_start3A_63 = tpu.memref_slice %arg8[%dma_start3A_56] : memref<4x!tpu.dma_semaphore, #tpu.memory_space<semaphore_mem>> -> memref<1x!tpu.dma_semaphore, #tpu.memory_space<semaphore_mem>>
    %dma_start3A_64 = tpu.memref_squeeze %dma_start3A_63 : memref<1x!tpu.dma_semaphore, #tpu.memory_space<semaphore_mem>> -> memref<!tpu.dma_semaphore, #tpu.memory_space<semaphore_mem>>
    %dma_start3A_65 = arith.constant 0 : i32
    %dma_start3A_66 = tpu.memref_slice %arg4[%add3A_54, %dma_start3A_65] : memref<819200x16xf32, #tpu.memory_space<hbm>> -> memref<1280x16xf32, #tpu.memory_space<hbm>>
    %dma_start3A_67 = arith.constant 0 : i32
    %dma_start3A_68 = arith.constant 0 : i32
    %dma_start3A_69 = tpu.memref_slice %arg6[%dma_start3A_55, %dma_start3A_67, %dma_start3A_68] : memref<4x1280x16xf32, #tpu.memory_space<vmem>> -> memref<1x1280x16xf32, #tpu.memory_space<vmem>>
    %dma_start3A_70 = tpu.memref_squeeze %dma_start3A_69 : memref<1x1280x16xf32, #tpu.memory_space<vmem>> -> memref<1280x16xf32, #tpu.memory_space<vmem>>
    tpu.enqueue_dma source(%dma_start3A_70 : memref<1280x16xf32, #tpu.memory_space<vmem>>) target(%dma_start3A_66 : memref<1280x16xf32, #tpu.memory_space<hbm>>) target_semaphore(%dma_start3A_64 : memref<!tpu.dma_semaphore, #tpu.memory_space<semaphore_mem>>)
    %dma_start3A_71 = arith.constant 3 : i32
    %dma_start3A_72 = arith.constant 3 : i32
    %dma_start3A_73 = arith.constant 0 : i32
    %dma_start3A_74 = arith.constant 0 : i32
    %dma_start3A_75 = tpu.memref_slice %arg6[%dma_start3A_71, %dma_start3A_73, %dma_start3A_74] : memref<4x1280x16xf32, #tpu.memory_space<vmem>> -> memref<1x1280x16xf32, #tpu.memory_space<vmem>>
    %dma_start3A_76 = tpu.memref_squeeze %dma_start3A_75 : memref<1x1280x16xf32, #tpu.memory_space<vmem>> -> memref<1280x16xf32, #tpu.memory_space<vmem>>
    %dma_start3A_77 = arith.constant 3840 : i32
    %dma_start3A_78 = tpu.memref_slice %arg5[%dma_start3A_77] : memref<25600xi32, #tpu.memory_space<vmem>> -> memref<1280xi32, #tpu.memory_space<vmem>>
    %dma_start3A_79 = arith.constant 0 : i32
    %dma_start3A_80 = arith.constant 0 : i32
    %dma_start3A_81 = tpu.memref_slice %arg3[%dma_start3A_79, %dma_start3A_80] : memref<1000000x16xf32, #tpu.memory_space<hbm>> -> memref<1000000x16xf32, #tpu.memory_space<hbm>>
    %dma_start3A_82 = tpu.memref_slice %arg7[%dma_start3A_72] : memref<4x!tpu.dma_semaphore, #tpu.memory_space<semaphore_mem>> -> memref<1x!tpu.dma_semaphore, #tpu.memory_space<semaphore_mem>>
    %dma_start3A_83 = tpu.memref_squeeze %dma_start3A_82 : memref<1x!tpu.dma_semaphore, #tpu.memory_space<semaphore_mem>> -> memref<!tpu.dma_semaphore, #tpu.memory_space<semaphore_mem>>
    tpu.enqueue_indirect_dma source(%dma_start3A_81 : memref<1000000x16xf32, #tpu.memory_space<hbm>>) target(%dma_start3A_76 : memref<1280x16xf32, #tpu.memory_space<vmem>>) offsets(%dma_start3A_78 : memref<1280xi32, #tpu.memory_space<vmem>>) semaphore(%dma_start3A_83 : memref<!tpu.dma_semaphore, #tpu.memory_space<semaphore_mem>>)
    %dma_wait3A_84 = arith.constant 1 : i32
    %dma_wait3A_85 = arith.constant 1 : i32
    %dma_wait3A_86 = arith.constant 0 : i32
    %dma_wait3A_87 = arith.constant 0 : i32
    %dma_wait3A_88 = tpu.memref_slice %arg6[%dma_wait3A_84, %dma_wait3A_86, %dma_wait3A_87] : memref<4x1280x16xf32, #tpu.memory_space<vmem>> -> memref<1x1280x16xf32, #tpu.memory_space<vmem>>
    %dma_wait3A_89 = tpu.memref_squeeze %dma_wait3A_88 : memref<1x1280x16xf32, #tpu.memory_space<vmem>> -> memref<1280x16xf32, #tpu.memory_space<vmem>>
    %dma_wait3A_90 = arith.constant 1280 : i32
    %dma_wait3A_91 = tpu.memref_slice %arg5[%dma_wait3A_90] : memref<25600xi32, #tpu.memory_space<vmem>> -> memref<1280xi32, #tpu.memory_space<vmem>>
    %dma_wait3A_92 = arith.constant 0 : i32
    %dma_wait3A_93 = arith.constant 0 : i32
    %dma_wait3A_94 = tpu.memref_slice %arg3[%dma_wait3A_92, %dma_wait3A_93] : memref<1000000x16xf32, #tpu.memory_space<hbm>> -> memref<1000000x16xf32, #tpu.memory_space<hbm>>
    %dma_wait3A_95 = tpu.memref_slice %arg7[%dma_wait3A_85] : memref<4x!tpu.dma_semaphore, #tpu.memory_space<semaphore_mem>> -> memref<1x!tpu.dma_semaphore, #tpu.memory_space<semaphore_mem>>
    %dma_wait3A_96 = tpu.memref_squeeze %dma_wait3A_95 : memref<1x!tpu.dma_semaphore, #tpu.memory_space<semaphore_mem>> -> memref<!tpu.dma_semaphore, #tpu.memory_space<semaphore_mem>>
    tpu.wait_indirect_dma semaphore(%dma_wait3A_96 : memref<!tpu.dma_semaphore, #tpu.memory_space<semaphore_mem>>) src(%dma_wait3A_94 : memref<1000000x16xf32, #tpu.memory_space<hbm>>) dst(%dma_wait3A_89 : memref<1280x16xf32, #tpu.memory_space<vmem>>)
    %add3A_97 = arith.constant 1280 : i32
    %add3A_98 = arith.addi %mul3A_2, %add3A_97 : i32
    %dma_start3A_99 = arith.constant 1 : i32
    %dma_start3A_100 = arith.constant 1 : i32
    %dma_start3A_101 = arith.constant 0 : i32
    %dma_start3A_102 = arith.constant 0 : i32
    %dma_start3A_103 = tpu.memref_slice %arg6[%dma_start3A_99, %dma_start3A_101, %dma_start3A_102] : memref<4x1280x16xf32, #tpu.memory_space<vmem>> -> memref<1x1280x16xf32, #tpu.memory_space<vmem>>
    %dma_start3A_104 = tpu.memref_squeeze %dma_start3A_103 : memref<1x1280x16xf32, #tpu.memory_space<vmem>> -> memref<1280x16xf32, #tpu.memory_space<vmem>>
    %dma_start3A_105 = arith.constant 0 : i32
    %dma_start3A_106 = tpu.memref_slice %arg4[%add3A_98, %dma_start3A_105] : memref<819200x16xf32, #tpu.memory_space<hbm>> -> memref<1280x16xf32, #tpu.memory_space<hbm>>
    %dma_start3A_107 = tpu.memref_slice %arg8[%dma_start3A_100] : memref<4x!tpu.dma_semaphore, #tpu.memory_space<semaphore_mem>> -> memref<1x!tpu.dma_semaphore, #tpu.memory_space<semaphore_mem>>
    %dma_start3A_108 = tpu.memref_squeeze %dma_start3A_107 : memref<1x!tpu.dma_semaphore, #tpu.memory_space<semaphore_mem>> -> memref<!tpu.dma_semaphore, #tpu.memory_space<semaphore_mem>>
    %dma_start3A_109 = arith.constant 0 : i32
    %dma_start3A_110 = tpu.memref_slice %arg4[%add3A_98, %dma_start3A_109] : memref<819200x16xf32, #tpu.memory_space<hbm>> -> memref<1280x16xf32, #tpu.memory_space<hbm>>
    %dma_start3A_111 = arith.constant 0 : i32
    %dma_start3A_112 = arith.constant 0 : i32
    %dma_start3A_113 = tpu.memref_slice %arg6[%dma_start3A_99, %dma_start3A_111, %dma_start3A_112] : memref<4x1280x16xf32, #tpu.memory_space<vmem>> -> memref<1x1280x16xf32, #tpu.memory_space<vmem>>
    %dma_start3A_114 = tpu.memref_squeeze %dma_start3A_113 : memref<1x1280x16xf32, #tpu.memory_space<vmem>> -> memref<1280x16xf32, #tpu.memory_space<vmem>>
    tpu.enqueue_dma source(%dma_start3A_114 : memref<1280x16xf32, #tpu.memory_space<vmem>>) target(%dma_start3A_110 : memref<1280x16xf32, #tpu.memory_space<hbm>>) target_semaphore(%dma_start3A_108 : memref<!tpu.dma_semaphore, #tpu.memory_space<semaphore_mem>>)
    %dma_wait3A_115 = arith.constant 0 : i32
    %dma_wait3A_116 = arith.constant 0 : i32
    %dma_wait3A_117 = arith.constant 0 : i32
    %dma_wait3A_118 = arith.constant 0 : i32
    %dma_wait3A_119 = tpu.memref_slice %arg6[%dma_wait3A_115, %dma_wait3A_117, %dma_wait3A_118] : memref<4x1280x16xf32, #tpu.memory_space<vmem>> -> memref<1x1280x16xf32, #tpu.memory_space<vmem>>
    %dma_wait3A_120 = tpu.memref_squeeze %dma_wait3A_119 : memref<1x1280x16xf32, #tpu.memory_space<vmem>> -> memref<1280x16xf32, #tpu.memory_space<vmem>>
    %dma_wait3A_121 = arith.constant 0 : i32
    %dma_wait3A_122 = tpu.memref_slice %arg4[%add3A_54, %dma_wait3A_121] : memref<819200x16xf32, #tpu.memory_space<hbm>> -> memref<1280x16xf32, #tpu.memory_space<hbm>>
    %dma_wait3A_123 = tpu.memref_slice %arg8[%dma_wait3A_116] : memref<4x!tpu.dma_semaphore, #tpu.memory_space<semaphore_mem>> -> memref<1x!tpu.dma_semaphore, #tpu.memory_space<semaphore_mem>>
    %dma_wait3A_124 = tpu.memref_squeeze %dma_wait3A_123 : memref<1x!tpu.dma_semaphore, #tpu.memory_space<semaphore_mem>> -> memref<!tpu.dma_semaphore, #tpu.memory_space<semaphore_mem>>
    %dma_wait3A_125 = arith.constant 0 : i32
    %dma_wait3A_126 = tpu.memref_slice %arg4[%add3A_54, %dma_wait3A_125] : memref<819200x16xf32, #tpu.memory_space<hbm>> -> memref<1280x16xf32, #tpu.memory_space<hbm>>
    %dma_wait3A_127 = arith.constant 0 : i32
    %dma_wait3A_128 = arith.constant 0 : i32
    %dma_wait3A_129 = tpu.memref_slice %arg6[%dma_wait3A_115, %dma_wait3A_127, %dma_wait3A_128] : memref<4x1280x16xf32, #tpu.memory_space<vmem>> -> memref<1x1280x16xf32, #tpu.memory_space<vmem>>
    %dma_wait3A_130 = tpu.memref_squeeze %dma_wait3A_129 : memref<1x1280x16xf32, #tpu.memory_space<vmem>> -> memref<1280x16xf32, #tpu.memory_space<vmem>>
    tpu.wait_dma2 semaphore(%dma_wait3A_124 : memref<!tpu.dma_semaphore, #tpu.memory_space<semaphore_mem>>) src(%dma_wait3A_130 : memref<1280x16xf32, #tpu.memory_space<vmem>>) dst(%dma_wait3A_126 : memref<1280x16xf32, #tpu.memory_space<hbm>>)
    %dma_start3A_131 = arith.constant 0 : i32
    %dma_start3A_132 = arith.constant 0 : i32
    %dma_start3A_133 = arith.constant 0 : i32
    %dma_start3A_134 = arith.constant 0 : i32
    %dma_start3A_135 = tpu.memref_slice %arg6[%dma_start3A_131, %dma_start3A_133, %dma_start3A_134] : memref<4x1280x16xf32, #tpu.memory_space<vmem>> -> memref<1x1280x16xf32, #tpu.memory_space<vmem>>
    %dma_start3A_136 = tpu.memref_squeeze %dma_start3A_135 : memref<1x1280x16xf32, #tpu.memory_space<vmem>> -> memref<1280x16xf32, #tpu.memory_space<vmem>>
    %dma_start3A_137 = arith.constant 5120 : i32
    %dma_start3A_138 = tpu.memref_slice %arg5[%dma_start3A_137] : memref<25600xi32, #tpu.memory_space<vmem>> -> memref<1280xi32, #tpu.memory_space<vmem>>
    %dma_start3A_139 = arith.constant 0 : i32
    %dma_start3A_140 = arith.constant 0 : i32
    %dma_start3A_141 = tpu.memref_slice %arg3[%dma_start3A_139, %dma_start3A_140] : memref<1000000x16xf32, #tpu.memory_space<hbm>> -> memref<1000000x16xf32, #tpu.memory_space<hbm>>
    %dma_start3A_142 = tpu.memref_slice %arg7[%dma_start3A_132] : memref<4x!tpu.dma_semaphore, #tpu.memory_space<semaphore_mem>> -> memref<1x!tpu.dma_semaphore, #tpu.memory_space<semaphore_mem>>
    %dma_start3A_143 = tpu.memref_squeeze %dma_start3A_142 : memref<1x!tpu.dma_semaphore, #tpu.memory_space<semaphore_mem>> -> memref<!tpu.dma_semaphore, #tpu.memory_space<semaphore_mem>>
    tpu.enqueue_indirect_dma source(%dma_start3A_141 : memref<1000000x16xf32, #tpu.memory_space<hbm>>) target(%dma_start3A_136 : memref<1280x16xf32, #tpu.memory_space<vmem>>) offsets(%dma_start3A_138 : memref<1280xi32, #tpu.memory_space<vmem>>) semaphore(%dma_start3A_143 : memref<!tpu.dma_semaphore, #tpu.memory_space<semaphore_mem>>)
    %dma_wait3A_144 = arith.constant 2 : i32
    %dma_wait3A_145 = arith.constant 2 : i32
    %dma_wait3A_146 = arith.constant 0 : i32
    %dma_wait3A_147 = arith.constant 0 : i32
    %dma_wait3A_148 = tpu.memref_slice %arg6[%dma_wait3A_144, %dma_wait3A_146, %dma_wait3A_147] : memref<4x1280x16xf32, #tpu.memory_space<vmem>> -> memref<1x1280x16xf32, #tpu.memory_space<vmem>>
    %dma_wait3A_149 = tpu.memref_squeeze %dma_wait3A_148 : memref<1x1280x16xf32, #tpu.memory_space<vmem>> -> memref<1280x16xf32, #tpu.memory_space<vmem>>
    %dma_wait3A_150 = arith.constant 2560 : i32
    %dma_wait3A_151 = tpu.memref_slice %arg5[%dma_wait3A_150] : memref<25600xi32, #tpu.memory_space<vmem>> -> memref<1280xi32, #tpu.memory_space<vmem>>
    %dma_wait3A_152 = arith.constant 0 : i32
    %dma_wait3A_153 = arith.constant 0 : i32
    %dma_wait3A_154 = tpu.memref_slice %arg3[%dma_wait3A_152, %dma_wait3A_153] : memref<1000000x16xf32, #tpu.memory_space<hbm>> -> memref<1000000x16xf32, #tpu.memory_space<hbm>>
    %dma_wait3A_155 = tpu.memref_slice %arg7[%dma_wait3A_145] : memref<4x!tpu.dma_semaphore, #tpu.memory_space<semaphore_mem>> -> memref<1x!tpu.dma_semaphore, #tpu.memory_space<semaphore_mem>>
    %dma_wait3A_156 = tpu.memref_squeeze %dma_wait3A_155 : memref<1x!tpu.dma_semaphore, #tpu.memory_space<semaphore_mem>> -> memref<!tpu.dma_semaphore, #tpu.memory_space<semaphore_mem>>
    tpu.wait_indirect_dma semaphore(%dma_wait3A_156 : memref<!tpu.dma_semaphore, #tpu.memory_space<semaphore_mem>>) src(%dma_wait3A_154 : memref<1000000x16xf32, #tpu.memory_space<hbm>>) dst(%dma_wait3A_149 : memref<1280x16xf32, #tpu.memory_space<vmem>>)
    %add3A_157 = arith.constant 2560 : i32
    %add3A_158 = arith.addi %mul3A_2, %add3A_157 : i32
    %dma_start3A_159 = arith.constant 2 : i32
    %dma_start3A_160 = arith.constant 2 : i32
    %dma_start3A_161 = arith.constant 0 : i32
    %dma_start3A_162 = arith.constant 0 : i32
    %dma_start3A_163 = tpu.memref_slice %arg6[%dma_start3A_159, %dma_start3A_161, %dma_start3A_162] : memref<4x1280x16xf32, #tpu.memory_space<vmem>> -> memref<1x1280x16xf32, #tpu.memory_space<vmem>>
    %dma_start3A_164 = tpu.memref_squeeze %dma_start3A_163 : memref<1x1280x16xf32, #tpu.memory_space<vmem>> -> memref<1280x16xf32, #tpu.memory_space<vmem>>
    %dma_start3A_165 = arith.constant 0 : i32
    %dma_start3A_166 = tpu.memref_slice %arg4[%add3A_158, %dma_start3A_165] : memref<819200x16xf32, #tpu.memory_space<hbm>> -> memref<1280x16xf32, #tpu.memory_space<hbm>>
    %dma_start3A_167 = tpu.memref_slice %arg8[%dma_start3A_160] : memref<4x!tpu.dma_semaphore, #tpu.memory_space<semaphore_mem>> -> memref<1x!tpu.dma_semaphore, #tpu.memory_space<semaphore_mem>>
    %dma_start3A_168 = tpu.memref_squeeze %dma_start3A_167 : memref<1x!tpu.dma_semaphore, #tpu.memory_space<semaphore_mem>> -> memref<!tpu.dma_semaphore, #tpu.memory_space<semaphore_mem>>
    %dma_start3A_169 = arith.constant 0 : i32
    %dma_start3A_170 = tpu.memref_slice %arg4[%add3A_158, %dma_start3A_169] : memref<819200x16xf32, #tpu.memory_space<hbm>> -> memref<1280x16xf32, #tpu.memory_space<hbm>>
    %dma_start3A_171 = arith.constant 0 : i32
    %dma_start3A_172 = arith.constant 0 : i32
    %dma_start3A_173 = tpu.memref_slice %arg6[%dma_start3A_159, %dma_start3A_171, %dma_start3A_172] : memref<4x1280x16xf32, #tpu.memory_space<vmem>> -> memref<1x1280x16xf32, #tpu.memory_space<vmem>>
    %dma_start3A_174 = tpu.memref_squeeze %dma_start3A_173 : memref<1x1280x16xf32, #tpu.memory_space<vmem>> -> memref<1280x16xf32, #tpu.memory_space<vmem>>
    tpu.enqueue_dma source(%dma_start3A_174 : memref<1280x16xf32, #tpu.memory_space<vmem>>) target(%dma_start3A_170 : memref<1280x16xf32, #tpu.memory_space<hbm>>) target_semaphore(%dma_start3A_168 : memref<!tpu.dma_semaphore, #tpu.memory_space<semaphore_mem>>)
    %dma_wait3A_175 = arith.constant 1 : i32
    %dma_wait3A_176 = arith.constant 1 : i32
    %dma_wait3A_177 = arith.constant 0 : i32
    %dma_wait3A_178 = arith.constant 0 : i32
    %dma_wait3A_179 = tpu.memref_slice %arg6[%dma_wait3A_175, %dma_wait3A_177, %dma_wait3A_178] : memref<4x1280x16xf32, #tpu.memory_space<vmem>> -> memref<1x1280x16xf32, #tpu.memory_space<vmem>>
    %dma_wait3A_180 = tpu.memref_squeeze %dma_wait3A_179 : memref<1x1280x16xf32, #tpu.memory_space<vmem>> -> memref<1280x16xf32, #tpu.memory_space<vmem>>
    %dma_wait3A_181 = arith.constant 0 : i32
    %dma_wait3A_182 = tpu.memref_slice %arg4[%add3A_98, %dma_wait3A_181] : memref<819200x16xf32, #tpu.memory_space<hbm>> -> memref<1280x16xf32, #tpu.memory_space<hbm>>
    %dma_wait3A_183 = tpu.memref_slice %arg8[%dma_wait3A_176] : memref<4x!tpu.dma_semaphore, #tpu.memory_space<semaphore_mem>> -> memref<1x!tpu.dma_semaphore, #tpu.memory_space<semaphore_mem>>
    %dma_wait3A_184 = tpu.memref_squeeze %dma_wait3A_183 : memref<1x!tpu.dma_semaphore, #tpu.memory_space<semaphore_mem>> -> memref<!tpu.dma_semaphore, #tpu.memory_space<semaphore_mem>>
    %dma_wait3A_185 = arith.constant 0 : i32
    %dma_wait3A_186 = tpu.memref_slice %arg4[%add3A_98, %dma_wait3A_185] : memref<819200x16xf32, #tpu.memory_space<hbm>> -> memref<1280x16xf32, #tpu.memory_space<hbm>>
    %dma_wait3A_187 = arith.constant 0 : i32
    %dma_wait3A_188 = arith.constant 0 : i32
    %dma_wait3A_189 = tpu.memref_slice %arg6[%dma_wait3A_175, %dma_wait3A_187, %dma_wait3A_188] : memref<4x1280x16xf32, #tpu.memory_space<vmem>> -> memref<1x1280x16xf32, #tpu.memory_space<vmem>>
    %dma_wait3A_190 = tpu.memref_squeeze %dma_wait3A_189 : memref<1x1280x16xf32, #tpu.memory_space<vmem>> -> memref<1280x16xf32, #tpu.memory_space<vmem>>
    tpu.wait_dma2 semaphore(%dma_wait3A_184 : memref<!tpu.dma_semaphore, #tpu.memory_space<semaphore_mem>>) src(%dma_wait3A_190 : memref<1280x16xf32, #tpu.memory_space<vmem>>) dst(%dma_wait3A_186 : memref<1280x16xf32, #tpu.memory_space<hbm>>)
    %dma_start3A_191 = arith.constant 1 : i32
    %dma_start3A_192 = arith.constant 1 : i32
    %dma_start3A_193 = arith.constant 0 : i32
    %dma_start3A_194 = arith.constant 0 : i32
    %dma_start3A_195 = tpu.memref_slice %arg6[%dma_start3A_191, %dma_start3A_193, %dma_start3A_194] : memref<4x1280x16xf32, #tpu.memory_space<vmem>> -> memref<1x1280x16xf32, #tpu.memory_space<vmem>>
    %dma_start3A_196 = tpu.memref_squeeze %dma_start3A_195 : memref<1x1280x16xf32, #tpu.memory_space<vmem>> -> memref<1280x16xf32, #tpu.memory_space<vmem>>
    %dma_start3A_197 = arith.constant 6400 : i32
    %dma_start3A_198 = tpu.memref_slice %arg5[%dma_start3A_197] : memref<25600xi32, #tpu.memory_space<vmem>> -> memref<1280xi32, #tpu.memory_space<vmem>>
    %dma_start3A_199 = arith.constant 0 : i32
    %dma_start3A_200 = arith.constant 0 : i32
    %dma_start3A_201 = tpu.memref_slice %arg3[%dma_start3A_199, %dma_start3A_200] : memref<1000000x16xf32, #tpu.memory_space<hbm>> -> memref<1000000x16xf32, #tpu.memory_space<hbm>>
    %dma_start3A_202 = tpu.memref_slice %arg7[%dma_start3A_192] : memref<4x!tpu.dma_semaphore, #tpu.memory_space<semaphore_mem>> -> memref<1x!tpu.dma_semaphore, #tpu.memory_space<semaphore_mem>>
    %dma_start3A_203 = tpu.memref_squeeze %dma_start3A_202 : memref<1x!tpu.dma_semaphore, #tpu.memory_space<semaphore_mem>> -> memref<!tpu.dma_semaphore, #tpu.memory_space<semaphore_mem>>
    tpu.enqueue_indirect_dma source(%dma_start3A_201 : memref<1000000x16xf32, #tpu.memory_space<hbm>>) target(%dma_start3A_196 : memref<1280x16xf32, #tpu.memory_space<vmem>>) offsets(%dma_start3A_198 : memref<1280xi32, #tpu.memory_space<vmem>>) semaphore(%dma_start3A_203 : memref<!tpu.dma_semaphore, #tpu.memory_space<semaphore_mem>>)
    %dma_wait3A_204 = arith.constant 3 : i32
    %dma_wait3A_205 = arith.constant 3 : i32
    %dma_wait3A_206 = arith.constant 0 : i32
    %dma_wait3A_207 = arith.constant 0 : i32
    %dma_wait3A_208 = tpu.memref_slice %arg6[%dma_wait3A_204, %dma_wait3A_206, %dma_wait3A_207] : memref<4x1280x16xf32, #tpu.memory_space<vmem>> -> memref<1x1280x16xf32, #tpu.memory_space<vmem>>
    %dma_wait3A_209 = tpu.memref_squeeze %dma_wait3A_208 : memref<1x1280x16xf32, #tpu.memory_space<vmem>> -> memref<1280x16xf32, #tpu.memory_space<vmem>>
    %dma_wait3A_210 = arith.constant 3840 : i32
    %dma_wait3A_211 = tpu.memref_slice %arg5[%dma_wait3A_210] : memref<25600xi32, #tpu.memory_space<vmem>> -> memref<1280xi32, #tpu.memory_space<vmem>>
    %dma_wait3A_212 = arith.constant 0 : i32
    %dma_wait3A_213 = arith.constant 0 : i32
    %dma_wait3A_214 = tpu.memref_slice %arg3[%dma_wait3A_212, %dma_wait3A_213] : memref<1000000x16xf32, #tpu.memory_space<hbm>> -> memref<1000000x16xf32, #tpu.memory_space<hbm>>
    %dma_wait3A_215 = tpu.memref_slice %arg7[%dma_wait3A_205] : memref<4x!tpu.dma_semaphore, #tpu.memory_space<semaphore_mem>> -> memref<1x!tpu.dma_semaphore, #tpu.memory_space<semaphore_mem>>
    %dma_wait3A_216 = tpu.memref_squeeze %dma_wait3A_215 : memref<1x!tpu.dma_semaphore, #tpu.memory_space<semaphore_mem>> -> memref<!tpu.dma_semaphore, #tpu.memory_space<semaphore_mem>>
    tpu.wait_indirect_dma semaphore(%dma_wait3A_216 : memref<!tpu.dma_semaphore, #tpu.memory_space<semaphore_mem>>) src(%dma_wait3A_214 : memref<1000000x16xf32, #tpu.memory_space<hbm>>) dst(%dma_wait3A_209 : memref<1280x16xf32, #tpu.memory_space<vmem>>)
    %add3A_217 = arith.constant 3840 : i32
    %add3A_218 = arith.addi %mul3A_2, %add3A_217 : i32
    %dma_start3A_219 = arith.constant 3 : i32
    %dma_start3A_220 = arith.constant 3 : i32
    %dma_start3A_221 = arith.constant 0 : i32
    %dma_start3A_222 = arith.constant 0 : i32
    %dma_start3A_223 = tpu.memref_slice %arg6[%dma_start3A_219, %dma_start3A_221, %dma_start3A_222] : memref<4x1280x16xf32, #tpu.memory_space<vmem>> -> memref<1x1280x16xf32, #tpu.memory_space<vmem>>
    %dma_start3A_224 = tpu.memref_squeeze %dma_start3A_223 : memref<1x1280x16xf32, #tpu.memory_space<vmem>> -> memref<1280x16xf32, #tpu.memory_space<vmem>>
    %dma_start3A_225 = arith.constant 0 : i32
    %dma_start3A_226 = tpu.memref_slice %arg4[%add3A_218, %dma_start3A_225] : memref<819200x16xf32, #tpu.memory_space<hbm>> -> memref<1280x16xf32, #tpu.memory_space<hbm>>
    %dma_start3A_227 = tpu.memref_slice %arg8[%dma_start3A_220] : memref<4x!tpu.dma_semaphore, #tpu.memory_space<semaphore_mem>> -> memref<1x!tpu.dma_semaphore, #tpu.memory_space<semaphore_mem>>
    %dma_start3A_228 = tpu.memref_squeeze %dma_start3A_227 : memref<1x!tpu.dma_semaphore, #tpu.memory_space<semaphore_mem>> -> memref<!tpu.dma_semaphore, #tpu.memory_space<semaphore_mem>>
    %dma_start3A_229 = arith.constant 0 : i32
    %dma_start3A_230 = tpu.memref_slice %arg4[%add3A_218, %dma_start3A_229] : memref<819200x16xf32, #tpu.memory_space<hbm>> -> memref<1280x16xf32, #tpu.memory_space<hbm>>
    %dma_start3A_231 = arith.constant 0 : i32
    %dma_start3A_232 = arith.constant 0 : i32
    %dma_start3A_233 = tpu.memref_slice %arg6[%dma_start3A_219, %dma_start3A_231, %dma_start3A_232] : memref<4x1280x16xf32, #tpu.memory_space<vmem>> -> memref<1x1280x16xf32, #tpu.memory_space<vmem>>
    %dma_start3A_234 = tpu.memref_squeeze %dma_start3A_233 : memref<1x1280x16xf32, #tpu.memory_space<vmem>> -> memref<1280x16xf32, #tpu.memory_space<vmem>>
    tpu.enqueue_dma source(%dma_start3A_234 : memref<1280x16xf32, #tpu.memory_space<vmem>>) target(%dma_start3A_230 : memref<1280x16xf32, #tpu.memory_space<hbm>>) target_semaphore(%dma_start3A_228 : memref<!tpu.dma_semaphore, #tpu.memory_space<semaphore_mem>>)
    %dma_wait3A_235 = arith.constant 2 : i32
    %dma_wait3A_236 = arith.constant 2 : i32
    %dma_wait3A_237 = arith.constant 0 : i32
    %dma_wait3A_238 = arith.constant 0 : i32
    %dma_wait3A_239 = tpu.memref_slice %arg6[%dma_wait3A_235, %dma_wait3A_237, %dma_wait3A_238] : memref<4x1280x16xf32, #tpu.memory_space<vmem>> -> memref<1x1280x16xf32, #tpu.memory_space<vmem>>
    %dma_wait3A_240 = tpu.memref_squeeze %dma_wait3A_239 : memref<1x1280x16xf32, #tpu.memory_space<vmem>> -> memref<1280x16xf32, #tpu.memory_space<vmem>>
    %dma_wait3A_241 = arith.constant 0 : i32
    %dma_wait3A_242 = tpu.memref_slice %arg4[%add3A_158, %dma_wait3A_241] : memref<819200x16xf32, #tpu.memory_space<hbm>> -> memref<1280x16xf32, #tpu.memory_space<hbm>>
    %dma_wait3A_243 = tpu.memref_slice %arg8[%dma_wait3A_236] : memref<4x!tpu.dma_semaphore, #tpu.memory_space<semaphore_mem>> -> memref<1x!tpu.dma_semaphore, #tpu.memory_space<semaphore_mem>>
    %dma_wait3A_244 = tpu.memref_squeeze %dma_wait3A_243 : memref<1x!tpu.dma_semaphore, #tpu.memory_space<semaphore_mem>> -> memref<!tpu.dma_semaphore, #tpu.memory_space<semaphore_mem>>
    %dma_wait3A_245 = arith.constant 0 : i32
    %dma_wait3A_246 = tpu.memref_slice %arg4[%add3A_158, %dma_wait3A_245] : memref<819200x16xf32, #tpu.memory_space<hbm>> -> memref<1280x16xf32, #tpu.memory_space<hbm>>
    %dma_wait3A_247 = arith.constant 0 : i32
    %dma_wait3A_248 = arith.constant 0 : i32
    %dma_wait3A_249 = tpu.memref_slice %arg6[%dma_wait3A_235, %dma_wait3A_247, %dma_wait3A_248] : memref<4x1280x16xf32, #tpu.memory_space<vmem>> -> memref<1x1280x16xf32, #tpu.memory_space<vmem>>
    %dma_wait3A_250 = tpu.memref_squeeze %dma_wait3A_249 : memref<1x1280x16xf32, #tpu.memory_space<vmem>> -> memref<1280x16xf32, #tpu.memory_space<vmem>>
    tpu.wait_dma2 semaphore(%dma_wait3A_244 : memref<!tpu.dma_semaphore, #tpu.memory_space<semaphore_mem>>) src(%dma_wait3A_250 : memref<1280x16xf32, #tpu.memory_space<vmem>>) dst(%dma_wait3A_246 : memref<1280x16xf32, #tpu.memory_space<hbm>>)
    %dma_start3A_251 = arith.constant 2 : i32
    %dma_start3A_252 = arith.constant 2 : i32
    %dma_start3A_253 = arith.constant 0 : i32
    %dma_start3A_254 = arith.constant 0 : i32
    %dma_start3A_255 = tpu.memref_slice %arg6[%dma_start3A_251, %dma_start3A_253, %dma_start3A_254] : memref<4x1280x16xf32, #tpu.memory_space<vmem>> -> memref<1x1280x16xf32, #tpu.memory_space<vmem>>
    %dma_start3A_256 = tpu.memref_squeeze %dma_start3A_255 : memref<1x1280x16xf32, #tpu.memory_space<vmem>> -> memref<1280x16xf32, #tpu.memory_space<vmem>>
    %dma_start3A_257 = arith.constant 7680 : i32
    %dma_start3A_258 = tpu.memref_slice %arg5[%dma_start3A_257] : memref<25600xi32, #tpu.memory_space<vmem>> -> memref<1280xi32, #tpu.memory_space<vmem>>
    %dma_start3A_259 = arith.constant 0 : i32
    %dma_start3A_260 = arith.constant 0 : i32
    %dma_start3A_261 = tpu.memref_slice %arg3[%dma_start3A_259, %dma_start3A_260] : memref<1000000x16xf32, #tpu.memory_space<hbm>> -> memref<1000000x16xf32, #tpu.memory_space<hbm>>
    %dma_start3A_262 = tpu.memref_slice %arg7[%dma_start3A_252] : memref<4x!tpu.dma_semaphore, #tpu.memory_space<semaphore_mem>> -> memref<1x!tpu.dma_semaphore, #tpu.memory_space<semaphore_mem>>
    %dma_start3A_263 = tpu.memref_squeeze %dma_start3A_262 : memref<1x!tpu.dma_semaphore, #tpu.memory_space<semaphore_mem>> -> memref<!tpu.dma_semaphore, #tpu.memory_space<semaphore_mem>>
    tpu.enqueue_indirect_dma source(%dma_start3A_261 : memref<1000000x16xf32, #tpu.memory_space<hbm>>) target(%dma_start3A_256 : memref<1280x16xf32, #tpu.memory_space<vmem>>) offsets(%dma_start3A_258 : memref<1280xi32, #tpu.memory_space<vmem>>) semaphore(%dma_start3A_263 : memref<!tpu.dma_semaphore, #tpu.memory_space<semaphore_mem>>)
    %dma_wait3A_264 = arith.constant 0 : i32
    %dma_wait3A_265 = arith.constant 0 : i32
    %dma_wait3A_266 = arith.constant 0 : i32
    %dma_wait3A_267 = arith.constant 0 : i32
    %dma_wait3A_268 = tpu.memref_slice %arg6[%dma_wait3A_264, %dma_wait3A_266, %dma_wait3A_267] : memref<4x1280x16xf32, #tpu.memory_space<vmem>> -> memref<1x1280x16xf32, #tpu.memory_space<vmem>>
    %dma_wait3A_269 = tpu.memref_squeeze %dma_wait3A_268 : memref<1x1280x16xf32, #tpu.memory_space<vmem>> -> memref<1280x16xf32, #tpu.memory_space<vmem>>
    %dma_wait3A_270 = arith.constant 5120 : i32
    %dma_wait3A_271 = tpu.memref_slice %arg5[%dma_wait3A_270] : memref<25600xi32, #tpu.memory_space<vmem>> -> memref<1280xi32, #tpu.memory_space<vmem>>
    %dma_wait3A_272 = arith.constant 0 : i32
    %dma_wait3A_273 = arith.constant 0 : i32
    %dma_wait3A_274 = tpu.memref_slice %arg3[%dma_wait3A_272, %dma_wait3A_273] : memref<1000000x16xf32, #tpu.memory_space<hbm>> -> memref<1000000x16xf32, #tpu.memory_space<hbm>>
    %dma_wait3A_275 = tpu.memref_slice %arg7[%dma_wait3A_265] : memref<4x!tpu.dma_semaphore, #tpu.memory_space<semaphore_mem>> -> memref<1x!tpu.dma_semaphore, #tpu.memory_space<semaphore_mem>>
    %dma_wait3A_276 = tpu.memref_squeeze %dma_wait3A_275 : memref<1x!tpu.dma_semaphore, #tpu.memory_space<semaphore_mem>> -> memref<!tpu.dma_semaphore, #tpu.memory_space<semaphore_mem>>
    tpu.wait_indirect_dma semaphore(%dma_wait3A_276 : memref<!tpu.dma_semaphore, #tpu.memory_space<semaphore_mem>>) src(%dma_wait3A_274 : memref<1000000x16xf32, #tpu.memory_space<hbm>>) dst(%dma_wait3A_269 : memref<1280x16xf32, #tpu.memory_space<vmem>>)
    %add3A_277 = arith.constant 5120 : i32
    %add3A_278 = arith.addi %mul3A_2, %add3A_277 : i32
    %dma_start3A_279 = arith.constant 0 : i32
    %dma_start3A_280 = arith.constant 0 : i32
    %dma_start3A_281 = arith.constant 0 : i32
    %dma_start3A_282 = arith.constant 0 : i32
    %dma_start3A_283 = tpu.memref_slice %arg6[%dma_start3A_279, %dma_start3A_281, %dma_start3A_282] : memref<4x1280x16xf32, #tpu.memory_space<vmem>> -> memref<1x1280x16xf32, #tpu.memory_space<vmem>>
    %dma_start3A_284 = tpu.memref_squeeze %dma_start3A_283 : memref<1x1280x16xf32, #tpu.memory_space<vmem>> -> memref<1280x16xf32, #tpu.memory_space<vmem>>
    %dma_start3A_285 = arith.constant 0 : i32
    %dma_start3A_286 = tpu.memref_slice %arg4[%add3A_278, %dma_start3A_285] : memref<819200x16xf32, #tpu.memory_space<hbm>> -> memref<1280x16xf32, #tpu.memory_space<hbm>>
    %dma_start3A_287 = tpu.memref_slice %arg8[%dma_start3A_280] : memref<4x!tpu.dma_semaphore, #tpu.memory_space<semaphore_mem>> -> memref<1x!tpu.dma_semaphore, #tpu.memory_space<semaphore_mem>>
    %dma_start3A_288 = tpu.memref_squeeze %dma_start3A_287 : memref<1x!tpu.dma_semaphore, #tpu.memory_space<semaphore_mem>> -> memref<!tpu.dma_semaphore, #tpu.memory_space<semaphore_mem>>
    %dma_start3A_289 = arith.constant 0 : i32
    %dma_start3A_290 = tpu.memref_slice %arg4[%add3A_278, %dma_start3A_289] : memref<819200x16xf32, #tpu.memory_space<hbm>> -> memref<1280x16xf32, #tpu.memory_space<hbm>>
    %dma_start3A_291 = arith.constant 0 : i32
    %dma_start3A_292 = arith.constant 0 : i32
    %dma_start3A_293 = tpu.memref_slice %arg6[%dma_start3A_279, %dma_start3A_291, %dma_start3A_292] : memref<4x1280x16xf32, #tpu.memory_space<vmem>> -> memref<1x1280x16xf32, #tpu.memory_space<vmem>>
    %dma_start3A_294 = tpu.memref_squeeze %dma_start3A_293 : memref<1x1280x16xf32, #tpu.memory_space<vmem>> -> memref<1280x16xf32, #tpu.memory_space<vmem>>
    tpu.enqueue_dma source(%dma_start3A_294 : memref<1280x16xf32, #tpu.memory_space<vmem>>) target(%dma_start3A_290 : memref<1280x16xf32, #tpu.memory_space<hbm>>) target_semaphore(%dma_start3A_288 : memref<!tpu.dma_semaphore, #tpu.memory_space<semaphore_mem>>)
    %dma_wait3A_295 = arith.constant 3 : i32
    %dma_wait3A_296 = arith.constant 3 : i32
    %dma_wait3A_297 = arith.constant 0 : i32
    %dma_wait3A_298 = arith.constant 0 : i32
    %dma_wait3A_299 = tpu.memref_slice %arg6[%dma_wait3A_295, %dma_wait3A_297, %dma_wait3A_298] : memref<4x1280x16xf32, #tpu.memory_space<vmem>> -> memref<1x1280x16xf32, #tpu.memory_space<vmem>>
    %dma_wait3A_300 = tpu.memref_squeeze %dma_wait3A_299 : memref<1x1280x16xf32, #tpu.memory_space<vmem>> -> memref<1280x16xf32, #tpu.memory_space<vmem>>
    %dma_wait3A_301 = arith.constant 0 : i32
    %dma_wait3A_302 = tpu.memref_slice %arg4[%add3A_218, %dma_wait3A_301] : memref<819200x16xf32, #tpu.memory_space<hbm>> -> memref<1280x16xf32, #tpu.memory_space<hbm>>
    %dma_wait3A_303 = tpu.memref_slice %arg8[%dma_wait3A_296] : memref<4x!tpu.dma_semaphore, #tpu.memory_space<semaphore_mem>> -> memref<1x!tpu.dma_semaphore, #tpu.memory_space<semaphore_mem>>
    %dma_wait3A_304 = tpu.memref_squeeze %dma_wait3A_303 : memref<1x!tpu.dma_semaphore, #tpu.memory_space<semaphore_mem>> -> memref<!tpu.dma_semaphore, #tpu.memory_space<semaphore_mem>>
    %dma_wait3A_305 = arith.constant 0 : i32
    %dma_wait3A_306 = tpu.memref_slice %arg4[%add3A_218, %dma_wait3A_305] : memref<819200x16xf32, #tpu.memory_space<hbm>> -> memref<1280x16xf32, #tpu.memory_space<hbm>>
    %dma_wait3A_307 = arith.constant 0 : i32
    %dma_wait3A_308 = arith.constant 0 : i32
    %dma_wait3A_309 = tpu.memref_slice %arg6[%dma_wait3A_295, %dma_wait3A_307, %dma_wait3A_308] : memref<4x1280x16xf32, #tpu.memory_space<vmem>> -> memref<1x1280x16xf32, #tpu.memory_space<vmem>>
    %dma_wait3A_310 = tpu.memref_squeeze %dma_wait3A_309 : memref<1x1280x16xf32, #tpu.memory_space<vmem>> -> memref<1280x16xf32, #tpu.memory_space<vmem>>
    tpu.wait_dma2 semaphore(%dma_wait3A_304 : memref<!tpu.dma_semaphore, #tpu.memory_space<semaphore_mem>>) src(%dma_wait3A_310 : memref<1280x16xf32, #tpu.memory_space<vmem>>) dst(%dma_wait3A_306 : memref<1280x16xf32, #tpu.memory_space<hbm>>)
    %dma_start3A_311 = arith.constant 3 : i32
    %dma_start3A_312 = arith.constant 3 : i32
    %dma_start3A_313 = arith.constant 0 : i32
    %dma_start3A_314 = arith.constant 0 : i32
    %dma_start3A_315 = tpu.memref_slice %arg6[%dma_start3A_311, %dma_start3A_313, %dma_start3A_314] : memref<4x1280x16xf32, #tpu.memory_space<vmem>> -> memref<1x1280x16xf32, #tpu.memory_space<vmem>>
    %dma_start3A_316 = tpu.memref_squeeze %dma_start3A_315 : memref<1x1280x16xf32, #tpu.memory_space<vmem>> -> memref<1280x16xf32, #tpu.memory_space<vmem>>
    %dma_start3A_317 = arith.constant 8960 : i32
    %dma_start3A_318 = tpu.memref_slice %arg5[%dma_start3A_317] : memref<25600xi32, #tpu.memory_space<vmem>> -> memref<1280xi32, #tpu.memory_space<vmem>>
    %dma_start3A_319 = arith.constant 0 : i32
    %dma_start3A_320 = arith.constant 0 : i32
    %dma_start3A_321 = tpu.memref_slice %arg3[%dma_start3A_319, %dma_start3A_320] : memref<1000000x16xf32, #tpu.memory_space<hbm>> -> memref<1000000x16xf32, #tpu.memory_space<hbm>>
    %dma_start3A_322 = tpu.memref_slice %arg7[%dma_start3A_312] : memref<4x!tpu.dma_semaphore, #tpu.memory_space<semaphore_mem>> -> memref<1x!tpu.dma_semaphore, #tpu.memory_space<semaphore_mem>>
    %dma_start3A_323 = tpu.memref_squeeze %dma_start3A_322 : memref<1x!tpu.dma_semaphore, #tpu.memory_space<semaphore_mem>> -> memref<!tpu.dma_semaphore, #tpu.memory_space<semaphore_mem>>
    tpu.enqueue_indirect_dma source(%dma_start3A_321 : memref<1000000x16xf32, #tpu.memory_space<hbm>>) target(%dma_start3A_316 : memref<1280x16xf32, #tpu.memory_space<vmem>>) offsets(%dma_start3A_318 : memref<1280xi32, #tpu.memory_space<vmem>>) semaphore(%dma_start3A_323 : memref<!tpu.dma_semaphore, #tpu.memory_space<semaphore_mem>>)
    %dma_wait3A_324 = arith.constant 1 : i32
    %dma_wait3A_325 = arith.constant 1 : i32
    %dma_wait3A_326 = arith.constant 0 : i32
    %dma_wait3A_327 = arith.constant 0 : i32
    %dma_wait3A_328 = tpu.memref_slice %arg6[%dma_wait3A_324, %dma_wait3A_326, %dma_wait3A_327] : memref<4x1280x16xf32, #tpu.memory_space<vmem>> -> memref<1x1280x16xf32, #tpu.memory_space<vmem>>
    %dma_wait3A_329 = tpu.memref_squeeze %dma_wait3A_328 : memref<1x1280x16xf32, #tpu.memory_space<vmem>> -> memref<1280x16xf32, #tpu.memory_space<vmem>>
    %dma_wait3A_330 = arith.constant 6400 : i32
    %dma_wait3A_331 = tpu.memref_slice %arg5[%dma_wait3A_330] : memref<25600xi32, #tpu.memory_space<vmem>> -> memref<1280xi32, #tpu.memory_space<vmem>>
    %dma_wait3A_332 = arith.constant 0 : i32
    %dma_wait3A_333 = arith.constant 0 : i32
    %dma_wait3A_334 = tpu.memref_slice %arg3[%dma_wait3A_332, %dma_wait3A_333] : memref<1000000x16xf32, #tpu.memory_space<hbm>> -> memref<1000000x16xf32, #tpu.memory_space<hbm>>
    %dma_wait3A_335 = tpu.memref_slice %arg7[%dma_wait3A_325] : memref<4x!tpu.dma_semaphore, #tpu.memory_space<semaphore_mem>> -> memref<1x!tpu.dma_semaphore, #tpu.memory_space<semaphore_mem>>
    %dma_wait3A_336 = tpu.memref_squeeze %dma_wait3A_335 : memref<1x!tpu.dma_semaphore, #tpu.memory_space<semaphore_mem>> -> memref<!tpu.dma_semaphore, #tpu.memory_space<semaphore_mem>>
    tpu.wait_indirect_dma semaphore(%dma_wait3A_336 : memref<!tpu.dma_semaphore, #tpu.memory_space<semaphore_mem>>) src(%dma_wait3A_334 : memref<1000000x16xf32, #tpu.memory_space<hbm>>) dst(%dma_wait3A_329 : memref<1280x16xf32, #tpu.memory_space<vmem>>)
    %add3A_337 = arith.constant 6400 : i32
    %add3A_338 = arith.addi %mul3A_2, %add3A_337 : i32
    %dma_start3A_339 = arith.constant 1 : i32
    %dma_start3A_340 = arith.constant 1 : i32
    %dma_start3A_341 = arith.constant 0 : i32
    %dma_start3A_342 = arith.constant 0 : i32
    %dma_start3A_343 = tpu.memref_slice %arg6[%dma_start3A_339, %dma_start3A_341, %dma_start3A_342] : memref<4x1280x16xf32, #tpu.memory_space<vmem>> -> memref<1x1280x16xf32, #tpu.memory_space<vmem>>
    %dma_start3A_344 = tpu.memref_squeeze %dma_start3A_343 : memref<1x1280x16xf32, #tpu.memory_space<vmem>> -> memref<1280x16xf32, #tpu.memory_space<vmem>>
    %dma_start3A_345 = arith.constant 0 : i32
    %dma_start3A_346 = tpu.memref_slice %arg4[%add3A_338, %dma_start3A_345] : memref<819200x16xf32, #tpu.memory_space<hbm>> -> memref<1280x16xf32, #tpu.memory_space<hbm>>
    %dma_start3A_347 = tpu.memref_slice %arg8[%dma_start3A_340] : memref<4x!tpu.dma_semaphore, #tpu.memory_space<semaphore_mem>> -> memref<1x!tpu.dma_semaphore, #tpu.memory_space<semaphore_mem>>
    %dma_start3A_348 = tpu.memref_squeeze %dma_start3A_347 : memref<1x!tpu.dma_semaphore, #tpu.memory_space<semaphore_mem>> -> memref<!tpu.dma_semaphore, #tpu.memory_space<semaphore_mem>>
    %dma_start3A_349 = arith.constant 0 : i32
    %dma_start3A_350 = tpu.memref_slice %arg4[%add3A_338, %dma_start3A_349] : memref<819200x16xf32, #tpu.memory_space<hbm>> -> memref<1280x16xf32, #tpu.memory_space<hbm>>
    %dma_start3A_351 = arith.constant 0 : i32
    %dma_start3A_352 = arith.constant 0 : i32
    %dma_start3A_353 = tpu.memref_slice %arg6[%dma_start3A_339, %dma_start3A_351, %dma_start3A_352] : memref<4x1280x16xf32, #tpu.memory_space<vmem>> -> memref<1x1280x16xf32, #tpu.memory_space<vmem>>
    %dma_start3A_354 = tpu.memref_squeeze %dma_start3A_353 : memref<1x1280x16xf32, #tpu.memory_space<vmem>> -> memref<1280x16xf32, #tpu.memory_space<vmem>>
    tpu.enqueue_dma source(%dma_start3A_354 : memref<1280x16xf32, #tpu.memory_space<vmem>>) target(%dma_start3A_350 : memref<1280x16xf32, #tpu.memory_space<hbm>>) target_semaphore(%dma_start3A_348 : memref<!tpu.dma_semaphore, #tpu.memory_space<semaphore_mem>>)
    %dma_wait3A_355 = arith.constant 0 : i32
    %dma_wait3A_356 = arith.constant 0 : i32
    %dma_wait3A_357 = arith.constant 0 : i32
    %dma_wait3A_358 = arith.constant 0 : i32
    %dma_wait3A_359 = tpu.memref_slice %arg6[%dma_wait3A_355, %dma_wait3A_357, %dma_wait3A_358] : memref<4x1280x16xf32, #tpu.memory_space<vmem>> -> memref<1x1280x16xf32, #tpu.memory_space<vmem>>
    %dma_wait3A_360 = tpu.memref_squeeze %dma_wait3A_359 : memref<1x1280x16xf32, #tpu.memory_space<vmem>> -> memref<1280x16xf32, #tpu.memory_space<vmem>>
    %dma_wait3A_361 = arith.constant 0 : i32
    %dma_wait3A_362 = tpu.memref_slice %arg4[%add3A_278, %dma_wait3A_361] : memref<819200x16xf32, #tpu.memory_space<hbm>> -> memref<1280x16xf32, #tpu.memory_space<hbm>>
    %dma_wait3A_363 = tpu.memref_slice %arg8[%dma_wait3A_356] : memref<4x!tpu.dma_semaphore, #tpu.memory_space<semaphore_mem>> -> memref<1x!tpu.dma_semaphore, #tpu.memory_space<semaphore_mem>>
    %dma_wait3A_364 = tpu.memref_squeeze %dma_wait3A_363 : memref<1x!tpu.dma_semaphore, #tpu.memory_space<semaphore_mem>> -> memref<!tpu.dma_semaphore, #tpu.memory_space<semaphore_mem>>
    %dma_wait3A_365 = arith.constant 0 : i32
    %dma_wait3A_366 = tpu.memref_slice %arg4[%add3A_278, %dma_wait3A_365] : memref<819200x16xf32, #tpu.memory_space<hbm>> -> memref<1280x16xf32, #tpu.memory_space<hbm>>
    %dma_wait3A_367 = arith.constant 0 : i32
    %dma_wait3A_368 = arith.constant 0 : i32
    %dma_wait3A_369 = tpu.memref_slice %arg6[%dma_wait3A_355, %dma_wait3A_367, %dma_wait3A_368] : memref<4x1280x16xf32, #tpu.memory_space<vmem>> -> memref<1x1280x16xf32, #tpu.memory_space<vmem>>
    %dma_wait3A_370 = tpu.memref_squeeze %dma_wait3A_369 : memref<1x1280x16xf32, #tpu.memory_space<vmem>> -> memref<1280x16xf32, #tpu.memory_space<vmem>>
    tpu.wait_dma2 semaphore(%dma_wait3A_364 : memref<!tpu.dma_semaphore, #tpu.memory_space<semaphore_mem>>) src(%dma_wait3A_370 : memref<1280x16xf32, #tpu.memory_space<vmem>>) dst(%dma_wait3A_366 : memref<1280x16xf32, #tpu.memory_space<hbm>>)
    %dma_start3A_371 = arith.constant 0 : i32
    %dma_start3A_372 = arith.constant 0 : i32
    %dma_start3A_373 = arith.constant 0 : i32
    %dma_start3A_374 = arith.constant 0 : i32
    %dma_start3A_375 = tpu.memref_slice %arg6[%dma_start3A_371, %dma_start3A_373, %dma_start3A_374] : memref<4x1280x16xf32, #tpu.memory_space<vmem>> -> memref<1x1280x16xf32, #tpu.memory_space<vmem>>
    %dma_start3A_376 = tpu.memref_squeeze %dma_start3A_375 : memref<1x1280x16xf32, #tpu.memory_space<vmem>> -> memref<1280x16xf32, #tpu.memory_space<vmem>>
    %dma_start3A_377 = arith.constant 10240 : i32
    %dma_start3A_378 = tpu.memref_slice %arg5[%dma_start3A_377] : memref<25600xi32, #tpu.memory_space<vmem>> -> memref<1280xi32, #tpu.memory_space<vmem>>
    %dma_start3A_379 = arith.constant 0 : i32
    %dma_start3A_380 = arith.constant 0 : i32
    %dma_start3A_381 = tpu.memref_slice %arg3[%dma_start3A_379, %dma_start3A_380] : memref<1000000x16xf32, #tpu.memory_space<hbm>> -> memref<1000000x16xf32, #tpu.memory_space<hbm>>
    %dma_start3A_382 = tpu.memref_slice %arg7[%dma_start3A_372] : memref<4x!tpu.dma_semaphore, #tpu.memory_space<semaphore_mem>> -> memref<1x!tpu.dma_semaphore, #tpu.memory_space<semaphore_mem>>
    %dma_start3A_383 = tpu.memref_squeeze %dma_start3A_382 : memref<1x!tpu.dma_semaphore, #tpu.memory_space<semaphore_mem>> -> memref<!tpu.dma_semaphore, #tpu.memory_space<semaphore_mem>>
    tpu.enqueue_indirect_dma source(%dma_start3A_381 : memref<1000000x16xf32, #tpu.memory_space<hbm>>) target(%dma_start3A_376 : memref<1280x16xf32, #tpu.memory_space<vmem>>) offsets(%dma_start3A_378 : memref<1280xi32, #tpu.memory_space<vmem>>) semaphore(%dma_start3A_383 : memref<!tpu.dma_semaphore, #tpu.memory_space<semaphore_mem>>)
    %dma_wait3A_384 = arith.constant 2 : i32
    %dma_wait3A_385 = arith.constant 2 : i32
    %dma_wait3A_386 = arith.constant 0 : i32
    %dma_wait3A_387 = arith.constant 0 : i32
    %dma_wait3A_388 = tpu.memref_slice %arg6[%dma_wait3A_384, %dma_wait3A_386, %dma_wait3A_387] : memref<4x1280x16xf32, #tpu.memory_space<vmem>> -> memref<1x1280x16xf32, #tpu.memory_space<vmem>>
    %dma_wait3A_389 = tpu.memref_squeeze %dma_wait3A_388 : memref<1x1280x16xf32, #tpu.memory_space<vmem>> -> memref<1280x16xf32, #tpu.memory_space<vmem>>
    %dma_wait3A_390 = arith.constant 7680 : i32
    %dma_wait3A_391 = tpu.memref_slice %arg5[%dma_wait3A_390] : memref<25600xi32, #tpu.memory_space<vmem>> -> memref<1280xi32, #tpu.memory_space<vmem>>
    %dma_wait3A_392 = arith.constant 0 : i32
    %dma_wait3A_393 = arith.constant 0 : i32
    %dma_wait3A_394 = tpu.memref_slice %arg3[%dma_wait3A_392, %dma_wait3A_393] : memref<1000000x16xf32, #tpu.memory_space<hbm>> -> memref<1000000x16xf32, #tpu.memory_space<hbm>>
    %dma_wait3A_395 = tpu.memref_slice %arg7[%dma_wait3A_385] : memref<4x!tpu.dma_semaphore, #tpu.memory_space<semaphore_mem>> -> memref<1x!tpu.dma_semaphore, #tpu.memory_space<semaphore_mem>>
    %dma_wait3A_396 = tpu.memref_squeeze %dma_wait3A_395 : memref<1x!tpu.dma_semaphore, #tpu.memory_space<semaphore_mem>> -> memref<!tpu.dma_semaphore, #tpu.memory_space<semaphore_mem>>
    tpu.wait_indirect_dma semaphore(%dma_wait3A_396 : memref<!tpu.dma_semaphore, #tpu.memory_space<semaphore_mem>>) src(%dma_wait3A_394 : memref<1000000x16xf32, #tpu.memory_space<hbm>>) dst(%dma_wait3A_389 : memref<1280x16xf32, #tpu.memory_space<vmem>>)
    %add3A_397 = arith.constant 7680 : i32
    %add3A_398 = arith.addi %mul3A_2, %add3A_397 : i32
    %dma_start3A_399 = arith.constant 2 : i32
    %dma_start3A_400 = arith.constant 2 : i32
    %dma_start3A_401 = arith.constant 0 : i32
    %dma_start3A_402 = arith.constant 0 : i32
    %dma_start3A_403 = tpu.memref_slice %arg6[%dma_start3A_399, %dma_start3A_401, %dma_start3A_402] : memref<4x1280x16xf32, #tpu.memory_space<vmem>> -> memref<1x1280x16xf32, #tpu.memory_space<vmem>>
    %dma_start3A_404 = tpu.memref_squeeze %dma_start3A_403 : memref<1x1280x16xf32, #tpu.memory_space<vmem>> -> memref<1280x16xf32, #tpu.memory_space<vmem>>
    %dma_start3A_405 = arith.constant 0 : i32
    %dma_start3A_406 = tpu.memref_slice %arg4[%add3A_398, %dma_start3A_405] : memref<819200x16xf32, #tpu.memory_space<hbm>> -> memref<1280x16xf32, #tpu.memory_space<hbm>>
    %dma_start3A_407 = tpu.memref_slice %arg8[%dma_start3A_400] : memref<4x!tpu.dma_semaphore, #tpu.memory_space<semaphore_mem>> -> memref<1x!tpu.dma_semaphore, #tpu.memory_space<semaphore_mem>>
    %dma_start3A_408 = tpu.memref_squeeze %dma_start3A_407 : memref<1x!tpu.dma_semaphore, #tpu.memory_space<semaphore_mem>> -> memref<!tpu.dma_semaphore, #tpu.memory_space<semaphore_mem>>
    %dma_start3A_409 = arith.constant 0 : i32
    %dma_start3A_410 = tpu.memref_slice %arg4[%add3A_398, %dma_start3A_409] : memref<819200x16xf32, #tpu.memory_space<hbm>> -> memref<1280x16xf32, #tpu.memory_space<hbm>>
    %dma_start3A_411 = arith.constant 0 : i32
    %dma_start3A_412 = arith.constant 0 : i32
    %dma_start3A_413 = tpu.memref_slice %arg6[%dma_start3A_399, %dma_start3A_411, %dma_start3A_412] : memref<4x1280x16xf32, #tpu.memory_space<vmem>> -> memref<1x1280x16xf32, #tpu.memory_space<vmem>>
    %dma_start3A_414 = tpu.memref_squeeze %dma_start3A_413 : memref<1x1280x16xf32, #tpu.memory_space<vmem>> -> memref<1280x16xf32, #tpu.memory_space<vmem>>
    tpu.enqueue_dma source(%dma_start3A_414 : memref<1280x16xf32, #tpu.memory_space<vmem>>) target(%dma_start3A_410 : memref<1280x16xf32, #tpu.memory_space<hbm>>) target_semaphore(%dma_start3A_408 : memref<!tpu.dma_semaphore, #tpu.memory_space<semaphore_mem>>)
    %dma_wait3A_415 = arith.constant 1 : i32
    %dma_wait3A_416 = arith.constant 1 : i32
    %dma_wait3A_417 = arith.constant 0 : i32
    %dma_wait3A_418 = arith.constant 0 : i32
    %dma_wait3A_419 = tpu.memref_slice %arg6[%dma_wait3A_415, %dma_wait3A_417, %dma_wait3A_418] : memref<4x1280x16xf32, #tpu.memory_space<vmem>> -> memref<1x1280x16xf32, #tpu.memory_space<vmem>>
    %dma_wait3A_420 = tpu.memref_squeeze %dma_wait3A_419 : memref<1x1280x16xf32, #tpu.memory_space<vmem>> -> memref<1280x16xf32, #tpu.memory_space<vmem>>
    %dma_wait3A_421 = arith.constant 0 : i32
    %dma_wait3A_422 = tpu.memref_slice %arg4[%add3A_338, %dma_wait3A_421] : memref<819200x16xf32, #tpu.memory_space<hbm>> -> memref<1280x16xf32, #tpu.memory_space<hbm>>
    %dma_wait3A_423 = tpu.memref_slice %arg8[%dma_wait3A_416] : memref<4x!tpu.dma_semaphore, #tpu.memory_space<semaphore_mem>> -> memref<1x!tpu.dma_semaphore, #tpu.memory_space<semaphore_mem>>
    %dma_wait3A_424 = tpu.memref_squeeze %dma_wait3A_423 : memref<1x!tpu.dma_semaphore, #tpu.memory_space<semaphore_mem>> -> memref<!tpu.dma_semaphore, #tpu.memory_space<semaphore_mem>>
    %dma_wait3A_425 = arith.constant 0 : i32
    %dma_wait3A_426 = tpu.memref_slice %arg4[%add3A_338, %dma_wait3A_425] : memref<819200x16xf32, #tpu.memory_space<hbm>> -> memref<1280x16xf32, #tpu.memory_space<hbm>>
    %dma_wait3A_427 = arith.constant 0 : i32
    %dma_wait3A_428 = arith.constant 0 : i32
    %dma_wait3A_429 = tpu.memref_slice %arg6[%dma_wait3A_415, %dma_wait3A_427, %dma_wait3A_428] : memref<4x1280x16xf32, #tpu.memory_space<vmem>> -> memref<1x1280x16xf32, #tpu.memory_space<vmem>>
    %dma_wait3A_430 = tpu.memref_squeeze %dma_wait3A_429 : memref<1x1280x16xf32, #tpu.memory_space<vmem>> -> memref<1280x16xf32, #tpu.memory_space<vmem>>
    tpu.wait_dma2 semaphore(%dma_wait3A_424 : memref<!tpu.dma_semaphore, #tpu.memory_space<semaphore_mem>>) src(%dma_wait3A_430 : memref<1280x16xf32, #tpu.memory_space<vmem>>) dst(%dma_wait3A_426 : memref<1280x16xf32, #tpu.memory_space<hbm>>)
    %dma_start3A_431 = arith.constant 1 : i32
    %dma_start3A_432 = arith.constant 1 : i32
    %dma_start3A_433 = arith.constant 0 : i32
    %dma_start3A_434 = arith.constant 0 : i32
    %dma_start3A_435 = tpu.memref_slice %arg6[%dma_start3A_431, %dma_start3A_433, %dma_start3A_434] : memref<4x1280x16xf32, #tpu.memory_space<vmem>> -> memref<1x1280x16xf32, #tpu.memory_space<vmem>>
    %dma_start3A_436 = tpu.memref_squeeze %dma_start3A_435 : memref<1x1280x16xf32, #tpu.memory_space<vmem>> -> memref<1280x16xf32, #tpu.memory_space<vmem>>
    %dma_start3A_437 = arith.constant 11520 : i32
    %dma_start3A_438 = tpu.memref_slice %arg5[%dma_start3A_437] : memref<25600xi32, #tpu.memory_space<vmem>> -> memref<1280xi32, #tpu.memory_space<vmem>>
    %dma_start3A_439 = arith.constant 0 : i32
    %dma_start3A_440 = arith.constant 0 : i32
    %dma_start3A_441 = tpu.memref_slice %arg3[%dma_start3A_439, %dma_start3A_440] : memref<1000000x16xf32, #tpu.memory_space<hbm>> -> memref<1000000x16xf32, #tpu.memory_space<hbm>>
    %dma_start3A_442 = tpu.memref_slice %arg7[%dma_start3A_432] : memref<4x!tpu.dma_semaphore, #tpu.memory_space<semaphore_mem>> -> memref<1x!tpu.dma_semaphore, #tpu.memory_space<semaphore_mem>>
    %dma_start3A_443 = tpu.memref_squeeze %dma_start3A_442 : memref<1x!tpu.dma_semaphore, #tpu.memory_space<semaphore_mem>> -> memref<!tpu.dma_semaphore, #tpu.memory_space<semaphore_mem>>
    tpu.enqueue_indirect_dma source(%dma_start3A_441 : memref<1000000x16xf32, #tpu.memory_space<hbm>>) target(%dma_start3A_436 : memref<1280x16xf32, #tpu.memory_space<vmem>>) offsets(%dma_start3A_438 : memref<1280xi32, #tpu.memory_space<vmem>>) semaphore(%dma_start3A_443 : memref<!tpu.dma_semaphore, #tpu.memory_space<semaphore_mem>>)
    %dma_wait3A_444 = arith.constant 3 : i32
    %dma_wait3A_445 = arith.constant 3 : i32
    %dma_wait3A_446 = arith.constant 0 : i32
    %dma_wait3A_447 = arith.constant 0 : i32
    %dma_wait3A_448 = tpu.memref_slice %arg6[%dma_wait3A_444, %dma_wait3A_446, %dma_wait3A_447] : memref<4x1280x16xf32, #tpu.memory_space<vmem>> -> memref<1x1280x16xf32, #tpu.memory_space<vmem>>
    %dma_wait3A_449 = tpu.memref_squeeze %dma_wait3A_448 : memref<1x1280x16xf32, #tpu.memory_space<vmem>> -> memref<1280x16xf32, #tpu.memory_space<vmem>>
    %dma_wait3A_450 = arith.constant 8960 : i32
    %dma_wait3A_451 = tpu.memref_slice %arg5[%dma_wait3A_450] : memref<25600xi32, #tpu.memory_space<vmem>> -> memref<1280xi32, #tpu.memory_space<vmem>>
    %dma_wait3A_452 = arith.constant 0 : i32
    %dma_wait3A_453 = arith.constant 0 : i32
    %dma_wait3A_454 = tpu.memref_slice %arg3[%dma_wait3A_452, %dma_wait3A_453] : memref<1000000x16xf32, #tpu.memory_space<hbm>> -> memref<1000000x16xf32, #tpu.memory_space<hbm>>
    %dma_wait3A_455 = tpu.memref_slice %arg7[%dma_wait3A_445] : memref<4x!tpu.dma_semaphore, #tpu.memory_space<semaphore_mem>> -> memref<1x!tpu.dma_semaphore, #tpu.memory_space<semaphore_mem>>
    %dma_wait3A_456 = tpu.memref_squeeze %dma_wait3A_455 : memref<1x!tpu.dma_semaphore, #tpu.memory_space<semaphore_mem>> -> memref<!tpu.dma_semaphore, #tpu.memory_space<semaphore_mem>>
    tpu.wait_indirect_dma semaphore(%dma_wait3A_456 : memref<!tpu.dma_semaphore, #tpu.memory_space<semaphore_mem>>) src(%dma_wait3A_454 : memref<1000000x16xf32, #tpu.memory_space<hbm>>) dst(%dma_wait3A_449 : memref<1280x16xf32, #tpu.memory_space<vmem>>)
    %add3A_457 = arith.constant 8960 : i32
    %add3A_458 = arith.addi %mul3A_2, %add3A_457 : i32
    %dma_start3A_459 = arith.constant 3 : i32
    %dma_start3A_460 = arith.constant 3 : i32
    %dma_start3A_461 = arith.constant 0 : i32
    %dma_start3A_462 = arith.constant 0 : i32
    %dma_start3A_463 = tpu.memref_slice %arg6[%dma_start3A_459, %dma_start3A_461, %dma_start3A_462] : memref<4x1280x16xf32, #tpu.memory_space<vmem>> -> memref<1x1280x16xf32, #tpu.memory_space<vmem>>
    %dma_start3A_464 = tpu.memref_squeeze %dma_start3A_463 : memref<1x1280x16xf32, #tpu.memory_space<vmem>> -> memref<1280x16xf32, #tpu.memory_space<vmem>>
    %dma_start3A_465 = arith.constant 0 : i32
    %dma_start3A_466 = tpu.memref_slice %arg4[%add3A_458, %dma_start3A_465] : memref<819200x16xf32, #tpu.memory_space<hbm>> -> memref<1280x16xf32, #tpu.memory_space<hbm>>
    %dma_start3A_467 = tpu.memref_slice %arg8[%dma_start3A_460] : memref<4x!tpu.dma_semaphore, #tpu.memory_space<semaphore_mem>> -> memref<1x!tpu.dma_semaphore, #tpu.memory_space<semaphore_mem>>
    %dma_start3A_468 = tpu.memref_squeeze %dma_start3A_467 : memref<1x!tpu.dma_semaphore, #tpu.memory_space<semaphore_mem>> -> memref<!tpu.dma_semaphore, #tpu.memory_space<semaphore_mem>>
    %dma_start3A_469 = arith.constant 0 : i32
    %dma_start3A_470 = tpu.memref_slice %arg4[%add3A_458, %dma_start3A_469] : memref<819200x16xf32, #tpu.memory_space<hbm>> -> memref<1280x16xf32, #tpu.memory_space<hbm>>
    %dma_start3A_471 = arith.constant 0 : i32
    %dma_start3A_472 = arith.constant 0 : i32
    %dma_start3A_473 = tpu.memref_slice %arg6[%dma_start3A_459, %dma_start3A_471, %dma_start3A_472] : memref<4x1280x16xf32, #tpu.memory_space<vmem>> -> memref<1x1280x16xf32, #tpu.memory_space<vmem>>
    %dma_start3A_474 = tpu.memref_squeeze %dma_start3A_473 : memref<1x1280x16xf32, #tpu.memory_space<vmem>> -> memref<1280x16xf32, #tpu.memory_space<vmem>>
    tpu.enqueue_dma source(%dma_start3A_474 : memref<1280x16xf32, #tpu.memory_space<vmem>>) target(%dma_start3A_470 : memref<1280x16xf32, #tpu.memory_space<hbm>>) target_semaphore(%dma_start3A_468 : memref<!tpu.dma_semaphore, #tpu.memory_space<semaphore_mem>>)
    %dma_wait3A_475 = arith.constant 2 : i32
    %dma_wait3A_476 = arith.constant 2 : i32
    %dma_wait3A_477 = arith.constant 0 : i32
    %dma_wait3A_478 = arith.constant 0 : i32
    %dma_wait3A_479 = tpu.memref_slice %arg6[%dma_wait3A_475, %dma_wait3A_477, %dma_wait3A_478] : memref<4x1280x16xf32, #tpu.memory_space<vmem>> -> memref<1x1280x16xf32, #tpu.memory_space<vmem>>
    %dma_wait3A_480 = tpu.memref_squeeze %dma_wait3A_479 : memref<1x1280x16xf32, #tpu.memory_space<vmem>> -> memref<1280x16xf32, #tpu.memory_space<vmem>>
    %dma_wait3A_481 = arith.constant 0 : i32
    %dma_wait3A_482 = tpu.memref_slice %arg4[%add3A_398, %dma_wait3A_481] : memref<819200x16xf32, #tpu.memory_space<hbm>> -> memref<1280x16xf32, #tpu.memory_space<hbm>>
    %dma_wait3A_483 = tpu.memref_slice %arg8[%dma_wait3A_476] : memref<4x!tpu.dma_semaphore, #tpu.memory_space<semaphore_mem>> -> memref<1x!tpu.dma_semaphore, #tpu.memory_space<semaphore_mem>>
    %dma_wait3A_484 = tpu.memref_squeeze %dma_wait3A_483 : memref<1x!tpu.dma_semaphore, #tpu.memory_space<semaphore_mem>> -> memref<!tpu.dma_semaphore, #tpu.memory_space<semaphore_mem>>
    %dma_wait3A_485 = arith.constant 0 : i32
    %dma_wait3A_486 = tpu.memref_slice %arg4[%add3A_398, %dma_wait3A_485] : memref<819200x16xf32, #tpu.memory_space<hbm>> -> memref<1280x16xf32, #tpu.memory_space<hbm>>
    %dma_wait3A_487 = arith.constant 0 : i32
    %dma_wait3A_488 = arith.constant 0 : i32
    %dma_wait3A_489 = tpu.memref_slice %arg6[%dma_wait3A_475, %dma_wait3A_487, %dma_wait3A_488] : memref<4x1280x16xf32, #tpu.memory_space<vmem>> -> memref<1x1280x16xf32, #tpu.memory_space<vmem>>
    %dma_wait3A_490 = tpu.memref_squeeze %dma_wait3A_489 : memref<1x1280x16xf32, #tpu.memory_space<vmem>> -> memref<1280x16xf32, #tpu.memory_space<vmem>>
    tpu.wait_dma2 semaphore(%dma_wait3A_484 : memref<!tpu.dma_semaphore, #tpu.memory_space<semaphore_mem>>) src(%dma_wait3A_490 : memref<1280x16xf32, #tpu.memory_space<vmem>>) dst(%dma_wait3A_486 : memref<1280x16xf32, #tpu.memory_space<hbm>>)
    %dma_start3A_491 = arith.constant 2 : i32
    %dma_start3A_492 = arith.constant 2 : i32
    %dma_start3A_493 = arith.constant 0 : i32
    %dma_start3A_494 = arith.constant 0 : i32
    %dma_start3A_495 = tpu.memref_slice %arg6[%dma_start3A_491, %dma_start3A_493, %dma_start3A_494] : memref<4x1280x16xf32, #tpu.memory_space<vmem>> -> memref<1x1280x16xf32, #tpu.memory_space<vmem>>
    %dma_start3A_496 = tpu.memref_squeeze %dma_start3A_495 : memref<1x1280x16xf32, #tpu.memory_space<vmem>> -> memref<1280x16xf32, #tpu.memory_space<vmem>>
    %dma_start3A_497 = arith.constant 12800 : i32
    %dma_start3A_498 = tpu.memref_slice %arg5[%dma_start3A_497] : memref<25600xi32, #tpu.memory_space<vmem>> -> memref<1280xi32, #tpu.memory_space<vmem>>
    %dma_start3A_499 = arith.constant 0 : i32
    %dma_start3A_500 = arith.constant 0 : i32
    %dma_start3A_501 = tpu.memref_slice %arg3[%dma_start3A_499, %dma_start3A_500] : memref<1000000x16xf32, #tpu.memory_space<hbm>> -> memref<1000000x16xf32, #tpu.memory_space<hbm>>
    %dma_start3A_502 = tpu.memref_slice %arg7[%dma_start3A_492] : memref<4x!tpu.dma_semaphore, #tpu.memory_space<semaphore_mem>> -> memref<1x!tpu.dma_semaphore, #tpu.memory_space<semaphore_mem>>
    %dma_start3A_503 = tpu.memref_squeeze %dma_start3A_502 : memref<1x!tpu.dma_semaphore, #tpu.memory_space<semaphore_mem>> -> memref<!tpu.dma_semaphore, #tpu.memory_space<semaphore_mem>>
    tpu.enqueue_indirect_dma source(%dma_start3A_501 : memref<1000000x16xf32, #tpu.memory_space<hbm>>) target(%dma_start3A_496 : memref<1280x16xf32, #tpu.memory_space<vmem>>) offsets(%dma_start3A_498 : memref<1280xi32, #tpu.memory_space<vmem>>) semaphore(%dma_start3A_503 : memref<!tpu.dma_semaphore, #tpu.memory_space<semaphore_mem>>)
    %dma_wait3A_504 = arith.constant 0 : i32
    %dma_wait3A_505 = arith.constant 0 : i32
    %dma_wait3A_506 = arith.constant 0 : i32
    %dma_wait3A_507 = arith.constant 0 : i32
    %dma_wait3A_508 = tpu.memref_slice %arg6[%dma_wait3A_504, %dma_wait3A_506, %dma_wait3A_507] : memref<4x1280x16xf32, #tpu.memory_space<vmem>> -> memref<1x1280x16xf32, #tpu.memory_space<vmem>>
    %dma_wait3A_509 = tpu.memref_squeeze %dma_wait3A_508 : memref<1x1280x16xf32, #tpu.memory_space<vmem>> -> memref<1280x16xf32, #tpu.memory_space<vmem>>
    %dma_wait3A_510 = arith.constant 10240 : i32
    %dma_wait3A_511 = tpu.memref_slice %arg5[%dma_wait3A_510] : memref<25600xi32, #tpu.memory_space<vmem>> -> memref<1280xi32, #tpu.memory_space<vmem>>
    %dma_wait3A_512 = arith.constant 0 : i32
    %dma_wait3A_513 = arith.constant 0 : i32
    %dma_wait3A_514 = tpu.memref_slice %arg3[%dma_wait3A_512, %dma_wait3A_513] : memref<1000000x16xf32, #tpu.memory_space<hbm>> -> memref<1000000x16xf32, #tpu.memory_space<hbm>>
    %dma_wait3A_515 = tpu.memref_slice %arg7[%dma_wait3A_505] : memref<4x!tpu.dma_semaphore, #tpu.memory_space<semaphore_mem>> -> memref<1x!tpu.dma_semaphore, #tpu.memory_space<semaphore_mem>>
    %dma_wait3A_516 = tpu.memref_squeeze %dma_wait3A_515 : memref<1x!tpu.dma_semaphore, #tpu.memory_space<semaphore_mem>> -> memref<!tpu.dma_semaphore, #tpu.memory_space<semaphore_mem>>
    tpu.wait_indirect_dma semaphore(%dma_wait3A_516 : memref<!tpu.dma_semaphore, #tpu.memory_space<semaphore_mem>>) src(%dma_wait3A_514 : memref<1000000x16xf32, #tpu.memory_space<hbm>>) dst(%dma_wait3A_509 : memref<1280x16xf32, #tpu.memory_space<vmem>>)
    %add3A_517 = arith.constant 10240 : i32
    %add3A_518 = arith.addi %mul3A_2, %add3A_517 : i32
    %dma_start3A_519 = arith.constant 0 : i32
    %dma_start3A_520 = arith.constant 0 : i32
    %dma_start3A_521 = arith.constant 0 : i32
    %dma_start3A_522 = arith.constant 0 : i32
    %dma_start3A_523 = tpu.memref_slice %arg6[%dma_start3A_519, %dma_start3A_521, %dma_start3A_522] : memref<4x1280x16xf32, #tpu.memory_space<vmem>> -> memref<1x1280x16xf32, #tpu.memory_space<vmem>>
    %dma_start3A_524 = tpu.memref_squeeze %dma_start3A_523 : memref<1x1280x16xf32, #tpu.memory_space<vmem>> -> memref<1280x16xf32, #tpu.memory_space<vmem>>
    %dma_start3A_525 = arith.constant 0 : i32
    %dma_start3A_526 = tpu.memref_slice %arg4[%add3A_518, %dma_start3A_525] : memref<819200x16xf32, #tpu.memory_space<hbm>> -> memref<1280x16xf32, #tpu.memory_space<hbm>>
    %dma_start3A_527 = tpu.memref_slice %arg8[%dma_start3A_520] : memref<4x!tpu.dma_semaphore, #tpu.memory_space<semaphore_mem>> -> memref<1x!tpu.dma_semaphore, #tpu.memory_space<semaphore_mem>>
    %dma_start3A_528 = tpu.memref_squeeze %dma_start3A_527 : memref<1x!tpu.dma_semaphore, #tpu.memory_space<semaphore_mem>> -> memref<!tpu.dma_semaphore, #tpu.memory_space<semaphore_mem>>
    %dma_start3A_529 = arith.constant 0 : i32
    %dma_start3A_530 = tpu.memref_slice %arg4[%add3A_518, %dma_start3A_529] : memref<819200x16xf32, #tpu.memory_space<hbm>> -> memref<1280x16xf32, #tpu.memory_space<hbm>>
    %dma_start3A_531 = arith.constant 0 : i32
    %dma_start3A_532 = arith.constant 0 : i32
    %dma_start3A_533 = tpu.memref_slice %arg6[%dma_start3A_519, %dma_start3A_531, %dma_start3A_532] : memref<4x1280x16xf32, #tpu.memory_space<vmem>> -> memref<1x1280x16xf32, #tpu.memory_space<vmem>>
    %dma_start3A_534 = tpu.memref_squeeze %dma_start3A_533 : memref<1x1280x16xf32, #tpu.memory_space<vmem>> -> memref<1280x16xf32, #tpu.memory_space<vmem>>
    tpu.enqueue_dma source(%dma_start3A_534 : memref<1280x16xf32, #tpu.memory_space<vmem>>) target(%dma_start3A_530 : memref<1280x16xf32, #tpu.memory_space<hbm>>) target_semaphore(%dma_start3A_528 : memref<!tpu.dma_semaphore, #tpu.memory_space<semaphore_mem>>)
    %dma_wait3A_535 = arith.constant 3 : i32
    %dma_wait3A_536 = arith.constant 3 : i32
    %dma_wait3A_537 = arith.constant 0 : i32
    %dma_wait3A_538 = arith.constant 0 : i32
    %dma_wait3A_539 = tpu.memref_slice %arg6[%dma_wait3A_535, %dma_wait3A_537, %dma_wait3A_538] : memref<4x1280x16xf32, #tpu.memory_space<vmem>> -> memref<1x1280x16xf32, #tpu.memory_space<vmem>>
    %dma_wait3A_540 = tpu.memref_squeeze %dma_wait3A_539 : memref<1x1280x16xf32, #tpu.memory_space<vmem>> -> memref<1280x16xf32, #tpu.memory_space<vmem>>
    %dma_wait3A_541 = arith.constant 0 : i32
    %dma_wait3A_542 = tpu.memref_slice %arg4[%add3A_458, %dma_wait3A_541] : memref<819200x16xf32, #tpu.memory_space<hbm>> -> memref<1280x16xf32, #tpu.memory_space<hbm>>
    %dma_wait3A_543 = tpu.memref_slice %arg8[%dma_wait3A_536] : memref<4x!tpu.dma_semaphore, #tpu.memory_space<semaphore_mem>> -> memref<1x!tpu.dma_semaphore, #tpu.memory_space<semaphore_mem>>
    %dma_wait3A_544 = tpu.memref_squeeze %dma_wait3A_543 : memref<1x!tpu.dma_semaphore, #tpu.memory_space<semaphore_mem>> -> memref<!tpu.dma_semaphore, #tpu.memory_space<semaphore_mem>>
    %dma_wait3A_545 = arith.constant 0 : i32
    %dma_wait3A_546 = tpu.memref_slice %arg4[%add3A_458, %dma_wait3A_545] : memref<819200x16xf32, #tpu.memory_space<hbm>> -> memref<1280x16xf32, #tpu.memory_space<hbm>>
    %dma_wait3A_547 = arith.constant 0 : i32
    %dma_wait3A_548 = arith.constant 0 : i32
    %dma_wait3A_549 = tpu.memref_slice %arg6[%dma_wait3A_535, %dma_wait3A_547, %dma_wait3A_548] : memref<4x1280x16xf32, #tpu.memory_space<vmem>> -> memref<1x1280x16xf32, #tpu.memory_space<vmem>>
    %dma_wait3A_550 = tpu.memref_squeeze %dma_wait3A_549 : memref<1x1280x16xf32, #tpu.memory_space<vmem>> -> memref<1280x16xf32, #tpu.memory_space<vmem>>
    tpu.wait_dma2 semaphore(%dma_wait3A_544 : memref<!tpu.dma_semaphore, #tpu.memory_space<semaphore_mem>>) src(%dma_wait3A_550 : memref<1280x16xf32, #tpu.memory_space<vmem>>) dst(%dma_wait3A_546 : memref<1280x16xf32, #tpu.memory_space<hbm>>)
    %dma_start3A_551 = arith.constant 3 : i32
    %dma_start3A_552 = arith.constant 3 : i32
    %dma_start3A_553 = arith.constant 0 : i32
    %dma_start3A_554 = arith.constant 0 : i32
    %dma_start3A_555 = tpu.memref_slice %arg6[%dma_start3A_551, %dma_start3A_553, %dma_start3A_554] : memref<4x1280x16xf32, #tpu.memory_space<vmem>> -> memref<1x1280x16xf32, #tpu.memory_space<vmem>>
    %dma_start3A_556 = tpu.memref_squeeze %dma_start3A_555 : memref<1x1280x16xf32, #tpu.memory_space<vmem>> -> memref<1280x16xf32, #tpu.memory_space<vmem>>
    %dma_start3A_557 = arith.constant 14080 : i32
    %dma_start3A_558 = tpu.memref_slice %arg5[%dma_start3A_557] : memref<25600xi32, #tpu.memory_space<vmem>> -> memref<1280xi32, #tpu.memory_space<vmem>>
    %dma_start3A_559 = arith.constant 0 : i32
    %dma_start3A_560 = arith.constant 0 : i32
    %dma_start3A_561 = tpu.memref_slice %arg3[%dma_start3A_559, %dma_start3A_560] : memref<1000000x16xf32, #tpu.memory_space<hbm>> -> memref<1000000x16xf32, #tpu.memory_space<hbm>>
    %dma_start3A_562 = tpu.memref_slice %arg7[%dma_start3A_552] : memref<4x!tpu.dma_semaphore, #tpu.memory_space<semaphore_mem>> -> memref<1x!tpu.dma_semaphore, #tpu.memory_space<semaphore_mem>>
    %dma_start3A_563 = tpu.memref_squeeze %dma_start3A_562 : memref<1x!tpu.dma_semaphore, #tpu.memory_space<semaphore_mem>> -> memref<!tpu.dma_semaphore, #tpu.memory_space<semaphore_mem>>
    tpu.enqueue_indirect_dma source(%dma_start3A_561 : memref<1000000x16xf32, #tpu.memory_space<hbm>>) target(%dma_start3A_556 : memref<1280x16xf32, #tpu.memory_space<vmem>>) offsets(%dma_start3A_558 : memref<1280xi32, #tpu.memory_space<vmem>>) semaphore(%dma_start3A_563 : memref<!tpu.dma_semaphore, #tpu.memory_space<semaphore_mem>>)
    %dma_wait3A_564 = arith.constant 1 : i32
    %dma_wait3A_565 = arith.constant 1 : i32
    %dma_wait3A_566 = arith.constant 0 : i32
    %dma_wait3A_567 = arith.constant 0 : i32
    %dma_wait3A_568 = tpu.memref_slice %arg6[%dma_wait3A_564, %dma_wait3A_566, %dma_wait3A_567] : memref<4x1280x16xf32, #tpu.memory_space<vmem>> -> memref<1x1280x16xf32, #tpu.memory_space<vmem>>
    %dma_wait3A_569 = tpu.memref_squeeze %dma_wait3A_568 : memref<1x1280x16xf32, #tpu.memory_space<vmem>> -> memref<1280x16xf32, #tpu.memory_space<vmem>>
    %dma_wait3A_570 = arith.constant 11520 : i32
    %dma_wait3A_571 = tpu.memref_slice %arg5[%dma_wait3A_570] : memref<25600xi32, #tpu.memory_space<vmem>> -> memref<1280xi32, #tpu.memory_space<vmem>>
    %dma_wait3A_572 = arith.constant 0 : i32
    %dma_wait3A_573 = arith.constant 0 : i32
    %dma_wait3A_574 = tpu.memref_slice %arg3[%dma_wait3A_572, %dma_wait3A_573] : memref<1000000x16xf32, #tpu.memory_space<hbm>> -> memref<1000000x16xf32, #tpu.memory_space<hbm>>
    %dma_wait3A_575 = tpu.memref_slice %arg7[%dma_wait3A_565] : memref<4x!tpu.dma_semaphore, #tpu.memory_space<semaphore_mem>> -> memref<1x!tpu.dma_semaphore, #tpu.memory_space<semaphore_mem>>
    %dma_wait3A_576 = tpu.memref_squeeze %dma_wait3A_575 : memref<1x!tpu.dma_semaphore, #tpu.memory_space<semaphore_mem>> -> memref<!tpu.dma_semaphore, #tpu.memory_space<semaphore_mem>>
    tpu.wait_indirect_dma semaphore(%dma_wait3A_576 : memref<!tpu.dma_semaphore, #tpu.memory_space<semaphore_mem>>) src(%dma_wait3A_574 : memref<1000000x16xf32, #tpu.memory_space<hbm>>) dst(%dma_wait3A_569 : memref<1280x16xf32, #tpu.memory_space<vmem>>)
    %add3A_577 = arith.constant 11520 : i32
    %add3A_578 = arith.addi %mul3A_2, %add3A_577 : i32
    %dma_start3A_579 = arith.constant 1 : i32
    %dma_start3A_580 = arith.constant 1 : i32
    %dma_start3A_581 = arith.constant 0 : i32
    %dma_start3A_582 = arith.constant 0 : i32
    %dma_start3A_583 = tpu.memref_slice %arg6[%dma_start3A_579, %dma_start3A_581, %dma_start3A_582] : memref<4x1280x16xf32, #tpu.memory_space<vmem>> -> memref<1x1280x16xf32, #tpu.memory_space<vmem>>
    %dma_start3A_584 = tpu.memref_squeeze %dma_start3A_583 : memref<1x1280x16xf32, #tpu.memory_space<vmem>> -> memref<1280x16xf32, #tpu.memory_space<vmem>>
    %dma_start3A_585 = arith.constant 0 : i32
    %dma_start3A_586 = tpu.memref_slice %arg4[%add3A_578, %dma_start3A_585] : memref<819200x16xf32, #tpu.memory_space<hbm>> -> memref<1280x16xf32, #tpu.memory_space<hbm>>
    %dma_start3A_587 = tpu.memref_slice %arg8[%dma_start3A_580] : memref<4x!tpu.dma_semaphore, #tpu.memory_space<semaphore_mem>> -> memref<1x!tpu.dma_semaphore, #tpu.memory_space<semaphore_mem>>
    %dma_start3A_588 = tpu.memref_squeeze %dma_start3A_587 : memref<1x!tpu.dma_semaphore, #tpu.memory_space<semaphore_mem>> -> memref<!tpu.dma_semaphore, #tpu.memory_space<semaphore_mem>>
    %dma_start3A_589 = arith.constant 0 : i32
    %dma_start3A_590 = tpu.memref_slice %arg4[%add3A_578, %dma_start3A_589] : memref<819200x16xf32, #tpu.memory_space<hbm>> -> memref<1280x16xf32, #tpu.memory_space<hbm>>
    %dma_start3A_591 = arith.constant 0 : i32
    %dma_start3A_592 = arith.constant 0 : i32
    %dma_start3A_593 = tpu.memref_slice %arg6[%dma_start3A_579, %dma_start3A_591, %dma_start3A_592] : memref<4x1280x16xf32, #tpu.memory_space<vmem>> -> memref<1x1280x16xf32, #tpu.memory_space<vmem>>
    %dma_start3A_594 = tpu.memref_squeeze %dma_start3A_593 : memref<1x1280x16xf32, #tpu.memory_space<vmem>> -> memref<1280x16xf32, #tpu.memory_space<vmem>>
    tpu.enqueue_dma source(%dma_start3A_594 : memref<1280x16xf32, #tpu.memory_space<vmem>>) target(%dma_start3A_590 : memref<1280x16xf32, #tpu.memory_space<hbm>>) target_semaphore(%dma_start3A_588 : memref<!tpu.dma_semaphore, #tpu.memory_space<semaphore_mem>>)
    %dma_wait3A_595 = arith.constant 0 : i32
    %dma_wait3A_596 = arith.constant 0 : i32
    %dma_wait3A_597 = arith.constant 0 : i32
    %dma_wait3A_598 = arith.constant 0 : i32
    %dma_wait3A_599 = tpu.memref_slice %arg6[%dma_wait3A_595, %dma_wait3A_597, %dma_wait3A_598] : memref<4x1280x16xf32, #tpu.memory_space<vmem>> -> memref<1x1280x16xf32, #tpu.memory_space<vmem>>
    %dma_wait3A_600 = tpu.memref_squeeze %dma_wait3A_599 : memref<1x1280x16xf32, #tpu.memory_space<vmem>> -> memref<1280x16xf32, #tpu.memory_space<vmem>>
    %dma_wait3A_601 = arith.constant 0 : i32
    %dma_wait3A_602 = tpu.memref_slice %arg4[%add3A_518, %dma_wait3A_601] : memref<819200x16xf32, #tpu.memory_space<hbm>> -> memref<1280x16xf32, #tpu.memory_space<hbm>>
    %dma_wait3A_603 = tpu.memref_slice %arg8[%dma_wait3A_596] : memref<4x!tpu.dma_semaphore, #tpu.memory_space<semaphore_mem>> -> memref<1x!tpu.dma_semaphore, #tpu.memory_space<semaphore_mem>>
    %dma_wait3A_604 = tpu.memref_squeeze %dma_wait3A_603 : memref<1x!tpu.dma_semaphore, #tpu.memory_space<semaphore_mem>> -> memref<!tpu.dma_semaphore, #tpu.memory_space<semaphore_mem>>
    %dma_wait3A_605 = arith.constant 0 : i32
    %dma_wait3A_606 = tpu.memref_slice %arg4[%add3A_518, %dma_wait3A_605] : memref<819200x16xf32, #tpu.memory_space<hbm>> -> memref<1280x16xf32, #tpu.memory_space<hbm>>
    %dma_wait3A_607 = arith.constant 0 : i32
    %dma_wait3A_608 = arith.constant 0 : i32
    %dma_wait3A_609 = tpu.memref_slice %arg6[%dma_wait3A_595, %dma_wait3A_607, %dma_wait3A_608] : memref<4x1280x16xf32, #tpu.memory_space<vmem>> -> memref<1x1280x16xf32, #tpu.memory_space<vmem>>
    %dma_wait3A_610 = tpu.memref_squeeze %dma_wait3A_609 : memref<1x1280x16xf32, #tpu.memory_space<vmem>> -> memref<1280x16xf32, #tpu.memory_space<vmem>>
    tpu.wait_dma2 semaphore(%dma_wait3A_604 : memref<!tpu.dma_semaphore, #tpu.memory_space<semaphore_mem>>) src(%dma_wait3A_610 : memref<1280x16xf32, #tpu.memory_space<vmem>>) dst(%dma_wait3A_606 : memref<1280x16xf32, #tpu.memory_space<hbm>>)
    %dma_start3A_611 = arith.constant 0 : i32
    %dma_start3A_612 = arith.constant 0 : i32
    %dma_start3A_613 = arith.constant 0 : i32
    %dma_start3A_614 = arith.constant 0 : i32
    %dma_start3A_615 = tpu.memref_slice %arg6[%dma_start3A_611, %dma_start3A_613, %dma_start3A_614] : memref<4x1280x16xf32, #tpu.memory_space<vmem>> -> memref<1x1280x16xf32, #tpu.memory_space<vmem>>
    %dma_start3A_616 = tpu.memref_squeeze %dma_start3A_615 : memref<1x1280x16xf32, #tpu.memory_space<vmem>> -> memref<1280x16xf32, #tpu.memory_space<vmem>>
    %dma_start3A_617 = arith.constant 15360 : i32
    %dma_start3A_618 = tpu.memref_slice %arg5[%dma_start3A_617] : memref<25600xi32, #tpu.memory_space<vmem>> -> memref<1280xi32, #tpu.memory_space<vmem>>
    %dma_start3A_619 = arith.constant 0 : i32
    %dma_start3A_620 = arith.constant 0 : i32
    %dma_start3A_621 = tpu.memref_slice %arg3[%dma_start3A_619, %dma_start3A_620] : memref<1000000x16xf32, #tpu.memory_space<hbm>> -> memref<1000000x16xf32, #tpu.memory_space<hbm>>
    %dma_start3A_622 = tpu.memref_slice %arg7[%dma_start3A_612] : memref<4x!tpu.dma_semaphore, #tpu.memory_space<semaphore_mem>> -> memref<1x!tpu.dma_semaphore, #tpu.memory_space<semaphore_mem>>
    %dma_start3A_623 = tpu.memref_squeeze %dma_start3A_622 : memref<1x!tpu.dma_semaphore, #tpu.memory_space<semaphore_mem>> -> memref<!tpu.dma_semaphore, #tpu.memory_space<semaphore_mem>>
    tpu.enqueue_indirect_dma source(%dma_start3A_621 : memref<1000000x16xf32, #tpu.memory_space<hbm>>) target(%dma_start3A_616 : memref<1280x16xf32, #tpu.memory_space<vmem>>) offsets(%dma_start3A_618 : memref<1280xi32, #tpu.memory_space<vmem>>) semaphore(%dma_start3A_623 : memref<!tpu.dma_semaphore, #tpu.memory_space<semaphore_mem>>)
    %dma_wait3A_624 = arith.constant 2 : i32
    %dma_wait3A_625 = arith.constant 2 : i32
    %dma_wait3A_626 = arith.constant 0 : i32
    %dma_wait3A_627 = arith.constant 0 : i32
    %dma_wait3A_628 = tpu.memref_slice %arg6[%dma_wait3A_624, %dma_wait3A_626, %dma_wait3A_627] : memref<4x1280x16xf32, #tpu.memory_space<vmem>> -> memref<1x1280x16xf32, #tpu.memory_space<vmem>>
    %dma_wait3A_629 = tpu.memref_squeeze %dma_wait3A_628 : memref<1x1280x16xf32, #tpu.memory_space<vmem>> -> memref<1280x16xf32, #tpu.memory_space<vmem>>
    %dma_wait3A_630 = arith.constant 12800 : i32
    %dma_wait3A_631 = tpu.memref_slice %arg5[%dma_wait3A_630] : memref<25600xi32, #tpu.memory_space<vmem>> -> memref<1280xi32, #tpu.memory_space<vmem>>
    %dma_wait3A_632 = arith.constant 0 : i32
    %dma_wait3A_633 = arith.constant 0 : i32
    %dma_wait3A_634 = tpu.memref_slice %arg3[%dma_wait3A_632, %dma_wait3A_633] : memref<1000000x16xf32, #tpu.memory_space<hbm>> -> memref<1000000x16xf32, #tpu.memory_space<hbm>>
    %dma_wait3A_635 = tpu.memref_slice %arg7[%dma_wait3A_625] : memref<4x!tpu.dma_semaphore, #tpu.memory_space<semaphore_mem>> -> memref<1x!tpu.dma_semaphore, #tpu.memory_space<semaphore_mem>>
    %dma_wait3A_636 = tpu.memref_squeeze %dma_wait3A_635 : memref<1x!tpu.dma_semaphore, #tpu.memory_space<semaphore_mem>> -> memref<!tpu.dma_semaphore, #tpu.memory_space<semaphore_mem>>
    tpu.wait_indirect_dma semaphore(%dma_wait3A_636 : memref<!tpu.dma_semaphore, #tpu.memory_space<semaphore_mem>>) src(%dma_wait3A_634 : memref<1000000x16xf32, #tpu.memory_space<hbm>>) dst(%dma_wait3A_629 : memref<1280x16xf32, #tpu.memory_space<vmem>>)
    %add3A_637 = arith.constant 12800 : i32
    %add3A_638 = arith.addi %mul3A_2, %add3A_637 : i32
    %dma_start3A_639 = arith.constant 2 : i32
    %dma_start3A_640 = arith.constant 2 : i32
    %dma_start3A_641 = arith.constant 0 : i32
    %dma_start3A_642 = arith.constant 0 : i32
    %dma_start3A_643 = tpu.memref_slice %arg6[%dma_start3A_639, %dma_start3A_641, %dma_start3A_642] : memref<4x1280x16xf32, #tpu.memory_space<vmem>> -> memref<1x1280x16xf32, #tpu.memory_space<vmem>>
    %dma_start3A_644 = tpu.memref_squeeze %dma_start3A_643 : memref<1x1280x16xf32, #tpu.memory_space<vmem>> -> memref<1280x16xf32, #tpu.memory_space<vmem>>
    %dma_start3A_645 = arith.constant 0 : i32
    %dma_start3A_646 = tpu.memref_slice %arg4[%add3A_638, %dma_start3A_645] : memref<819200x16xf32, #tpu.memory_space<hbm>> -> memref<1280x16xf32, #tpu.memory_space<hbm>>
    %dma_start3A_647 = tpu.memref_slice %arg8[%dma_start3A_640] : memref<4x!tpu.dma_semaphore, #tpu.memory_space<semaphore_mem>> -> memref<1x!tpu.dma_semaphore, #tpu.memory_space<semaphore_mem>>
    %dma_start3A_648 = tpu.memref_squeeze %dma_start3A_647 : memref<1x!tpu.dma_semaphore, #tpu.memory_space<semaphore_mem>> -> memref<!tpu.dma_semaphore, #tpu.memory_space<semaphore_mem>>
    %dma_start3A_649 = arith.constant 0 : i32
    %dma_start3A_650 = tpu.memref_slice %arg4[%add3A_638, %dma_start3A_649] : memref<819200x16xf32, #tpu.memory_space<hbm>> -> memref<1280x16xf32, #tpu.memory_space<hbm>>
    %dma_start3A_651 = arith.constant 0 : i32
    %dma_start3A_652 = arith.constant 0 : i32
    %dma_start3A_653 = tpu.memref_slice %arg6[%dma_start3A_639, %dma_start3A_651, %dma_start3A_652] : memref<4x1280x16xf32, #tpu.memory_space<vmem>> -> memref<1x1280x16xf32, #tpu.memory_space<vmem>>
    %dma_start3A_654 = tpu.memref_squeeze %dma_start3A_653 : memref<1x1280x16xf32, #tpu.memory_space<vmem>> -> memref<1280x16xf32, #tpu.memory_space<vmem>>
    tpu.enqueue_dma source(%dma_start3A_654 : memref<1280x16xf32, #tpu.memory_space<vmem>>) target(%dma_start3A_650 : memref<1280x16xf32, #tpu.memory_space<hbm>>) target_semaphore(%dma_start3A_648 : memref<!tpu.dma_semaphore, #tpu.memory_space<semaphore_mem>>)
    %dma_wait3A_655 = arith.constant 1 : i32
    %dma_wait3A_656 = arith.constant 1 : i32
    %dma_wait3A_657 = arith.constant 0 : i32
    %dma_wait3A_658 = arith.constant 0 : i32
    %dma_wait3A_659 = tpu.memref_slice %arg6[%dma_wait3A_655, %dma_wait3A_657, %dma_wait3A_658] : memref<4x1280x16xf32, #tpu.memory_space<vmem>> -> memref<1x1280x16xf32, #tpu.memory_space<vmem>>
    %dma_wait3A_660 = tpu.memref_squeeze %dma_wait3A_659 : memref<1x1280x16xf32, #tpu.memory_space<vmem>> -> memref<1280x16xf32, #tpu.memory_space<vmem>>
    %dma_wait3A_661 = arith.constant 0 : i32
    %dma_wait3A_662 = tpu.memref_slice %arg4[%add3A_578, %dma_wait3A_661] : memref<819200x16xf32, #tpu.memory_space<hbm>> -> memref<1280x16xf32, #tpu.memory_space<hbm>>
    %dma_wait3A_663 = tpu.memref_slice %arg8[%dma_wait3A_656] : memref<4x!tpu.dma_semaphore, #tpu.memory_space<semaphore_mem>> -> memref<1x!tpu.dma_semaphore, #tpu.memory_space<semaphore_mem>>
    %dma_wait3A_664 = tpu.memref_squeeze %dma_wait3A_663 : memref<1x!tpu.dma_semaphore, #tpu.memory_space<semaphore_mem>> -> memref<!tpu.dma_semaphore, #tpu.memory_space<semaphore_mem>>
    %dma_wait3A_665 = arith.constant 0 : i32
    %dma_wait3A_666 = tpu.memref_slice %arg4[%add3A_578, %dma_wait3A_665] : memref<819200x16xf32, #tpu.memory_space<hbm>> -> memref<1280x16xf32, #tpu.memory_space<hbm>>
    %dma_wait3A_667 = arith.constant 0 : i32
    %dma_wait3A_668 = arith.constant 0 : i32
    %dma_wait3A_669 = tpu.memref_slice %arg6[%dma_wait3A_655, %dma_wait3A_667, %dma_wait3A_668] : memref<4x1280x16xf32, #tpu.memory_space<vmem>> -> memref<1x1280x16xf32, #tpu.memory_space<vmem>>
    %dma_wait3A_670 = tpu.memref_squeeze %dma_wait3A_669 : memref<1x1280x16xf32, #tpu.memory_space<vmem>> -> memref<1280x16xf32, #tpu.memory_space<vmem>>
    tpu.wait_dma2 semaphore(%dma_wait3A_664 : memref<!tpu.dma_semaphore, #tpu.memory_space<semaphore_mem>>) src(%dma_wait3A_670 : memref<1280x16xf32, #tpu.memory_space<vmem>>) dst(%dma_wait3A_666 : memref<1280x16xf32, #tpu.memory_space<hbm>>)
    %dma_start3A_671 = arith.constant 1 : i32
    %dma_start3A_672 = arith.constant 1 : i32
    %dma_start3A_673 = arith.constant 0 : i32
    %dma_start3A_674 = arith.constant 0 : i32
    %dma_start3A_675 = tpu.memref_slice %arg6[%dma_start3A_671, %dma_start3A_673, %dma_start3A_674] : memref<4x1280x16xf32, #tpu.memory_space<vmem>> -> memref<1x1280x16xf32, #tpu.memory_space<vmem>>
    %dma_start3A_676 = tpu.memref_squeeze %dma_start3A_675 : memref<1x1280x16xf32, #tpu.memory_space<vmem>> -> memref<1280x16xf32, #tpu.memory_space<vmem>>
    %dma_start3A_677 = arith.constant 16640 : i32
    %dma_start3A_678 = tpu.memref_slice %arg5[%dma_start3A_677] : memref<25600xi32, #tpu.memory_space<vmem>> -> memref<1280xi32, #tpu.memory_space<vmem>>
    %dma_start3A_679 = arith.constant 0 : i32
    %dma_start3A_680 = arith.constant 0 : i32
    %dma_start3A_681 = tpu.memref_slice %arg3[%dma_start3A_679, %dma_start3A_680] : memref<1000000x16xf32, #tpu.memory_space<hbm>> -> memref<1000000x16xf32, #tpu.memory_space<hbm>>
    %dma_start3A_682 = tpu.memref_slice %arg7[%dma_start3A_672] : memref<4x!tpu.dma_semaphore, #tpu.memory_space<semaphore_mem>> -> memref<1x!tpu.dma_semaphore, #tpu.memory_space<semaphore_mem>>
    %dma_start3A_683 = tpu.memref_squeeze %dma_start3A_682 : memref<1x!tpu.dma_semaphore, #tpu.memory_space<semaphore_mem>> -> memref<!tpu.dma_semaphore, #tpu.memory_space<semaphore_mem>>
    tpu.enqueue_indirect_dma source(%dma_start3A_681 : memref<1000000x16xf32, #tpu.memory_space<hbm>>) target(%dma_start3A_676 : memref<1280x16xf32, #tpu.memory_space<vmem>>) offsets(%dma_start3A_678 : memref<1280xi32, #tpu.memory_space<vmem>>) semaphore(%dma_start3A_683 : memref<!tpu.dma_semaphore, #tpu.memory_space<semaphore_mem>>)
    %dma_wait3A_684 = arith.constant 3 : i32
    %dma_wait3A_685 = arith.constant 3 : i32
    %dma_wait3A_686 = arith.constant 0 : i32
    %dma_wait3A_687 = arith.constant 0 : i32
    %dma_wait3A_688 = tpu.memref_slice %arg6[%dma_wait3A_684, %dma_wait3A_686, %dma_wait3A_687] : memref<4x1280x16xf32, #tpu.memory_space<vmem>> -> memref<1x1280x16xf32, #tpu.memory_space<vmem>>
    %dma_wait3A_689 = tpu.memref_squeeze %dma_wait3A_688 : memref<1x1280x16xf32, #tpu.memory_space<vmem>> -> memref<1280x16xf32, #tpu.memory_space<vmem>>
    %dma_wait3A_690 = arith.constant 14080 : i32
    %dma_wait3A_691 = tpu.memref_slice %arg5[%dma_wait3A_690] : memref<25600xi32, #tpu.memory_space<vmem>> -> memref<1280xi32, #tpu.memory_space<vmem>>
    %dma_wait3A_692 = arith.constant 0 : i32
    %dma_wait3A_693 = arith.constant 0 : i32
    %dma_wait3A_694 = tpu.memref_slice %arg3[%dma_wait3A_692, %dma_wait3A_693] : memref<1000000x16xf32, #tpu.memory_space<hbm>> -> memref<1000000x16xf32, #tpu.memory_space<hbm>>
    %dma_wait3A_695 = tpu.memref_slice %arg7[%dma_wait3A_685] : memref<4x!tpu.dma_semaphore, #tpu.memory_space<semaphore_mem>> -> memref<1x!tpu.dma_semaphore, #tpu.memory_space<semaphore_mem>>
    %dma_wait3A_696 = tpu.memref_squeeze %dma_wait3A_695 : memref<1x!tpu.dma_semaphore, #tpu.memory_space<semaphore_mem>> -> memref<!tpu.dma_semaphore, #tpu.memory_space<semaphore_mem>>
    tpu.wait_indirect_dma semaphore(%dma_wait3A_696 : memref<!tpu.dma_semaphore, #tpu.memory_space<semaphore_mem>>) src(%dma_wait3A_694 : memref<1000000x16xf32, #tpu.memory_space<hbm>>) dst(%dma_wait3A_689 : memref<1280x16xf32, #tpu.memory_space<vmem>>)
    %add3A_697 = arith.constant 14080 : i32
    %add3A_698 = arith.addi %mul3A_2, %add3A_697 : i32
    %dma_start3A_699 = arith.constant 3 : i32
    %dma_start3A_700 = arith.constant 3 : i32
    %dma_start3A_701 = arith.constant 0 : i32
    %dma_start3A_702 = arith.constant 0 : i32
    %dma_start3A_703 = tpu.memref_slice %arg6[%dma_start3A_699, %dma_start3A_701, %dma_start3A_702] : memref<4x1280x16xf32, #tpu.memory_space<vmem>> -> memref<1x1280x16xf32, #tpu.memory_space<vmem>>
    %dma_start3A_704 = tpu.memref_squeeze %dma_start3A_703 : memref<1x1280x16xf32, #tpu.memory_space<vmem>> -> memref<1280x16xf32, #tpu.memory_space<vmem>>
    %dma_start3A_705 = arith.constant 0 : i32
    %dma_start3A_706 = tpu.memref_slice %arg4[%add3A_698, %dma_start3A_705] : memref<819200x16xf32, #tpu.memory_space<hbm>> -> memref<1280x16xf32, #tpu.memory_space<hbm>>
    %dma_start3A_707 = tpu.memref_slice %arg8[%dma_start3A_700] : memref<4x!tpu.dma_semaphore, #tpu.memory_space<semaphore_mem>> -> memref<1x!tpu.dma_semaphore, #tpu.memory_space<semaphore_mem>>
    %dma_start3A_708 = tpu.memref_squeeze %dma_start3A_707 : memref<1x!tpu.dma_semaphore, #tpu.memory_space<semaphore_mem>> -> memref<!tpu.dma_semaphore, #tpu.memory_space<semaphore_mem>>
    %dma_start3A_709 = arith.constant 0 : i32
    %dma_start3A_710 = tpu.memref_slice %arg4[%add3A_698, %dma_start3A_709] : memref<819200x16xf32, #tpu.memory_space<hbm>> -> memref<1280x16xf32, #tpu.memory_space<hbm>>
    %dma_start3A_711 = arith.constant 0 : i32
    %dma_start3A_712 = arith.constant 0 : i32
    %dma_start3A_713 = tpu.memref_slice %arg6[%dma_start3A_699, %dma_start3A_711, %dma_start3A_712] : memref<4x1280x16xf32, #tpu.memory_space<vmem>> -> memref<1x1280x16xf32, #tpu.memory_space<vmem>>
    %dma_start3A_714 = tpu.memref_squeeze %dma_start3A_713 : memref<1x1280x16xf32, #tpu.memory_space<vmem>> -> memref<1280x16xf32, #tpu.memory_space<vmem>>
    tpu.enqueue_dma source(%dma_start3A_714 : memref<1280x16xf32, #tpu.memory_space<vmem>>) target(%dma_start3A_710 : memref<1280x16xf32, #tpu.memory_space<hbm>>) target_semaphore(%dma_start3A_708 : memref<!tpu.dma_semaphore, #tpu.memory_space<semaphore_mem>>)
    %dma_wait3A_715 = arith.constant 2 : i32
    %dma_wait3A_716 = arith.constant 2 : i32
    %dma_wait3A_717 = arith.constant 0 : i32
    %dma_wait3A_718 = arith.constant 0 : i32
    %dma_wait3A_719 = tpu.memref_slice %arg6[%dma_wait3A_715, %dma_wait3A_717, %dma_wait3A_718] : memref<4x1280x16xf32, #tpu.memory_space<vmem>> -> memref<1x1280x16xf32, #tpu.memory_space<vmem>>
    %dma_wait3A_720 = tpu.memref_squeeze %dma_wait3A_719 : memref<1x1280x16xf32, #tpu.memory_space<vmem>> -> memref<1280x16xf32, #tpu.memory_space<vmem>>
    %dma_wait3A_721 = arith.constant 0 : i32
    %dma_wait3A_722 = tpu.memref_slice %arg4[%add3A_638, %dma_wait3A_721] : memref<819200x16xf32, #tpu.memory_space<hbm>> -> memref<1280x16xf32, #tpu.memory_space<hbm>>
    %dma_wait3A_723 = tpu.memref_slice %arg8[%dma_wait3A_716] : memref<4x!tpu.dma_semaphore, #tpu.memory_space<semaphore_mem>> -> memref<1x!tpu.dma_semaphore, #tpu.memory_space<semaphore_mem>>
    %dma_wait3A_724 = tpu.memref_squeeze %dma_wait3A_723 : memref<1x!tpu.dma_semaphore, #tpu.memory_space<semaphore_mem>> -> memref<!tpu.dma_semaphore, #tpu.memory_space<semaphore_mem>>
    %dma_wait3A_725 = arith.constant 0 : i32
    %dma_wait3A_726 = tpu.memref_slice %arg4[%add3A_638, %dma_wait3A_725] : memref<819200x16xf32, #tpu.memory_space<hbm>> -> memref<1280x16xf32, #tpu.memory_space<hbm>>
    %dma_wait3A_727 = arith.constant 0 : i32
    %dma_wait3A_728 = arith.constant 0 : i32
    %dma_wait3A_729 = tpu.memref_slice %arg6[%dma_wait3A_715, %dma_wait3A_727, %dma_wait3A_728] : memref<4x1280x16xf32, #tpu.memory_space<vmem>> -> memref<1x1280x16xf32, #tpu.memory_space<vmem>>
    %dma_wait3A_730 = tpu.memref_squeeze %dma_wait3A_729 : memref<1x1280x16xf32, #tpu.memory_space<vmem>> -> memref<1280x16xf32, #tpu.memory_space<vmem>>
    tpu.wait_dma2 semaphore(%dma_wait3A_724 : memref<!tpu.dma_semaphore, #tpu.memory_space<semaphore_mem>>) src(%dma_wait3A_730 : memref<1280x16xf32, #tpu.memory_space<vmem>>) dst(%dma_wait3A_726 : memref<1280x16xf32, #tpu.memory_space<hbm>>)
    %dma_start3A_731 = arith.constant 2 : i32
    %dma_start3A_732 = arith.constant 2 : i32
    %dma_start3A_733 = arith.constant 0 : i32
    %dma_start3A_734 = arith.constant 0 : i32
    %dma_start3A_735 = tpu.memref_slice %arg6[%dma_start3A_731, %dma_start3A_733, %dma_start3A_734] : memref<4x1280x16xf32, #tpu.memory_space<vmem>> -> memref<1x1280x16xf32, #tpu.memory_space<vmem>>
    %dma_start3A_736 = tpu.memref_squeeze %dma_start3A_735 : memref<1x1280x16xf32, #tpu.memory_space<vmem>> -> memref<1280x16xf32, #tpu.memory_space<vmem>>
    %dma_start3A_737 = arith.constant 17920 : i32
    %dma_start3A_738 = tpu.memref_slice %arg5[%dma_start3A_737] : memref<25600xi32, #tpu.memory_space<vmem>> -> memref<1280xi32, #tpu.memory_space<vmem>>
    %dma_start3A_739 = arith.constant 0 : i32
    %dma_start3A_740 = arith.constant 0 : i32
    %dma_start3A_741 = tpu.memref_slice %arg3[%dma_start3A_739, %dma_start3A_740] : memref<1000000x16xf32, #tpu.memory_space<hbm>> -> memref<1000000x16xf32, #tpu.memory_space<hbm>>
    %dma_start3A_742 = tpu.memref_slice %arg7[%dma_start3A_732] : memref<4x!tpu.dma_semaphore, #tpu.memory_space<semaphore_mem>> -> memref<1x!tpu.dma_semaphore, #tpu.memory_space<semaphore_mem>>
    %dma_start3A_743 = tpu.memref_squeeze %dma_start3A_742 : memref<1x!tpu.dma_semaphore, #tpu.memory_space<semaphore_mem>> -> memref<!tpu.dma_semaphore, #tpu.memory_space<semaphore_mem>>
    tpu.enqueue_indirect_dma source(%dma_start3A_741 : memref<1000000x16xf32, #tpu.memory_space<hbm>>) target(%dma_start3A_736 : memref<1280x16xf32, #tpu.memory_space<vmem>>) offsets(%dma_start3A_738 : memref<1280xi32, #tpu.memory_space<vmem>>) semaphore(%dma_start3A_743 : memref<!tpu.dma_semaphore, #tpu.memory_space<semaphore_mem>>)
    %dma_wait3A_744 = arith.constant 0 : i32
    %dma_wait3A_745 = arith.constant 0 : i32
    %dma_wait3A_746 = arith.constant 0 : i32
    %dma_wait3A_747 = arith.constant 0 : i32
    %dma_wait3A_748 = tpu.memref_slice %arg6[%dma_wait3A_744, %dma_wait3A_746, %dma_wait3A_747] : memref<4x1280x16xf32, #tpu.memory_space<vmem>> -> memref<1x1280x16xf32, #tpu.memory_space<vmem>>
    %dma_wait3A_749 = tpu.memref_squeeze %dma_wait3A_748 : memref<1x1280x16xf32, #tpu.memory_space<vmem>> -> memref<1280x16xf32, #tpu.memory_space<vmem>>
    %dma_wait3A_750 = arith.constant 15360 : i32
    %dma_wait3A_751 = tpu.memref_slice %arg5[%dma_wait3A_750] : memref<25600xi32, #tpu.memory_space<vmem>> -> memref<1280xi32, #tpu.memory_space<vmem>>
    %dma_wait3A_752 = arith.constant 0 : i32
    %dma_wait3A_753 = arith.constant 0 : i32
    %dma_wait3A_754 = tpu.memref_slice %arg3[%dma_wait3A_752, %dma_wait3A_753] : memref<1000000x16xf32, #tpu.memory_space<hbm>> -> memref<1000000x16xf32, #tpu.memory_space<hbm>>
    %dma_wait3A_755 = tpu.memref_slice %arg7[%dma_wait3A_745] : memref<4x!tpu.dma_semaphore, #tpu.memory_space<semaphore_mem>> -> memref<1x!tpu.dma_semaphore, #tpu.memory_space<semaphore_mem>>
    %dma_wait3A_756 = tpu.memref_squeeze %dma_wait3A_755 : memref<1x!tpu.dma_semaphore, #tpu.memory_space<semaphore_mem>> -> memref<!tpu.dma_semaphore, #tpu.memory_space<semaphore_mem>>
    tpu.wait_indirect_dma semaphore(%dma_wait3A_756 : memref<!tpu.dma_semaphore, #tpu.memory_space<semaphore_mem>>) src(%dma_wait3A_754 : memref<1000000x16xf32, #tpu.memory_space<hbm>>) dst(%dma_wait3A_749 : memref<1280x16xf32, #tpu.memory_space<vmem>>)
    %add3A_757 = arith.constant 15360 : i32
    %add3A_758 = arith.addi %mul3A_2, %add3A_757 : i32
    %dma_start3A_759 = arith.constant 0 : i32
    %dma_start3A_760 = arith.constant 0 : i32
    %dma_start3A_761 = arith.constant 0 : i32
    %dma_start3A_762 = arith.constant 0 : i32
    %dma_start3A_763 = tpu.memref_slice %arg6[%dma_start3A_759, %dma_start3A_761, %dma_start3A_762] : memref<4x1280x16xf32, #tpu.memory_space<vmem>> -> memref<1x1280x16xf32, #tpu.memory_space<vmem>>
    %dma_start3A_764 = tpu.memref_squeeze %dma_start3A_763 : memref<1x1280x16xf32, #tpu.memory_space<vmem>> -> memref<1280x16xf32, #tpu.memory_space<vmem>>
    %dma_start3A_765 = arith.constant 0 : i32
    %dma_start3A_766 = tpu.memref_slice %arg4[%add3A_758, %dma_start3A_765] : memref<819200x16xf32, #tpu.memory_space<hbm>> -> memref<1280x16xf32, #tpu.memory_space<hbm>>
    %dma_start3A_767 = tpu.memref_slice %arg8[%dma_start3A_760] : memref<4x!tpu.dma_semaphore, #tpu.memory_space<semaphore_mem>> -> memref<1x!tpu.dma_semaphore, #tpu.memory_space<semaphore_mem>>
    %dma_start3A_768 = tpu.memref_squeeze %dma_start3A_767 : memref<1x!tpu.dma_semaphore, #tpu.memory_space<semaphore_mem>> -> memref<!tpu.dma_semaphore, #tpu.memory_space<semaphore_mem>>
    %dma_start3A_769 = arith.constant 0 : i32
    %dma_start3A_770 = tpu.memref_slice %arg4[%add3A_758, %dma_start3A_769] : memref<819200x16xf32, #tpu.memory_space<hbm>> -> memref<1280x16xf32, #tpu.memory_space<hbm>>
    %dma_start3A_771 = arith.constant 0 : i32
    %dma_start3A_772 = arith.constant 0 : i32
    %dma_start3A_773 = tpu.memref_slice %arg6[%dma_start3A_759, %dma_start3A_771, %dma_start3A_772] : memref<4x1280x16xf32, #tpu.memory_space<vmem>> -> memref<1x1280x16xf32, #tpu.memory_space<vmem>>
    %dma_start3A_774 = tpu.memref_squeeze %dma_start3A_773 : memref<1x1280x16xf32, #tpu.memory_space<vmem>> -> memref<1280x16xf32, #tpu.memory_space<vmem>>
    tpu.enqueue_dma source(%dma_start3A_774 : memref<1280x16xf32, #tpu.memory_space<vmem>>) target(%dma_start3A_770 : memref<1280x16xf32, #tpu.memory_space<hbm>>) target_semaphore(%dma_start3A_768 : memref<!tpu.dma_semaphore, #tpu.memory_space<semaphore_mem>>)
    %dma_wait3A_775 = arith.constant 3 : i32
    %dma_wait3A_776 = arith.constant 3 : i32
    %dma_wait3A_777 = arith.constant 0 : i32
    %dma_wait3A_778 = arith.constant 0 : i32
    %dma_wait3A_779 = tpu.memref_slice %arg6[%dma_wait3A_775, %dma_wait3A_777, %dma_wait3A_778] : memref<4x1280x16xf32, #tpu.memory_space<vmem>> -> memref<1x1280x16xf32, #tpu.memory_space<vmem>>
    %dma_wait3A_780 = tpu.memref_squeeze %dma_wait3A_779 : memref<1x1280x16xf32, #tpu.memory_space<vmem>> -> memref<1280x16xf32, #tpu.memory_space<vmem>>
    %dma_wait3A_781 = arith.constant 0 : i32
    %dma_wait3A_782 = tpu.memref_slice %arg4[%add3A_698, %dma_wait3A_781] : memref<819200x16xf32, #tpu.memory_space<hbm>> -> memref<1280x16xf32, #tpu.memory_space<hbm>>
    %dma_wait3A_783 = tpu.memref_slice %arg8[%dma_wait3A_776] : memref<4x!tpu.dma_semaphore, #tpu.memory_space<semaphore_mem>> -> memref<1x!tpu.dma_semaphore, #tpu.memory_space<semaphore_mem>>
    %dma_wait3A_784 = tpu.memref_squeeze %dma_wait3A_783 : memref<1x!tpu.dma_semaphore, #tpu.memory_space<semaphore_mem>> -> memref<!tpu.dma_semaphore, #tpu.memory_space<semaphore_mem>>
    %dma_wait3A_785 = arith.constant 0 : i32
    %dma_wait3A_786 = tpu.memref_slice %arg4[%add3A_698, %dma_wait3A_785] : memref<819200x16xf32, #tpu.memory_space<hbm>> -> memref<1280x16xf32, #tpu.memory_space<hbm>>
    %dma_wait3A_787 = arith.constant 0 : i32
    %dma_wait3A_788 = arith.constant 0 : i32
    %dma_wait3A_789 = tpu.memref_slice %arg6[%dma_wait3A_775, %dma_wait3A_787, %dma_wait3A_788] : memref<4x1280x16xf32, #tpu.memory_space<vmem>> -> memref<1x1280x16xf32, #tpu.memory_space<vmem>>
    %dma_wait3A_790 = tpu.memref_squeeze %dma_wait3A_789 : memref<1x1280x16xf32, #tpu.memory_space<vmem>> -> memref<1280x16xf32, #tpu.memory_space<vmem>>
    tpu.wait_dma2 semaphore(%dma_wait3A_784 : memref<!tpu.dma_semaphore, #tpu.memory_space<semaphore_mem>>) src(%dma_wait3A_790 : memref<1280x16xf32, #tpu.memory_space<vmem>>) dst(%dma_wait3A_786 : memref<1280x16xf32, #tpu.memory_space<hbm>>)
    %dma_start3A_791 = arith.constant 3 : i32
    %dma_start3A_792 = arith.constant 3 : i32
    %dma_start3A_793 = arith.constant 0 : i32
    %dma_start3A_794 = arith.constant 0 : i32
    %dma_start3A_795 = tpu.memref_slice %arg6[%dma_start3A_791, %dma_start3A_793, %dma_start3A_794] : memref<4x1280x16xf32, #tpu.memory_space<vmem>> -> memref<1x1280x16xf32, #tpu.memory_space<vmem>>
    %dma_start3A_796 = tpu.memref_squeeze %dma_start3A_795 : memref<1x1280x16xf32, #tpu.memory_space<vmem>> -> memref<1280x16xf32, #tpu.memory_space<vmem>>
    %dma_start3A_797 = arith.constant 19200 : i32
    %dma_start3A_798 = tpu.memref_slice %arg5[%dma_start3A_797] : memref<25600xi32, #tpu.memory_space<vmem>> -> memref<1280xi32, #tpu.memory_space<vmem>>
    %dma_start3A_799 = arith.constant 0 : i32
    %dma_start3A_800 = arith.constant 0 : i32
    %dma_start3A_801 = tpu.memref_slice %arg3[%dma_start3A_799, %dma_start3A_800] : memref<1000000x16xf32, #tpu.memory_space<hbm>> -> memref<1000000x16xf32, #tpu.memory_space<hbm>>
    %dma_start3A_802 = tpu.memref_slice %arg7[%dma_start3A_792] : memref<4x!tpu.dma_semaphore, #tpu.memory_space<semaphore_mem>> -> memref<1x!tpu.dma_semaphore, #tpu.memory_space<semaphore_mem>>
    %dma_start3A_803 = tpu.memref_squeeze %dma_start3A_802 : memref<1x!tpu.dma_semaphore, #tpu.memory_space<semaphore_mem>> -> memref<!tpu.dma_semaphore, #tpu.memory_space<semaphore_mem>>
    tpu.enqueue_indirect_dma source(%dma_start3A_801 : memref<1000000x16xf32, #tpu.memory_space<hbm>>) target(%dma_start3A_796 : memref<1280x16xf32, #tpu.memory_space<vmem>>) offsets(%dma_start3A_798 : memref<1280xi32, #tpu.memory_space<vmem>>) semaphore(%dma_start3A_803 : memref<!tpu.dma_semaphore, #tpu.memory_space<semaphore_mem>>)
    %dma_wait3A_804 = arith.constant 1 : i32
    %dma_wait3A_805 = arith.constant 1 : i32
    %dma_wait3A_806 = arith.constant 0 : i32
    %dma_wait3A_807 = arith.constant 0 : i32
    %dma_wait3A_808 = tpu.memref_slice %arg6[%dma_wait3A_804, %dma_wait3A_806, %dma_wait3A_807] : memref<4x1280x16xf32, #tpu.memory_space<vmem>> -> memref<1x1280x16xf32, #tpu.memory_space<vmem>>
    %dma_wait3A_809 = tpu.memref_squeeze %dma_wait3A_808 : memref<1x1280x16xf32, #tpu.memory_space<vmem>> -> memref<1280x16xf32, #tpu.memory_space<vmem>>
    %dma_wait3A_810 = arith.constant 16640 : i32
    %dma_wait3A_811 = tpu.memref_slice %arg5[%dma_wait3A_810] : memref<25600xi32, #tpu.memory_space<vmem>> -> memref<1280xi32, #tpu.memory_space<vmem>>
    %dma_wait3A_812 = arith.constant 0 : i32
    %dma_wait3A_813 = arith.constant 0 : i32
    %dma_wait3A_814 = tpu.memref_slice %arg3[%dma_wait3A_812, %dma_wait3A_813] : memref<1000000x16xf32, #tpu.memory_space<hbm>> -> memref<1000000x16xf32, #tpu.memory_space<hbm>>
    %dma_wait3A_815 = tpu.memref_slice %arg7[%dma_wait3A_805] : memref<4x!tpu.dma_semaphore, #tpu.memory_space<semaphore_mem>> -> memref<1x!tpu.dma_semaphore, #tpu.memory_space<semaphore_mem>>
    %dma_wait3A_816 = tpu.memref_squeeze %dma_wait3A_815 : memref<1x!tpu.dma_semaphore, #tpu.memory_space<semaphore_mem>> -> memref<!tpu.dma_semaphore, #tpu.memory_space<semaphore_mem>>
    tpu.wait_indirect_dma semaphore(%dma_wait3A_816 : memref<!tpu.dma_semaphore, #tpu.memory_space<semaphore_mem>>) src(%dma_wait3A_814 : memref<1000000x16xf32, #tpu.memory_space<hbm>>) dst(%dma_wait3A_809 : memref<1280x16xf32, #tpu.memory_space<vmem>>)
    %add3A_817 = arith.constant 16640 : i32
    %add3A_818 = arith.addi %mul3A_2, %add3A_817 : i32
    %dma_start3A_819 = arith.constant 1 : i32
    %dma_start3A_820 = arith.constant 1 : i32
    %dma_start3A_821 = arith.constant 0 : i32
    %dma_start3A_822 = arith.constant 0 : i32
    %dma_start3A_823 = tpu.memref_slice %arg6[%dma_start3A_819, %dma_start3A_821, %dma_start3A_822] : memref<4x1280x16xf32, #tpu.memory_space<vmem>> -> memref<1x1280x16xf32, #tpu.memory_space<vmem>>
    %dma_start3A_824 = tpu.memref_squeeze %dma_start3A_823 : memref<1x1280x16xf32, #tpu.memory_space<vmem>> -> memref<1280x16xf32, #tpu.memory_space<vmem>>
    %dma_start3A_825 = arith.constant 0 : i32
    %dma_start3A_826 = tpu.memref_slice %arg4[%add3A_818, %dma_start3A_825] : memref<819200x16xf32, #tpu.memory_space<hbm>> -> memref<1280x16xf32, #tpu.memory_space<hbm>>
    %dma_start3A_827 = tpu.memref_slice %arg8[%dma_start3A_820] : memref<4x!tpu.dma_semaphore, #tpu.memory_space<semaphore_mem>> -> memref<1x!tpu.dma_semaphore, #tpu.memory_space<semaphore_mem>>
    %dma_start3A_828 = tpu.memref_squeeze %dma_start3A_827 : memref<1x!tpu.dma_semaphore, #tpu.memory_space<semaphore_mem>> -> memref<!tpu.dma_semaphore, #tpu.memory_space<semaphore_mem>>
    %dma_start3A_829 = arith.constant 0 : i32
    %dma_start3A_830 = tpu.memref_slice %arg4[%add3A_818, %dma_start3A_829] : memref<819200x16xf32, #tpu.memory_space<hbm>> -> memref<1280x16xf32, #tpu.memory_space<hbm>>
    %dma_start3A_831 = arith.constant 0 : i32
    %dma_start3A_832 = arith.constant 0 : i32
    %dma_start3A_833 = tpu.memref_slice %arg6[%dma_start3A_819, %dma_start3A_831, %dma_start3A_832] : memref<4x1280x16xf32, #tpu.memory_space<vmem>> -> memref<1x1280x16xf32, #tpu.memory_space<vmem>>
    %dma_start3A_834 = tpu.memref_squeeze %dma_start3A_833 : memref<1x1280x16xf32, #tpu.memory_space<vmem>> -> memref<1280x16xf32, #tpu.memory_space<vmem>>
    tpu.enqueue_dma source(%dma_start3A_834 : memref<1280x16xf32, #tpu.memory_space<vmem>>) target(%dma_start3A_830 : memref<1280x16xf32, #tpu.memory_space<hbm>>) target_semaphore(%dma_start3A_828 : memref<!tpu.dma_semaphore, #tpu.memory_space<semaphore_mem>>)
    %dma_wait3A_835 = arith.constant 0 : i32
    %dma_wait3A_836 = arith.constant 0 : i32
    %dma_wait3A_837 = arith.constant 0 : i32
    %dma_wait3A_838 = arith.constant 0 : i32
    %dma_wait3A_839 = tpu.memref_slice %arg6[%dma_wait3A_835, %dma_wait3A_837, %dma_wait3A_838] : memref<4x1280x16xf32, #tpu.memory_space<vmem>> -> memref<1x1280x16xf32, #tpu.memory_space<vmem>>
    %dma_wait3A_840 = tpu.memref_squeeze %dma_wait3A_839 : memref<1x1280x16xf32, #tpu.memory_space<vmem>> -> memref<1280x16xf32, #tpu.memory_space<vmem>>
    %dma_wait3A_841 = arith.constant 0 : i32
    %dma_wait3A_842 = tpu.memref_slice %arg4[%add3A_758, %dma_wait3A_841] : memref<819200x16xf32, #tpu.memory_space<hbm>> -> memref<1280x16xf32, #tpu.memory_space<hbm>>
    %dma_wait3A_843 = tpu.memref_slice %arg8[%dma_wait3A_836] : memref<4x!tpu.dma_semaphore, #tpu.memory_space<semaphore_mem>> -> memref<1x!tpu.dma_semaphore, #tpu.memory_space<semaphore_mem>>
    %dma_wait3A_844 = tpu.memref_squeeze %dma_wait3A_843 : memref<1x!tpu.dma_semaphore, #tpu.memory_space<semaphore_mem>> -> memref<!tpu.dma_semaphore, #tpu.memory_space<semaphore_mem>>
    %dma_wait3A_845 = arith.constant 0 : i32
    %dma_wait3A_846 = tpu.memref_slice %arg4[%add3A_758, %dma_wait3A_845] : memref<819200x16xf32, #tpu.memory_space<hbm>> -> memref<1280x16xf32, #tpu.memory_space<hbm>>
    %dma_wait3A_847 = arith.constant 0 : i32
    %dma_wait3A_848 = arith.constant 0 : i32
    %dma_wait3A_849 = tpu.memref_slice %arg6[%dma_wait3A_835, %dma_wait3A_847, %dma_wait3A_848] : memref<4x1280x16xf32, #tpu.memory_space<vmem>> -> memref<1x1280x16xf32, #tpu.memory_space<vmem>>
    %dma_wait3A_850 = tpu.memref_squeeze %dma_wait3A_849 : memref<1x1280x16xf32, #tpu.memory_space<vmem>> -> memref<1280x16xf32, #tpu.memory_space<vmem>>
    tpu.wait_dma2 semaphore(%dma_wait3A_844 : memref<!tpu.dma_semaphore, #tpu.memory_space<semaphore_mem>>) src(%dma_wait3A_850 : memref<1280x16xf32, #tpu.memory_space<vmem>>) dst(%dma_wait3A_846 : memref<1280x16xf32, #tpu.memory_space<hbm>>)
    %dma_start3A_851 = arith.constant 0 : i32
    %dma_start3A_852 = arith.constant 0 : i32
    %dma_start3A_853 = arith.constant 0 : i32
    %dma_start3A_854 = arith.constant 0 : i32
    %dma_start3A_855 = tpu.memref_slice %arg6[%dma_start3A_851, %dma_start3A_853, %dma_start3A_854] : memref<4x1280x16xf32, #tpu.memory_space<vmem>> -> memref<1x1280x16xf32, #tpu.memory_space<vmem>>
    %dma_start3A_856 = tpu.memref_squeeze %dma_start3A_855 : memref<1x1280x16xf32, #tpu.memory_space<vmem>> -> memref<1280x16xf32, #tpu.memory_space<vmem>>
    %dma_start3A_857 = arith.constant 20480 : i32
    %dma_start3A_858 = tpu.memref_slice %arg5[%dma_start3A_857] : memref<25600xi32, #tpu.memory_space<vmem>> -> memref<1280xi32, #tpu.memory_space<vmem>>
    %dma_start3A_859 = arith.constant 0 : i32
    %dma_start3A_860 = arith.constant 0 : i32
    %dma_start3A_861 = tpu.memref_slice %arg3[%dma_start3A_859, %dma_start3A_860] : memref<1000000x16xf32, #tpu.memory_space<hbm>> -> memref<1000000x16xf32, #tpu.memory_space<hbm>>
    %dma_start3A_862 = tpu.memref_slice %arg7[%dma_start3A_852] : memref<4x!tpu.dma_semaphore, #tpu.memory_space<semaphore_mem>> -> memref<1x!tpu.dma_semaphore, #tpu.memory_space<semaphore_mem>>
    %dma_start3A_863 = tpu.memref_squeeze %dma_start3A_862 : memref<1x!tpu.dma_semaphore, #tpu.memory_space<semaphore_mem>> -> memref<!tpu.dma_semaphore, #tpu.memory_space<semaphore_mem>>
    tpu.enqueue_indirect_dma source(%dma_start3A_861 : memref<1000000x16xf32, #tpu.memory_space<hbm>>) target(%dma_start3A_856 : memref<1280x16xf32, #tpu.memory_space<vmem>>) offsets(%dma_start3A_858 : memref<1280xi32, #tpu.memory_space<vmem>>) semaphore(%dma_start3A_863 : memref<!tpu.dma_semaphore, #tpu.memory_space<semaphore_mem>>)
    %dma_wait3A_864 = arith.constant 2 : i32
    %dma_wait3A_865 = arith.constant 2 : i32
    %dma_wait3A_866 = arith.constant 0 : i32
    %dma_wait3A_867 = arith.constant 0 : i32
    %dma_wait3A_868 = tpu.memref_slice %arg6[%dma_wait3A_864, %dma_wait3A_866, %dma_wait3A_867] : memref<4x1280x16xf32, #tpu.memory_space<vmem>> -> memref<1x1280x16xf32, #tpu.memory_space<vmem>>
    %dma_wait3A_869 = tpu.memref_squeeze %dma_wait3A_868 : memref<1x1280x16xf32, #tpu.memory_space<vmem>> -> memref<1280x16xf32, #tpu.memory_space<vmem>>
    %dma_wait3A_870 = arith.constant 17920 : i32
    %dma_wait3A_871 = tpu.memref_slice %arg5[%dma_wait3A_870] : memref<25600xi32, #tpu.memory_space<vmem>> -> memref<1280xi32, #tpu.memory_space<vmem>>
    %dma_wait3A_872 = arith.constant 0 : i32
    %dma_wait3A_873 = arith.constant 0 : i32
    %dma_wait3A_874 = tpu.memref_slice %arg3[%dma_wait3A_872, %dma_wait3A_873] : memref<1000000x16xf32, #tpu.memory_space<hbm>> -> memref<1000000x16xf32, #tpu.memory_space<hbm>>
    %dma_wait3A_875 = tpu.memref_slice %arg7[%dma_wait3A_865] : memref<4x!tpu.dma_semaphore, #tpu.memory_space<semaphore_mem>> -> memref<1x!tpu.dma_semaphore, #tpu.memory_space<semaphore_mem>>
    %dma_wait3A_876 = tpu.memref_squeeze %dma_wait3A_875 : memref<1x!tpu.dma_semaphore, #tpu.memory_space<semaphore_mem>> -> memref<!tpu.dma_semaphore, #tpu.memory_space<semaphore_mem>>
    tpu.wait_indirect_dma semaphore(%dma_wait3A_876 : memref<!tpu.dma_semaphore, #tpu.memory_space<semaphore_mem>>) src(%dma_wait3A_874 : memref<1000000x16xf32, #tpu.memory_space<hbm>>) dst(%dma_wait3A_869 : memref<1280x16xf32, #tpu.memory_space<vmem>>)
    %add3A_877 = arith.constant 17920 : i32
    %add3A_878 = arith.addi %mul3A_2, %add3A_877 : i32
    %dma_start3A_879 = arith.constant 2 : i32
    %dma_start3A_880 = arith.constant 2 : i32
    %dma_start3A_881 = arith.constant 0 : i32
    %dma_start3A_882 = arith.constant 0 : i32
    %dma_start3A_883 = tpu.memref_slice %arg6[%dma_start3A_879, %dma_start3A_881, %dma_start3A_882] : memref<4x1280x16xf32, #tpu.memory_space<vmem>> -> memref<1x1280x16xf32, #tpu.memory_space<vmem>>
    %dma_start3A_884 = tpu.memref_squeeze %dma_start3A_883 : memref<1x1280x16xf32, #tpu.memory_space<vmem>> -> memref<1280x16xf32, #tpu.memory_space<vmem>>
    %dma_start3A_885 = arith.constant 0 : i32
    %dma_start3A_886 = tpu.memref_slice %arg4[%add3A_878, %dma_start3A_885] : memref<819200x16xf32, #tpu.memory_space<hbm>> -> memref<1280x16xf32, #tpu.memory_space<hbm>>
    %dma_start3A_887 = tpu.memref_slice %arg8[%dma_start3A_880] : memref<4x!tpu.dma_semaphore, #tpu.memory_space<semaphore_mem>> -> memref<1x!tpu.dma_semaphore, #tpu.memory_space<semaphore_mem>>
    %dma_start3A_888 = tpu.memref_squeeze %dma_start3A_887 : memref<1x!tpu.dma_semaphore, #tpu.memory_space<semaphore_mem>> -> memref<!tpu.dma_semaphore, #tpu.memory_space<semaphore_mem>>
    %dma_start3A_889 = arith.constant 0 : i32
    %dma_start3A_890 = tpu.memref_slice %arg4[%add3A_878, %dma_start3A_889] : memref<819200x16xf32, #tpu.memory_space<hbm>> -> memref<1280x16xf32, #tpu.memory_space<hbm>>
    %dma_start3A_891 = arith.constant 0 : i32
    %dma_start3A_892 = arith.constant 0 : i32
    %dma_start3A_893 = tpu.memref_slice %arg6[%dma_start3A_879, %dma_start3A_891, %dma_start3A_892] : memref<4x1280x16xf32, #tpu.memory_space<vmem>> -> memref<1x1280x16xf32, #tpu.memory_space<vmem>>
    %dma_start3A_894 = tpu.memref_squeeze %dma_start3A_893 : memref<1x1280x16xf32, #tpu.memory_space<vmem>> -> memref<1280x16xf32, #tpu.memory_space<vmem>>
    tpu.enqueue_dma source(%dma_start3A_894 : memref<1280x16xf32, #tpu.memory_space<vmem>>) target(%dma_start3A_890 : memref<1280x16xf32, #tpu.memory_space<hbm>>) target_semaphore(%dma_start3A_888 : memref<!tpu.dma_semaphore, #tpu.memory_space<semaphore_mem>>)
    %dma_wait3A_895 = arith.constant 1 : i32
    %dma_wait3A_896 = arith.constant 1 : i32
    %dma_wait3A_897 = arith.constant 0 : i32
    %dma_wait3A_898 = arith.constant 0 : i32
    %dma_wait3A_899 = tpu.memref_slice %arg6[%dma_wait3A_895, %dma_wait3A_897, %dma_wait3A_898] : memref<4x1280x16xf32, #tpu.memory_space<vmem>> -> memref<1x1280x16xf32, #tpu.memory_space<vmem>>
    %dma_wait3A_900 = tpu.memref_squeeze %dma_wait3A_899 : memref<1x1280x16xf32, #tpu.memory_space<vmem>> -> memref<1280x16xf32, #tpu.memory_space<vmem>>
    %dma_wait3A_901 = arith.constant 0 : i32
    %dma_wait3A_902 = tpu.memref_slice %arg4[%add3A_818, %dma_wait3A_901] : memref<819200x16xf32, #tpu.memory_space<hbm>> -> memref<1280x16xf32, #tpu.memory_space<hbm>>
    %dma_wait3A_903 = tpu.memref_slice %arg8[%dma_wait3A_896] : memref<4x!tpu.dma_semaphore, #tpu.memory_space<semaphore_mem>> -> memref<1x!tpu.dma_semaphore, #tpu.memory_space<semaphore_mem>>
    %dma_wait3A_904 = tpu.memref_squeeze %dma_wait3A_903 : memref<1x!tpu.dma_semaphore, #tpu.memory_space<semaphore_mem>> -> memref<!tpu.dma_semaphore, #tpu.memory_space<semaphore_mem>>
    %dma_wait3A_905 = arith.constant 0 : i32
    %dma_wait3A_906 = tpu.memref_slice %arg4[%add3A_818, %dma_wait3A_905] : memref<819200x16xf32, #tpu.memory_space<hbm>> -> memref<1280x16xf32, #tpu.memory_space<hbm>>
    %dma_wait3A_907 = arith.constant 0 : i32
    %dma_wait3A_908 = arith.constant 0 : i32
    %dma_wait3A_909 = tpu.memref_slice %arg6[%dma_wait3A_895, %dma_wait3A_907, %dma_wait3A_908] : memref<4x1280x16xf32, #tpu.memory_space<vmem>> -> memref<1x1280x16xf32, #tpu.memory_space<vmem>>
    %dma_wait3A_910 = tpu.memref_squeeze %dma_wait3A_909 : memref<1x1280x16xf32, #tpu.memory_space<vmem>> -> memref<1280x16xf32, #tpu.memory_space<vmem>>
    tpu.wait_dma2 semaphore(%dma_wait3A_904 : memref<!tpu.dma_semaphore, #tpu.memory_space<semaphore_mem>>) src(%dma_wait3A_910 : memref<1280x16xf32, #tpu.memory_space<vmem>>) dst(%dma_wait3A_906 : memref<1280x16xf32, #tpu.memory_space<hbm>>)
    %dma_start3A_911 = arith.constant 1 : i32
    %dma_start3A_912 = arith.constant 1 : i32
    %dma_start3A_913 = arith.constant 0 : i32
    %dma_start3A_914 = arith.constant 0 : i32
    %dma_start3A_915 = tpu.memref_slice %arg6[%dma_start3A_911, %dma_start3A_913, %dma_start3A_914] : memref<4x1280x16xf32, #tpu.memory_space<vmem>> -> memref<1x1280x16xf32, #tpu.memory_space<vmem>>
    %dma_start3A_916 = tpu.memref_squeeze %dma_start3A_915 : memref<1x1280x16xf32, #tpu.memory_space<vmem>> -> memref<1280x16xf32, #tpu.memory_space<vmem>>
    %dma_start3A_917 = arith.constant 21760 : i32
    %dma_start3A_918 = tpu.memref_slice %arg5[%dma_start3A_917] : memref<25600xi32, #tpu.memory_space<vmem>> -> memref<1280xi32, #tpu.memory_space<vmem>>
    %dma_start3A_919 = arith.constant 0 : i32
    %dma_start3A_920 = arith.constant 0 : i32
    %dma_start3A_921 = tpu.memref_slice %arg3[%dma_start3A_919, %dma_start3A_920] : memref<1000000x16xf32, #tpu.memory_space<hbm>> -> memref<1000000x16xf32, #tpu.memory_space<hbm>>
    %dma_start3A_922 = tpu.memref_slice %arg7[%dma_start3A_912] : memref<4x!tpu.dma_semaphore, #tpu.memory_space<semaphore_mem>> -> memref<1x!tpu.dma_semaphore, #tpu.memory_space<semaphore_mem>>
    %dma_start3A_923 = tpu.memref_squeeze %dma_start3A_922 : memref<1x!tpu.dma_semaphore, #tpu.memory_space<semaphore_mem>> -> memref<!tpu.dma_semaphore, #tpu.memory_space<semaphore_mem>>
    tpu.enqueue_indirect_dma source(%dma_start3A_921 : memref<1000000x16xf32, #tpu.memory_space<hbm>>) target(%dma_start3A_916 : memref<1280x16xf32, #tpu.memory_space<vmem>>) offsets(%dma_start3A_918 : memref<1280xi32, #tpu.memory_space<vmem>>) semaphore(%dma_start3A_923 : memref<!tpu.dma_semaphore, #tpu.memory_space<semaphore_mem>>)
    %dma_wait3A_924 = arith.constant 3 : i32
    %dma_wait3A_925 = arith.constant 3 : i32
    %dma_wait3A_926 = arith.constant 0 : i32
    %dma_wait3A_927 = arith.constant 0 : i32
    %dma_wait3A_928 = tpu.memref_slice %arg6[%dma_wait3A_924, %dma_wait3A_926, %dma_wait3A_927] : memref<4x1280x16xf32, #tpu.memory_space<vmem>> -> memref<1x1280x16xf32, #tpu.memory_space<vmem>>
    %dma_wait3A_929 = tpu.memref_squeeze %dma_wait3A_928 : memref<1x1280x16xf32, #tpu.memory_space<vmem>> -> memref<1280x16xf32, #tpu.memory_space<vmem>>
    %dma_wait3A_930 = arith.constant 19200 : i32
    %dma_wait3A_931 = tpu.memref_slice %arg5[%dma_wait3A_930] : memref<25600xi32, #tpu.memory_space<vmem>> -> memref<1280xi32, #tpu.memory_space<vmem>>
    %dma_wait3A_932 = arith.constant 0 : i32
    %dma_wait3A_933 = arith.constant 0 : i32
    %dma_wait3A_934 = tpu.memref_slice %arg3[%dma_wait3A_932, %dma_wait3A_933] : memref<1000000x16xf32, #tpu.memory_space<hbm>> -> memref<1000000x16xf32, #tpu.memory_space<hbm>>
    %dma_wait3A_935 = tpu.memref_slice %arg7[%dma_wait3A_925] : memref<4x!tpu.dma_semaphore, #tpu.memory_space<semaphore_mem>> -> memref<1x!tpu.dma_semaphore, #tpu.memory_space<semaphore_mem>>
    %dma_wait3A_936 = tpu.memref_squeeze %dma_wait3A_935 : memref<1x!tpu.dma_semaphore, #tpu.memory_space<semaphore_mem>> -> memref<!tpu.dma_semaphore, #tpu.memory_space<semaphore_mem>>
    tpu.wait_indirect_dma semaphore(%dma_wait3A_936 : memref<!tpu.dma_semaphore, #tpu.memory_space<semaphore_mem>>) src(%dma_wait3A_934 : memref<1000000x16xf32, #tpu.memory_space<hbm>>) dst(%dma_wait3A_929 : memref<1280x16xf32, #tpu.memory_space<vmem>>)
    %add3A_937 = arith.constant 19200 : i32
    %add3A_938 = arith.addi %mul3A_2, %add3A_937 : i32
    %dma_start3A_939 = arith.constant 3 : i32
    %dma_start3A_940 = arith.constant 3 : i32
    %dma_start3A_941 = arith.constant 0 : i32
    %dma_start3A_942 = arith.constant 0 : i32
    %dma_start3A_943 = tpu.memref_slice %arg6[%dma_start3A_939, %dma_start3A_941, %dma_start3A_942] : memref<4x1280x16xf32, #tpu.memory_space<vmem>> -> memref<1x1280x16xf32, #tpu.memory_space<vmem>>
    %dma_start3A_944 = tpu.memref_squeeze %dma_start3A_943 : memref<1x1280x16xf32, #tpu.memory_space<vmem>> -> memref<1280x16xf32, #tpu.memory_space<vmem>>
    %dma_start3A_945 = arith.constant 0 : i32
    %dma_start3A_946 = tpu.memref_slice %arg4[%add3A_938, %dma_start3A_945] : memref<819200x16xf32, #tpu.memory_space<hbm>> -> memref<1280x16xf32, #tpu.memory_space<hbm>>
    %dma_start3A_947 = tpu.memref_slice %arg8[%dma_start3A_940] : memref<4x!tpu.dma_semaphore, #tpu.memory_space<semaphore_mem>> -> memref<1x!tpu.dma_semaphore, #tpu.memory_space<semaphore_mem>>
    %dma_start3A_948 = tpu.memref_squeeze %dma_start3A_947 : memref<1x!tpu.dma_semaphore, #tpu.memory_space<semaphore_mem>> -> memref<!tpu.dma_semaphore, #tpu.memory_space<semaphore_mem>>
    %dma_start3A_949 = arith.constant 0 : i32
    %dma_start3A_950 = tpu.memref_slice %arg4[%add3A_938, %dma_start3A_949] : memref<819200x16xf32, #tpu.memory_space<hbm>> -> memref<1280x16xf32, #tpu.memory_space<hbm>>
    %dma_start3A_951 = arith.constant 0 : i32
    %dma_start3A_952 = arith.constant 0 : i32
    %dma_start3A_953 = tpu.memref_slice %arg6[%dma_start3A_939, %dma_start3A_951, %dma_start3A_952] : memref<4x1280x16xf32, #tpu.memory_space<vmem>> -> memref<1x1280x16xf32, #tpu.memory_space<vmem>>
    %dma_start3A_954 = tpu.memref_squeeze %dma_start3A_953 : memref<1x1280x16xf32, #tpu.memory_space<vmem>> -> memref<1280x16xf32, #tpu.memory_space<vmem>>
    tpu.enqueue_dma source(%dma_start3A_954 : memref<1280x16xf32, #tpu.memory_space<vmem>>) target(%dma_start3A_950 : memref<1280x16xf32, #tpu.memory_space<hbm>>) target_semaphore(%dma_start3A_948 : memref<!tpu.dma_semaphore, #tpu.memory_space<semaphore_mem>>)
    %dma_wait3A_955 = arith.constant 2 : i32
    %dma_wait3A_956 = arith.constant 2 : i32
    %dma_wait3A_957 = arith.constant 0 : i32
    %dma_wait3A_958 = arith.constant 0 : i32
    %dma_wait3A_959 = tpu.memref_slice %arg6[%dma_wait3A_955, %dma_wait3A_957, %dma_wait3A_958] : memref<4x1280x16xf32, #tpu.memory_space<vmem>> -> memref<1x1280x16xf32, #tpu.memory_space<vmem>>
    %dma_wait3A_960 = tpu.memref_squeeze %dma_wait3A_959 : memref<1x1280x16xf32, #tpu.memory_space<vmem>> -> memref<1280x16xf32, #tpu.memory_space<vmem>>
    %dma_wait3A_961 = arith.constant 0 : i32
    %dma_wait3A_962 = tpu.memref_slice %arg4[%add3A_878, %dma_wait3A_961] : memref<819200x16xf32, #tpu.memory_space<hbm>> -> memref<1280x16xf32, #tpu.memory_space<hbm>>
    %dma_wait3A_963 = tpu.memref_slice %arg8[%dma_wait3A_956] : memref<4x!tpu.dma_semaphore, #tpu.memory_space<semaphore_mem>> -> memref<1x!tpu.dma_semaphore, #tpu.memory_space<semaphore_mem>>
    %dma_wait3A_964 = tpu.memref_squeeze %dma_wait3A_963 : memref<1x!tpu.dma_semaphore, #tpu.memory_space<semaphore_mem>> -> memref<!tpu.dma_semaphore, #tpu.memory_space<semaphore_mem>>
    %dma_wait3A_965 = arith.constant 0 : i32
    %dma_wait3A_966 = tpu.memref_slice %arg4[%add3A_878, %dma_wait3A_965] : memref<819200x16xf32, #tpu.memory_space<hbm>> -> memref<1280x16xf32, #tpu.memory_space<hbm>>
    %dma_wait3A_967 = arith.constant 0 : i32
    %dma_wait3A_968 = arith.constant 0 : i32
    %dma_wait3A_969 = tpu.memref_slice %arg6[%dma_wait3A_955, %dma_wait3A_967, %dma_wait3A_968] : memref<4x1280x16xf32, #tpu.memory_space<vmem>> -> memref<1x1280x16xf32, #tpu.memory_space<vmem>>
    %dma_wait3A_970 = tpu.memref_squeeze %dma_wait3A_969 : memref<1x1280x16xf32, #tpu.memory_space<vmem>> -> memref<1280x16xf32, #tpu.memory_space<vmem>>
    tpu.wait_dma2 semaphore(%dma_wait3A_964 : memref<!tpu.dma_semaphore, #tpu.memory_space<semaphore_mem>>) src(%dma_wait3A_970 : memref<1280x16xf32, #tpu.memory_space<vmem>>) dst(%dma_wait3A_966 : memref<1280x16xf32, #tpu.memory_space<hbm>>)
    %dma_start3A_971 = arith.constant 2 : i32
    %dma_start3A_972 = arith.constant 2 : i32
    %dma_start3A_973 = arith.constant 0 : i32
    %dma_start3A_974 = arith.constant 0 : i32
    %dma_start3A_975 = tpu.memref_slice %arg6[%dma_start3A_971, %dma_start3A_973, %dma_start3A_974] : memref<4x1280x16xf32, #tpu.memory_space<vmem>> -> memref<1x1280x16xf32, #tpu.memory_space<vmem>>
    %dma_start3A_976 = tpu.memref_squeeze %dma_start3A_975 : memref<1x1280x16xf32, #tpu.memory_space<vmem>> -> memref<1280x16xf32, #tpu.memory_space<vmem>>
    %dma_start3A_977 = arith.constant 23040 : i32
    %dma_start3A_978 = tpu.memref_slice %arg5[%dma_start3A_977] : memref<25600xi32, #tpu.memory_space<vmem>> -> memref<1280xi32, #tpu.memory_space<vmem>>
    %dma_start3A_979 = arith.constant 0 : i32
    %dma_start3A_980 = arith.constant 0 : i32
    %dma_start3A_981 = tpu.memref_slice %arg3[%dma_start3A_979, %dma_start3A_980] : memref<1000000x16xf32, #tpu.memory_space<hbm>> -> memref<1000000x16xf32, #tpu.memory_space<hbm>>
    %dma_start3A_982 = tpu.memref_slice %arg7[%dma_start3A_972] : memref<4x!tpu.dma_semaphore, #tpu.memory_space<semaphore_mem>> -> memref<1x!tpu.dma_semaphore, #tpu.memory_space<semaphore_mem>>
    %dma_start3A_983 = tpu.memref_squeeze %dma_start3A_982 : memref<1x!tpu.dma_semaphore, #tpu.memory_space<semaphore_mem>> -> memref<!tpu.dma_semaphore, #tpu.memory_space<semaphore_mem>>
    tpu.enqueue_indirect_dma source(%dma_start3A_981 : memref<1000000x16xf32, #tpu.memory_space<hbm>>) target(%dma_start3A_976 : memref<1280x16xf32, #tpu.memory_space<vmem>>) offsets(%dma_start3A_978 : memref<1280xi32, #tpu.memory_space<vmem>>) semaphore(%dma_start3A_983 : memref<!tpu.dma_semaphore, #tpu.memory_space<semaphore_mem>>)
    %dma_wait3A_984 = arith.constant 0 : i32
    %dma_wait3A_985 = arith.constant 0 : i32
    %dma_wait3A_986 = arith.constant 0 : i32
    %dma_wait3A_987 = arith.constant 0 : i32
    %dma_wait3A_988 = tpu.memref_slice %arg6[%dma_wait3A_984, %dma_wait3A_986, %dma_wait3A_987] : memref<4x1280x16xf32, #tpu.memory_space<vmem>> -> memref<1x1280x16xf32, #tpu.memory_space<vmem>>
    %dma_wait3A_989 = tpu.memref_squeeze %dma_wait3A_988 : memref<1x1280x16xf32, #tpu.memory_space<vmem>> -> memref<1280x16xf32, #tpu.memory_space<vmem>>
    %dma_wait3A_990 = arith.constant 20480 : i32
    %dma_wait3A_991 = tpu.memref_slice %arg5[%dma_wait3A_990] : memref<25600xi32, #tpu.memory_space<vmem>> -> memref<1280xi32, #tpu.memory_space<vmem>>
    %dma_wait3A_992 = arith.constant 0 : i32
    %dma_wait3A_993 = arith.constant 0 : i32
    %dma_wait3A_994 = tpu.memref_slice %arg3[%dma_wait3A_992, %dma_wait3A_993] : memref<1000000x16xf32, #tpu.memory_space<hbm>> -> memref<1000000x16xf32, #tpu.memory_space<hbm>>
    %dma_wait3A_995 = tpu.memref_slice %arg7[%dma_wait3A_985] : memref<4x!tpu.dma_semaphore, #tpu.memory_space<semaphore_mem>> -> memref<1x!tpu.dma_semaphore, #tpu.memory_space<semaphore_mem>>
    %dma_wait3A_996 = tpu.memref_squeeze %dma_wait3A_995 : memref<1x!tpu.dma_semaphore, #tpu.memory_space<semaphore_mem>> -> memref<!tpu.dma_semaphore, #tpu.memory_space<semaphore_mem>>
    tpu.wait_indirect_dma semaphore(%dma_wait3A_996 : memref<!tpu.dma_semaphore, #tpu.memory_space<semaphore_mem>>) src(%dma_wait3A_994 : memref<1000000x16xf32, #tpu.memory_space<hbm>>) dst(%dma_wait3A_989 : memref<1280x16xf32, #tpu.memory_space<vmem>>)
    %add3A_997 = arith.constant 20480 : i32
    %add3A_998 = arith.addi %mul3A_2, %add3A_997 : i32
    %dma_start3A_999 = arith.constant 0 : i32
    %dma_start3A_1000 = arith.constant 0 : i32
    %dma_start3A_1001 = arith.constant 0 : i32
    %dma_start3A_1002 = arith.constant 0 : i32
    %dma_start3A_1003 = tpu.memref_slice %arg6[%dma_start3A_999, %dma_start3A_1001, %dma_start3A_1002] : memref<4x1280x16xf32, #tpu.memory_space<vmem>> -> memref<1x1280x16xf32, #tpu.memory_space<vmem>>
    %dma_start3A_1004 = tpu.memref_squeeze %dma_start3A_1003 : memref<1x1280x16xf32, #tpu.memory_space<vmem>> -> memref<1280x16xf32, #tpu.memory_space<vmem>>
    %dma_start3A_1005 = arith.constant 0 : i32
    %dma_start3A_1006 = tpu.memref_slice %arg4[%add3A_998, %dma_start3A_1005] : memref<819200x16xf32, #tpu.memory_space<hbm>> -> memref<1280x16xf32, #tpu.memory_space<hbm>>
    %dma_start3A_1007 = tpu.memref_slice %arg8[%dma_start3A_1000] : memref<4x!tpu.dma_semaphore, #tpu.memory_space<semaphore_mem>> -> memref<1x!tpu.dma_semaphore, #tpu.memory_space<semaphore_mem>>
    %dma_start3A_1008 = tpu.memref_squeeze %dma_start3A_1007 : memref<1x!tpu.dma_semaphore, #tpu.memory_space<semaphore_mem>> -> memref<!tpu.dma_semaphore, #tpu.memory_space<semaphore_mem>>
    %dma_start3A_1009 = arith.constant 0 : i32
    %dma_start3A_1010 = tpu.memref_slice %arg4[%add3A_998, %dma_start3A_1009] : memref<819200x16xf32, #tpu.memory_space<hbm>> -> memref<1280x16xf32, #tpu.memory_space<hbm>>
    %dma_start3A_1011 = arith.constant 0 : i32
    %dma_start3A_1012 = arith.constant 0 : i32
    %dma_start3A_1013 = tpu.memref_slice %arg6[%dma_start3A_999, %dma_start3A_1011, %dma_start3A_1012] : memref<4x1280x16xf32, #tpu.memory_space<vmem>> -> memref<1x1280x16xf32, #tpu.memory_space<vmem>>
    %dma_start3A_1014 = tpu.memref_squeeze %dma_start3A_1013 : memref<1x1280x16xf32, #tpu.memory_space<vmem>> -> memref<1280x16xf32, #tpu.memory_space<vmem>>
    tpu.enqueue_dma source(%dma_start3A_1014 : memref<1280x16xf32, #tpu.memory_space<vmem>>) target(%dma_start3A_1010 : memref<1280x16xf32, #tpu.memory_space<hbm>>) target_semaphore(%dma_start3A_1008 : memref<!tpu.dma_semaphore, #tpu.memory_space<semaphore_mem>>)
    %dma_wait3A_1015 = arith.constant 3 : i32
    %dma_wait3A_1016 = arith.constant 3 : i32
    %dma_wait3A_1017 = arith.constant 0 : i32
    %dma_wait3A_1018 = arith.constant 0 : i32
    %dma_wait3A_1019 = tpu.memref_slice %arg6[%dma_wait3A_1015, %dma_wait3A_1017, %dma_wait3A_1018] : memref<4x1280x16xf32, #tpu.memory_space<vmem>> -> memref<1x1280x16xf32, #tpu.memory_space<vmem>>
    %dma_wait3A_1020 = tpu.memref_squeeze %dma_wait3A_1019 : memref<1x1280x16xf32, #tpu.memory_space<vmem>> -> memref<1280x16xf32, #tpu.memory_space<vmem>>
    %dma_wait3A_1021 = arith.constant 0 : i32
    %dma_wait3A_1022 = tpu.memref_slice %arg4[%add3A_938, %dma_wait3A_1021] : memref<819200x16xf32, #tpu.memory_space<hbm>> -> memref<1280x16xf32, #tpu.memory_space<hbm>>
    %dma_wait3A_1023 = tpu.memref_slice %arg8[%dma_wait3A_1016] : memref<4x!tpu.dma_semaphore, #tpu.memory_space<semaphore_mem>> -> memref<1x!tpu.dma_semaphore, #tpu.memory_space<semaphore_mem>>
    %dma_wait3A_1024 = tpu.memref_squeeze %dma_wait3A_1023 : memref<1x!tpu.dma_semaphore, #tpu.memory_space<semaphore_mem>> -> memref<!tpu.dma_semaphore, #tpu.memory_space<semaphore_mem>>
    %dma_wait3A_1025 = arith.constant 0 : i32
    %dma_wait3A_1026 = tpu.memref_slice %arg4[%add3A_938, %dma_wait3A_1025] : memref<819200x16xf32, #tpu.memory_space<hbm>> -> memref<1280x16xf32, #tpu.memory_space<hbm>>
    %dma_wait3A_1027 = arith.constant 0 : i32
    %dma_wait3A_1028 = arith.constant 0 : i32
    %dma_wait3A_1029 = tpu.memref_slice %arg6[%dma_wait3A_1015, %dma_wait3A_1027, %dma_wait3A_1028] : memref<4x1280x16xf32, #tpu.memory_space<vmem>> -> memref<1x1280x16xf32, #tpu.memory_space<vmem>>
    %dma_wait3A_1030 = tpu.memref_squeeze %dma_wait3A_1029 : memref<1x1280x16xf32, #tpu.memory_space<vmem>> -> memref<1280x16xf32, #tpu.memory_space<vmem>>
    tpu.wait_dma2 semaphore(%dma_wait3A_1024 : memref<!tpu.dma_semaphore, #tpu.memory_space<semaphore_mem>>) src(%dma_wait3A_1030 : memref<1280x16xf32, #tpu.memory_space<vmem>>) dst(%dma_wait3A_1026 : memref<1280x16xf32, #tpu.memory_space<hbm>>)
    %dma_start3A_1031 = arith.constant 3 : i32
    %dma_start3A_1032 = arith.constant 3 : i32
    %dma_start3A_1033 = arith.constant 0 : i32
    %dma_start3A_1034 = arith.constant 0 : i32
    %dma_start3A_1035 = tpu.memref_slice %arg6[%dma_start3A_1031, %dma_start3A_1033, %dma_start3A_1034] : memref<4x1280x16xf32, #tpu.memory_space<vmem>> -> memref<1x1280x16xf32, #tpu.memory_space<vmem>>
    %dma_start3A_1036 = tpu.memref_squeeze %dma_start3A_1035 : memref<1x1280x16xf32, #tpu.memory_space<vmem>> -> memref<1280x16xf32, #tpu.memory_space<vmem>>
    %dma_start3A_1037 = arith.constant 24320 : i32
    %dma_start3A_1038 = tpu.memref_slice %arg5[%dma_start3A_1037] : memref<25600xi32, #tpu.memory_space<vmem>> -> memref<1280xi32, #tpu.memory_space<vmem>>
    %dma_start3A_1039 = arith.constant 0 : i32
    %dma_start3A_1040 = arith.constant 0 : i32
    %dma_start3A_1041 = tpu.memref_slice %arg3[%dma_start3A_1039, %dma_start3A_1040] : memref<1000000x16xf32, #tpu.memory_space<hbm>> -> memref<1000000x16xf32, #tpu.memory_space<hbm>>
    %dma_start3A_1042 = tpu.memref_slice %arg7[%dma_start3A_1032] : memref<4x!tpu.dma_semaphore, #tpu.memory_space<semaphore_mem>> -> memref<1x!tpu.dma_semaphore, #tpu.memory_space<semaphore_mem>>
    %dma_start3A_1043 = tpu.memref_squeeze %dma_start3A_1042 : memref<1x!tpu.dma_semaphore, #tpu.memory_space<semaphore_mem>> -> memref<!tpu.dma_semaphore, #tpu.memory_space<semaphore_mem>>
    tpu.enqueue_indirect_dma source(%dma_start3A_1041 : memref<1000000x16xf32, #tpu.memory_space<hbm>>) target(%dma_start3A_1036 : memref<1280x16xf32, #tpu.memory_space<vmem>>) offsets(%dma_start3A_1038 : memref<1280xi32, #tpu.memory_space<vmem>>) semaphore(%dma_start3A_1043 : memref<!tpu.dma_semaphore, #tpu.memory_space<semaphore_mem>>)
    %dma_wait3A_1044 = arith.constant 1 : i32
    %dma_wait3A_1045 = arith.constant 1 : i32
    %dma_wait3A_1046 = arith.constant 0 : i32
    %dma_wait3A_1047 = arith.constant 0 : i32
    %dma_wait3A_1048 = tpu.memref_slice %arg6[%dma_wait3A_1044, %dma_wait3A_1046, %dma_wait3A_1047] : memref<4x1280x16xf32, #tpu.memory_space<vmem>> -> memref<1x1280x16xf32, #tpu.memory_space<vmem>>
    %dma_wait3A_1049 = tpu.memref_squeeze %dma_wait3A_1048 : memref<1x1280x16xf32, #tpu.memory_space<vmem>> -> memref<1280x16xf32, #tpu.memory_space<vmem>>
    %dma_wait3A_1050 = arith.constant 21760 : i32
    %dma_wait3A_1051 = tpu.memref_slice %arg5[%dma_wait3A_1050] : memref<25600xi32, #tpu.memory_space<vmem>> -> memref<1280xi32, #tpu.memory_space<vmem>>
    %dma_wait3A_1052 = arith.constant 0 : i32
    %dma_wait3A_1053 = arith.constant 0 : i32
    %dma_wait3A_1054 = tpu.memref_slice %arg3[%dma_wait3A_1052, %dma_wait3A_1053] : memref<1000000x16xf32, #tpu.memory_space<hbm>> -> memref<1000000x16xf32, #tpu.memory_space<hbm>>
    %dma_wait3A_1055 = tpu.memref_slice %arg7[%dma_wait3A_1045] : memref<4x!tpu.dma_semaphore, #tpu.memory_space<semaphore_mem>> -> memref<1x!tpu.dma_semaphore, #tpu.memory_space<semaphore_mem>>
    %dma_wait3A_1056 = tpu.memref_squeeze %dma_wait3A_1055 : memref<1x!tpu.dma_semaphore, #tpu.memory_space<semaphore_mem>> -> memref<!tpu.dma_semaphore, #tpu.memory_space<semaphore_mem>>
    tpu.wait_indirect_dma semaphore(%dma_wait3A_1056 : memref<!tpu.dma_semaphore, #tpu.memory_space<semaphore_mem>>) src(%dma_wait3A_1054 : memref<1000000x16xf32, #tpu.memory_space<hbm>>) dst(%dma_wait3A_1049 : memref<1280x16xf32, #tpu.memory_space<vmem>>)
    %add3A_1057 = arith.constant 21760 : i32
    %add3A_1058 = arith.addi %mul3A_2, %add3A_1057 : i32
    %dma_start3A_1059 = arith.constant 1 : i32
    %dma_start3A_1060 = arith.constant 1 : i32
    %dma_start3A_1061 = arith.constant 0 : i32
    %dma_start3A_1062 = arith.constant 0 : i32
    %dma_start3A_1063 = tpu.memref_slice %arg6[%dma_start3A_1059, %dma_start3A_1061, %dma_start3A_1062] : memref<4x1280x16xf32, #tpu.memory_space<vmem>> -> memref<1x1280x16xf32, #tpu.memory_space<vmem>>
    %dma_start3A_1064 = tpu.memref_squeeze %dma_start3A_1063 : memref<1x1280x16xf32, #tpu.memory_space<vmem>> -> memref<1280x16xf32, #tpu.memory_space<vmem>>
    %dma_start3A_1065 = arith.constant 0 : i32
    %dma_start3A_1066 = tpu.memref_slice %arg4[%add3A_1058, %dma_start3A_1065] : memref<819200x16xf32, #tpu.memory_space<hbm>> -> memref<1280x16xf32, #tpu.memory_space<hbm>>
    %dma_start3A_1067 = tpu.memref_slice %arg8[%dma_start3A_1060] : memref<4x!tpu.dma_semaphore, #tpu.memory_space<semaphore_mem>> -> memref<1x!tpu.dma_semaphore, #tpu.memory_space<semaphore_mem>>
    %dma_start3A_1068 = tpu.memref_squeeze %dma_start3A_1067 : memref<1x!tpu.dma_semaphore, #tpu.memory_space<semaphore_mem>> -> memref<!tpu.dma_semaphore, #tpu.memory_space<semaphore_mem>>
    %dma_start3A_1069 = arith.constant 0 : i32
    %dma_start3A_1070 = tpu.memref_slice %arg4[%add3A_1058, %dma_start3A_1069] : memref<819200x16xf32, #tpu.memory_space<hbm>> -> memref<1280x16xf32, #tpu.memory_space<hbm>>
    %dma_start3A_1071 = arith.constant 0 : i32
    %dma_start3A_1072 = arith.constant 0 : i32
    %dma_start3A_1073 = tpu.memref_slice %arg6[%dma_start3A_1059, %dma_start3A_1071, %dma_start3A_1072] : memref<4x1280x16xf32, #tpu.memory_space<vmem>> -> memref<1x1280x16xf32, #tpu.memory_space<vmem>>
    %dma_start3A_1074 = tpu.memref_squeeze %dma_start3A_1073 : memref<1x1280x16xf32, #tpu.memory_space<vmem>> -> memref<1280x16xf32, #tpu.memory_space<vmem>>
    tpu.enqueue_dma source(%dma_start3A_1074 : memref<1280x16xf32, #tpu.memory_space<vmem>>) target(%dma_start3A_1070 : memref<1280x16xf32, #tpu.memory_space<hbm>>) target_semaphore(%dma_start3A_1068 : memref<!tpu.dma_semaphore, #tpu.memory_space<semaphore_mem>>)
    %dma_wait3A_1075 = arith.constant 2 : i32
    %dma_wait3A_1076 = arith.constant 2 : i32
    %dma_wait3A_1077 = arith.constant 0 : i32
    %dma_wait3A_1078 = arith.constant 0 : i32
    %dma_wait3A_1079 = tpu.memref_slice %arg6[%dma_wait3A_1075, %dma_wait3A_1077, %dma_wait3A_1078] : memref<4x1280x16xf32, #tpu.memory_space<vmem>> -> memref<1x1280x16xf32, #tpu.memory_space<vmem>>
    %dma_wait3A_1080 = tpu.memref_squeeze %dma_wait3A_1079 : memref<1x1280x16xf32, #tpu.memory_space<vmem>> -> memref<1280x16xf32, #tpu.memory_space<vmem>>
    %dma_wait3A_1081 = arith.constant 23040 : i32
    %dma_wait3A_1082 = tpu.memref_slice %arg5[%dma_wait3A_1081] : memref<25600xi32, #tpu.memory_space<vmem>> -> memref<1280xi32, #tpu.memory_space<vmem>>
    %dma_wait3A_1083 = arith.constant 0 : i32
    %dma_wait3A_1084 = arith.constant 0 : i32
    %dma_wait3A_1085 = tpu.memref_slice %arg3[%dma_wait3A_1083, %dma_wait3A_1084] : memref<1000000x16xf32, #tpu.memory_space<hbm>> -> memref<1000000x16xf32, #tpu.memory_space<hbm>>
    %dma_wait3A_1086 = tpu.memref_slice %arg7[%dma_wait3A_1076] : memref<4x!tpu.dma_semaphore, #tpu.memory_space<semaphore_mem>> -> memref<1x!tpu.dma_semaphore, #tpu.memory_space<semaphore_mem>>
    %dma_wait3A_1087 = tpu.memref_squeeze %dma_wait3A_1086 : memref<1x!tpu.dma_semaphore, #tpu.memory_space<semaphore_mem>> -> memref<!tpu.dma_semaphore, #tpu.memory_space<semaphore_mem>>
    tpu.wait_indirect_dma semaphore(%dma_wait3A_1087 : memref<!tpu.dma_semaphore, #tpu.memory_space<semaphore_mem>>) src(%dma_wait3A_1085 : memref<1000000x16xf32, #tpu.memory_space<hbm>>) dst(%dma_wait3A_1080 : memref<1280x16xf32, #tpu.memory_space<vmem>>)
    %add3A_1088 = arith.constant 23040 : i32
    %add3A_1089 = arith.addi %mul3A_2, %add3A_1088 : i32
    %dma_start3A_1090 = arith.constant 2 : i32
    %dma_start3A_1091 = arith.constant 2 : i32
    %dma_start3A_1092 = arith.constant 0 : i32
    %dma_start3A_1093 = arith.constant 0 : i32
    %dma_start3A_1094 = tpu.memref_slice %arg6[%dma_start3A_1090, %dma_start3A_1092, %dma_start3A_1093] : memref<4x1280x16xf32, #tpu.memory_space<vmem>> -> memref<1x1280x16xf32, #tpu.memory_space<vmem>>
    %dma_start3A_1095 = tpu.memref_squeeze %dma_start3A_1094 : memref<1x1280x16xf32, #tpu.memory_space<vmem>> -> memref<1280x16xf32, #tpu.memory_space<vmem>>
    %dma_start3A_1096 = arith.constant 0 : i32
    %dma_start3A_1097 = tpu.memref_slice %arg4[%add3A_1089, %dma_start3A_1096] : memref<819200x16xf32, #tpu.memory_space<hbm>> -> memref<1280x16xf32, #tpu.memory_space<hbm>>
    %dma_start3A_1098 = tpu.memref_slice %arg8[%dma_start3A_1091] : memref<4x!tpu.dma_semaphore, #tpu.memory_space<semaphore_mem>> -> memref<1x!tpu.dma_semaphore, #tpu.memory_space<semaphore_mem>>
    %dma_start3A_1099 = tpu.memref_squeeze %dma_start3A_1098 : memref<1x!tpu.dma_semaphore, #tpu.memory_space<semaphore_mem>> -> memref<!tpu.dma_semaphore, #tpu.memory_space<semaphore_mem>>
    %dma_start3A_1100 = arith.constant 0 : i32
    %dma_start3A_1101 = tpu.memref_slice %arg4[%add3A_1089, %dma_start3A_1100] : memref<819200x16xf32, #tpu.memory_space<hbm>> -> memref<1280x16xf32, #tpu.memory_space<hbm>>
    %dma_start3A_1102 = arith.constant 0 : i32
    %dma_start3A_1103 = arith.constant 0 : i32
    %dma_start3A_1104 = tpu.memref_slice %arg6[%dma_start3A_1090, %dma_start3A_1102, %dma_start3A_1103] : memref<4x1280x16xf32, #tpu.memory_space<vmem>> -> memref<1x1280x16xf32, #tpu.memory_space<vmem>>
    %dma_start3A_1105 = tpu.memref_squeeze %dma_start3A_1104 : memref<1x1280x16xf32, #tpu.memory_space<vmem>> -> memref<1280x16xf32, #tpu.memory_space<vmem>>
    tpu.enqueue_dma source(%dma_start3A_1105 : memref<1280x16xf32, #tpu.memory_space<vmem>>) target(%dma_start3A_1101 : memref<1280x16xf32, #tpu.memory_space<hbm>>) target_semaphore(%dma_start3A_1099 : memref<!tpu.dma_semaphore, #tpu.memory_space<semaphore_mem>>)
    %dma_wait3A_1106 = arith.constant 3 : i32
    %dma_wait3A_1107 = arith.constant 3 : i32
    %dma_wait3A_1108 = arith.constant 0 : i32
    %dma_wait3A_1109 = arith.constant 0 : i32
    %dma_wait3A_1110 = tpu.memref_slice %arg6[%dma_wait3A_1106, %dma_wait3A_1108, %dma_wait3A_1109] : memref<4x1280x16xf32, #tpu.memory_space<vmem>> -> memref<1x1280x16xf32, #tpu.memory_space<vmem>>
    %dma_wait3A_1111 = tpu.memref_squeeze %dma_wait3A_1110 : memref<1x1280x16xf32, #tpu.memory_space<vmem>> -> memref<1280x16xf32, #tpu.memory_space<vmem>>
    %dma_wait3A_1112 = arith.constant 24320 : i32
    %dma_wait3A_1113 = tpu.memref_slice %arg5[%dma_wait3A_1112] : memref<25600xi32, #tpu.memory_space<vmem>> -> memref<1280xi32, #tpu.memory_space<vmem>>
    %dma_wait3A_1114 = arith.constant 0 : i32
    %dma_wait3A_1115 = arith.constant 0 : i32
    %dma_wait3A_1116 = tpu.memref_slice %arg3[%dma_wait3A_1114, %dma_wait3A_1115] : memref<1000000x16xf32, #tpu.memory_space<hbm>> -> memref<1000000x16xf32, #tpu.memory_space<hbm>>
    %dma_wait3A_1117 = tpu.memref_slice %arg7[%dma_wait3A_1107] : memref<4x!tpu.dma_semaphore, #tpu.memory_space<semaphore_mem>> -> memref<1x!tpu.dma_semaphore, #tpu.memory_space<semaphore_mem>>
    %dma_wait3A_1118 = tpu.memref_squeeze %dma_wait3A_1117 : memref<1x!tpu.dma_semaphore, #tpu.memory_space<semaphore_mem>> -> memref<!tpu.dma_semaphore, #tpu.memory_space<semaphore_mem>>
    tpu.wait_indirect_dma semaphore(%dma_wait3A_1118 : memref<!tpu.dma_semaphore, #tpu.memory_space<semaphore_mem>>) src(%dma_wait3A_1116 : memref<1000000x16xf32, #tpu.memory_space<hbm>>) dst(%dma_wait3A_1111 : memref<1280x16xf32, #tpu.memory_space<vmem>>)
    %add3A_1119 = arith.constant 24320 : i32
    %add3A_1120 = arith.addi %mul3A_2, %add3A_1119 : i32
    %dma_start3A_1121 = arith.constant 3 : i32
    %dma_start3A_1122 = arith.constant 3 : i32
    %dma_start3A_1123 = arith.constant 0 : i32
    %dma_start3A_1124 = arith.constant 0 : i32
    %dma_start3A_1125 = tpu.memref_slice %arg6[%dma_start3A_1121, %dma_start3A_1123, %dma_start3A_1124] : memref<4x1280x16xf32, #tpu.memory_space<vmem>> -> memref<1x1280x16xf32, #tpu.memory_space<vmem>>
    %dma_start3A_1126 = tpu.memref_squeeze %dma_start3A_1125 : memref<1x1280x16xf32, #tpu.memory_space<vmem>> -> memref<1280x16xf32, #tpu.memory_space<vmem>>
    %dma_start3A_1127 = arith.constant 0 : i32
    %dma_start3A_1128 = tpu.memref_slice %arg4[%add3A_1120, %dma_start3A_1127] : memref<819200x16xf32, #tpu.memory_space<hbm>> -> memref<1280x16xf32, #tpu.memory_space<hbm>>
    %dma_start3A_1129 = tpu.memref_slice %arg8[%dma_start3A_1122] : memref<4x!tpu.dma_semaphore, #tpu.memory_space<semaphore_mem>> -> memref<1x!tpu.dma_semaphore, #tpu.memory_space<semaphore_mem>>
    %dma_start3A_1130 = tpu.memref_squeeze %dma_start3A_1129 : memref<1x!tpu.dma_semaphore, #tpu.memory_space<semaphore_mem>> -> memref<!tpu.dma_semaphore, #tpu.memory_space<semaphore_mem>>
    %dma_start3A_1131 = arith.constant 0 : i32
    %dma_start3A_1132 = tpu.memref_slice %arg4[%add3A_1120, %dma_start3A_1131] : memref<819200x16xf32, #tpu.memory_space<hbm>> -> memref<1280x16xf32, #tpu.memory_space<hbm>>
    %dma_start3A_1133 = arith.constant 0 : i32
    %dma_start3A_1134 = arith.constant 0 : i32
    %dma_start3A_1135 = tpu.memref_slice %arg6[%dma_start3A_1121, %dma_start3A_1133, %dma_start3A_1134] : memref<4x1280x16xf32, #tpu.memory_space<vmem>> -> memref<1x1280x16xf32, #tpu.memory_space<vmem>>
    %dma_start3A_1136 = tpu.memref_squeeze %dma_start3A_1135 : memref<1x1280x16xf32, #tpu.memory_space<vmem>> -> memref<1280x16xf32, #tpu.memory_space<vmem>>
    tpu.enqueue_dma source(%dma_start3A_1136 : memref<1280x16xf32, #tpu.memory_space<vmem>>) target(%dma_start3A_1132 : memref<1280x16xf32, #tpu.memory_space<hbm>>) target_semaphore(%dma_start3A_1130 : memref<!tpu.dma_semaphore, #tpu.memory_space<semaphore_mem>>)
    %dma_wait3A_1137 = arith.constant 0 : i32
    %dma_wait3A_1138 = arith.constant 0 : i32
    %dma_wait3A_1139 = arith.constant 0 : i32
    %dma_wait3A_1140 = arith.constant 0 : i32
    %dma_wait3A_1141 = tpu.memref_slice %arg6[%dma_wait3A_1137, %dma_wait3A_1139, %dma_wait3A_1140] : memref<4x1280x16xf32, #tpu.memory_space<vmem>> -> memref<1x1280x16xf32, #tpu.memory_space<vmem>>
    %dma_wait3A_1142 = tpu.memref_squeeze %dma_wait3A_1141 : memref<1x1280x16xf32, #tpu.memory_space<vmem>> -> memref<1280x16xf32, #tpu.memory_space<vmem>>
    %dma_wait3A_1143 = arith.constant 0 : i32
    %dma_wait3A_1144 = tpu.memref_slice %arg4[%add3A_998, %dma_wait3A_1143] : memref<819200x16xf32, #tpu.memory_space<hbm>> -> memref<1280x16xf32, #tpu.memory_space<hbm>>
    %dma_wait3A_1145 = tpu.memref_slice %arg8[%dma_wait3A_1138] : memref<4x!tpu.dma_semaphore, #tpu.memory_space<semaphore_mem>> -> memref<1x!tpu.dma_semaphore, #tpu.memory_space<semaphore_mem>>
    %dma_wait3A_1146 = tpu.memref_squeeze %dma_wait3A_1145 : memref<1x!tpu.dma_semaphore, #tpu.memory_space<semaphore_mem>> -> memref<!tpu.dma_semaphore, #tpu.memory_space<semaphore_mem>>
    %dma_wait3A_1147 = arith.constant 0 : i32
    %dma_wait3A_1148 = tpu.memref_slice %arg4[%add3A_998, %dma_wait3A_1147] : memref<819200x16xf32, #tpu.memory_space<hbm>> -> memref<1280x16xf32, #tpu.memory_space<hbm>>
    %dma_wait3A_1149 = arith.constant 0 : i32
    %dma_wait3A_1150 = arith.constant 0 : i32
    %dma_wait3A_1151 = tpu.memref_slice %arg6[%dma_wait3A_1137, %dma_wait3A_1149, %dma_wait3A_1150] : memref<4x1280x16xf32, #tpu.memory_space<vmem>> -> memref<1x1280x16xf32, #tpu.memory_space<vmem>>
    %dma_wait3A_1152 = tpu.memref_squeeze %dma_wait3A_1151 : memref<1x1280x16xf32, #tpu.memory_space<vmem>> -> memref<1280x16xf32, #tpu.memory_space<vmem>>
    tpu.wait_dma2 semaphore(%dma_wait3A_1146 : memref<!tpu.dma_semaphore, #tpu.memory_space<semaphore_mem>>) src(%dma_wait3A_1152 : memref<1280x16xf32, #tpu.memory_space<vmem>>) dst(%dma_wait3A_1148 : memref<1280x16xf32, #tpu.memory_space<hbm>>)
    %dma_wait3A_1153 = arith.constant 1 : i32
    %dma_wait3A_1154 = arith.constant 1 : i32
    %dma_wait3A_1155 = arith.constant 0 : i32
    %dma_wait3A_1156 = arith.constant 0 : i32
    %dma_wait3A_1157 = tpu.memref_slice %arg6[%dma_wait3A_1153, %dma_wait3A_1155, %dma_wait3A_1156] : memref<4x1280x16xf32, #tpu.memory_space<vmem>> -> memref<1x1280x16xf32, #tpu.memory_space<vmem>>
    %dma_wait3A_1158 = tpu.memref_squeeze %dma_wait3A_1157 : memref<1x1280x16xf32, #tpu.memory_space<vmem>> -> memref<1280x16xf32, #tpu.memory_space<vmem>>
    %dma_wait3A_1159 = arith.constant 0 : i32
    %dma_wait3A_1160 = tpu.memref_slice %arg4[%add3A_1058, %dma_wait3A_1159] : memref<819200x16xf32, #tpu.memory_space<hbm>> -> memref<1280x16xf32, #tpu.memory_space<hbm>>
    %dma_wait3A_1161 = tpu.memref_slice %arg8[%dma_wait3A_1154] : memref<4x!tpu.dma_semaphore, #tpu.memory_space<semaphore_mem>> -> memref<1x!tpu.dma_semaphore, #tpu.memory_space<semaphore_mem>>
    %dma_wait3A_1162 = tpu.memref_squeeze %dma_wait3A_1161 : memref<1x!tpu.dma_semaphore, #tpu.memory_space<semaphore_mem>> -> memref<!tpu.dma_semaphore, #tpu.memory_space<semaphore_mem>>
    %dma_wait3A_1163 = arith.constant 0 : i32
    %dma_wait3A_1164 = tpu.memref_slice %arg4[%add3A_1058, %dma_wait3A_1163] : memref<819200x16xf32, #tpu.memory_space<hbm>> -> memref<1280x16xf32, #tpu.memory_space<hbm>>
    %dma_wait3A_1165 = arith.constant 0 : i32
    %dma_wait3A_1166 = arith.constant 0 : i32
    %dma_wait3A_1167 = tpu.memref_slice %arg6[%dma_wait3A_1153, %dma_wait3A_1165, %dma_wait3A_1166] : memref<4x1280x16xf32, #tpu.memory_space<vmem>> -> memref<1x1280x16xf32, #tpu.memory_space<vmem>>
    %dma_wait3A_1168 = tpu.memref_squeeze %dma_wait3A_1167 : memref<1x1280x16xf32, #tpu.memory_space<vmem>> -> memref<1280x16xf32, #tpu.memory_space<vmem>>
    tpu.wait_dma2 semaphore(%dma_wait3A_1162 : memref<!tpu.dma_semaphore, #tpu.memory_space<semaphore_mem>>) src(%dma_wait3A_1168 : memref<1280x16xf32, #tpu.memory_space<vmem>>) dst(%dma_wait3A_1164 : memref<1280x16xf32, #tpu.memory_space<hbm>>)
    %dma_wait3A_1169 = arith.constant 2 : i32
    %dma_wait3A_1170 = arith.constant 2 : i32
    %dma_wait3A_1171 = arith.constant 0 : i32
    %dma_wait3A_1172 = arith.constant 0 : i32
    %dma_wait3A_1173 = tpu.memref_slice %arg6[%dma_wait3A_1169, %dma_wait3A_1171, %dma_wait3A_1172] : memref<4x1280x16xf32, #tpu.memory_space<vmem>> -> memref<1x1280x16xf32, #tpu.memory_space<vmem>>
    %dma_wait3A_1174 = tpu.memref_squeeze %dma_wait3A_1173 : memref<1x1280x16xf32, #tpu.memory_space<vmem>> -> memref<1280x16xf32, #tpu.memory_space<vmem>>
    %dma_wait3A_1175 = arith.constant 0 : i32
    %dma_wait3A_1176 = tpu.memref_slice %arg4[%add3A_1089, %dma_wait3A_1175] : memref<819200x16xf32, #tpu.memory_space<hbm>> -> memref<1280x16xf32, #tpu.memory_space<hbm>>
    %dma_wait3A_1177 = tpu.memref_slice %arg8[%dma_wait3A_1170] : memref<4x!tpu.dma_semaphore, #tpu.memory_space<semaphore_mem>> -> memref<1x!tpu.dma_semaphore, #tpu.memory_space<semaphore_mem>>
    %dma_wait3A_1178 = tpu.memref_squeeze %dma_wait3A_1177 : memref<1x!tpu.dma_semaphore, #tpu.memory_space<semaphore_mem>> -> memref<!tpu.dma_semaphore, #tpu.memory_space<semaphore_mem>>
    %dma_wait3A_1179 = arith.constant 0 : i32
    %dma_wait3A_1180 = tpu.memref_slice %arg4[%add3A_1089, %dma_wait3A_1179] : memref<819200x16xf32, #tpu.memory_space<hbm>> -> memref<1280x16xf32, #tpu.memory_space<hbm>>
    %dma_wait3A_1181 = arith.constant 0 : i32
    %dma_wait3A_1182 = arith.constant 0 : i32
    %dma_wait3A_1183 = tpu.memref_slice %arg6[%dma_wait3A_1169, %dma_wait3A_1181, %dma_wait3A_1182] : memref<4x1280x16xf32, #tpu.memory_space<vmem>> -> memref<1x1280x16xf32, #tpu.memory_space<vmem>>
    %dma_wait3A_1184 = tpu.memref_squeeze %dma_wait3A_1183 : memref<1x1280x16xf32, #tpu.memory_space<vmem>> -> memref<1280x16xf32, #tpu.memory_space<vmem>>
    tpu.wait_dma2 semaphore(%dma_wait3A_1178 : memref<!tpu.dma_semaphore, #tpu.memory_space<semaphore_mem>>) src(%dma_wait3A_1184 : memref<1280x16xf32, #tpu.memory_space<vmem>>) dst(%dma_wait3A_1180 : memref<1280x16xf32, #tpu.memory_space<hbm>>)
    %dma_wait3A_1185 = arith.constant 3 : i32
    %dma_wait3A_1186 = arith.constant 3 : i32
    %dma_wait3A_1187 = arith.constant 0 : i32
    %dma_wait3A_1188 = arith.constant 0 : i32
    %dma_wait3A_1189 = tpu.memref_slice %arg6[%dma_wait3A_1185, %dma_wait3A_1187, %dma_wait3A_1188] : memref<4x1280x16xf32, #tpu.memory_space<vmem>> -> memref<1x1280x16xf32, #tpu.memory_space<vmem>>
    %dma_wait3A_1190 = tpu.memref_squeeze %dma_wait3A_1189 : memref<1x1280x16xf32, #tpu.memory_space<vmem>> -> memref<1280x16xf32, #tpu.memory_space<vmem>>
    %dma_wait3A_1191 = arith.constant 0 : i32
    %dma_wait3A_1192 = tpu.memref_slice %arg4[%add3A_1120, %dma_wait3A_1191] : memref<819200x16xf32, #tpu.memory_space<hbm>> -> memref<1280x16xf32, #tpu.memory_space<hbm>>
    %dma_wait3A_1193 = tpu.memref_slice %arg8[%dma_wait3A_1186] : memref<4x!tpu.dma_semaphore, #tpu.memory_space<semaphore_mem>> -> memref<1x!tpu.dma_semaphore, #tpu.memory_space<semaphore_mem>>
    %dma_wait3A_1194 = tpu.memref_squeeze %dma_wait3A_1193 : memref<1x!tpu.dma_semaphore, #tpu.memory_space<semaphore_mem>> -> memref<!tpu.dma_semaphore, #tpu.memory_space<semaphore_mem>>
    %dma_wait3A_1195 = arith.constant 0 : i32
    %dma_wait3A_1196 = tpu.memref_slice %arg4[%add3A_1120, %dma_wait3A_1195] : memref<819200x16xf32, #tpu.memory_space<hbm>> -> memref<1280x16xf32, #tpu.memory_space<hbm>>
    %dma_wait3A_1197 = arith.constant 0 : i32
    %dma_wait3A_1198 = arith.constant 0 : i32
    %dma_wait3A_1199 = tpu.memref_slice %arg6[%dma_wait3A_1185, %dma_wait3A_1197, %dma_wait3A_1198] : memref<4x1280x16xf32, #tpu.memory_space<vmem>> -> memref<1x1280x16xf32, #tpu.memory_space<vmem>>
    %dma_wait3A_1200 = tpu.memref_squeeze %dma_wait3A_1199 : memref<1x1280x16xf32, #tpu.memory_space<vmem>> -> memref<1280x16xf32, #tpu.memory_space<vmem>>
    tpu.wait_dma2 semaphore(%dma_wait3A_1194 : memref<!tpu.dma_semaphore, #tpu.memory_space<semaphore_mem>>) src(%dma_wait3A_1200 : memref<1280x16xf32, #tpu.memory_space<vmem>>) dst(%dma_wait3A_1196 : memref<1280x16xf32, #tpu.memory_space<hbm>>)
    return
  }
}

</mosaic_0001>

<sc_bundles>
// kernel: kernel.3.cloned.1.call-start
scs
__scs_entry_jumppad:
0x0: {  	(pc) =	sbr.rel $0x88, $3  }
0x1: {  	(tag) =	ssettag $0x0;
	lr =	simm.s32 $0x1  }
0x2: {  	[smem:$0x3F9F] =	sst lr;
	_ =	strace $0xD0000000  }
0x3: {  	_ = 	snop  }
0x4: {  	_ = 	snop  }
0x5: {  	_ = 	snop  }
0x6: {  	_ = 	snop  }
0x7: {  	_ = 	snop  }
__scs_overlays_trampoline_lowered:
0x8: {  	[smem:$0x3FAE] =	sst s0  }
0x9: {  	[smem:$0x3FAF] =	sst s1  }
0xa: {  	[smem:$0x3FB0] =	sst s2  }
0xb: {  	[smem:$0x3FB1] =	sst s3  }
0xc: {  	[smem:$0x3FB2] =	sst s4  }
0xd: {  	[smem:$0x3FB3] =	sst s5  }
0xe: {  	[smem:$0x3FB4] =	sst s6  }
0xf: {  	[smem:$0x3FB5] =	sst s7  }
0x10: {  	[smem:$0x3FB6] =	sst s8  }
0x11: {  	[smem:$0x3FB7] =	sst s9;
	s0 =	simm.s32 @!p0 $0x0  }
0x12: {  	s1 =	sld [smem:$0x3F9D];
	s0 =	simm.s32 @p0 $0x1  }
0x13: {  	[smem:$0x3FB8] =	sst s0;
	s0 =	simm.s32 @!p1 $0x0  }
0x14: {  	s2 =	sld [smem:$0x3F9C];
	s0 =	simm.s32 @p1 $0x1  }
0x15: {  	[smem:$0x3FB9] =	sst s0;
	s0 =	simm.s32 @!p2 $0x0  }
0x16: {  	s3 =	sld [smem:$0x3FDB];
	s0 =	simm.s32 @p2 $0x1  }
0x17: {  	s4 =	simm.s32 $0x1BF5;
	[smem:$0x3FBB] =	sst s0  }
0x18: {  	s0 =	sld [smem:$0x3F9E];
	_ =	swait.ge [sflag:s4], $0x0  }
0x19: {  	s7 =	sld [smem:$0x3F9F]  }
0x1a: {  	s8 =	sadd.s32 $0xFFFFE003, lr  }
0x1b: {  	s9 =	sadd.s32 $0xFFFFFEF7, lr;
	s5 =	simm.s32 $0xFFFFFFFF;
	p2 =	slt.u32 s8, $0xFFFFF086  }
0x1c: {  	p1 =	slt.u32 s9, $0xF7A;
	s5 =	simm.s32 @!p2 $0x0  }
0x1d: {  	s5 =	simm.s32 @p1 $0x1;
	p0 =	seq.s32 s7, s2  }
0x1e: {  	s7 =	smul.u32 @!p0 $0xF7A, s2;
	p2 =	seq.s32 @!p0 s5, $0x0  }
0x1f: {  	s9 =	smul.u32 $0xF7A, s1;
	s8 =	simm.s32 @!p0 $0x1BF5;
	p2 =	por !p2, p0  }
0x20: {  	[sflag:s8] =	ssyncset.s32 @!p0 $0xFFFFF086;
	s6 =	sadd.s32 @!p0 s3, s7;
	s7 =	simm.s32 @!p0 $0x108  }
0x21: {  	s3 =	sadd.s32 s3, s9;
	s6 =	sadd.s32 @!p0 $0x88, s6;
	s7 =	simm.s32 @p2 $0x1082  }
0x22: {  	[simem:s7], [sflag:s8] =	dma.local @!p0 [hbm:s6], $0xF7A  }
0x23: {  	s9 =	sor.u32 $0xD0000000, s2;
	s6 =	simm.s32 $0x108;
	_ =	swait.ge @!p0 [sflag:s8], $0x0  }
0x24: {  	s3 =	sadd.s32 $0x88, s3;
	s6 =	simm.s32 @!p1 $0x1082;
	[sflag:s4] =	ssyncset.s32 $0xFFFFF086  }
0x25: {  	[simem:s6], [sflag:s4] =	dma.local [hbm:s3], $0xF7A  }
0x26: {  	[smem:$0x3F9F] =	sst s1;
	(tag) =	ssettag s2;
	_ =	strace s9  }
0x27: {  	s1 =	sld [smem:$0x3FAF]  }
0x28: {  	s2 =	sld [smem:$0x3FB0]  }
0x29: {  	s4 =	sld [smem:$0x3FB2]  }
0x2a: {  	p0 =	seq.s32 s5, $0x0;
	s5 =	sld [smem:$0x3FB3]  }
0x2b: {  	s6 =	sld [smem:$0x3FB4]  }
0x2c: {  	s7 =	sld [smem:$0x3FB5]  }
0x2d: {  	s3 =	simm.s32 $0x108;
	s8 =	sld [smem:$0x3FB6]  }
0x2e: {  	s3 =	simm.s32 @!p0 $0x1082;
	s9 =	sld [smem:$0x3FB7]  }
0x2f: {  	lr =	sadd.s32 s0, s3;
	s0 =	sld [smem:$0x3FAE]  }
0x30: {  	s3 =	sld [smem:$0x3FB1]  }
0x31: {  	[smem:$0x3FBA] =	sst s10  }
0x32: {  	s10 =	sld [smem:$0x3FB8];
	_ =	sdelay $0x3  }
0x33: {  	p0 =	seq.s32 s10, $0x1;
	s10 =	sld [smem:$0x3FBA];
	_ =	sdelay $0x3  }
0x34: {  	[smem:$0x3FBA] =	sst s10  }
0x35: {  	s10 =	sld [smem:$0x3FB9];
	_ =	sdelay $0x3  }
0x36: {  	p1 =	seq.s32 s10, $0x1;
	s10 =	sld [smem:$0x3FBA];
	_ =	sdelay $0x3  }
0x37: {  	[smem:$0x3FBA] =	sst s10  }
0x38: {  	s10 =	sld [smem:$0x3FBB]  }
0x39: {  	_ = 	snop;
	(pc) =	sbr.ind lr, $3  }
0x3a: {  	_ = 	snop  }
0x3b: {  	_ = 	snop  }
0x3c: {  	p2 =	seq.s32 s10, $0x1;
	s10 =	sld [smem:$0x3FBA]  }
0x3d: {  	_ =	shalt  }
0x3e: {  	_ =	shalt  }
0x3f: {  	_ =	shalt  }
0x40: {  	_ =	shalt  }
0x41: {  	_ =	shalt  }
0x42: {  	_ =	shalt  }
0x43: {  	_ =	shalt  }
0x44: {  	_ =	shalt  }
0x45: {  	_ =	shalt  }
0x46: {  	_ =	shalt  }
0x47: {  	_ =	shalt  }
0x48: {  	_ =	shalt  }
0x49: {  	_ =	shalt  }
0x4a: {  	_ =	shalt  }
0x4b: {  	_ =	shalt  }
0x4c: {  	_ =	shalt  }
0x4d: {  	_ =	shalt  }
0x4e: {  	_ =	shalt  }
0x4f: {  	_ =	shalt  }
0x50: {  	_ =	shalt  }
0x51: {  	_ =	shalt  }
0x52: {  	_ =	shalt  }
0x53: {  	_ =	shalt  }
0x54: {  	_ =	shalt  }
0x55: {  	_ =	shalt  }
0x56: {  	_ =	shalt  }
0x57: {  	_ =	shalt  }
0x58: {  	_ =	shalt  }
0x59: {  	_ =	shalt  }
0x5a: {  	_ =	shalt  }
0x5b: {  	_ =	shalt  }
0x5c: {  	_ =	shalt  }
0x5d: {  	_ =	shalt  }
0x5e: {  	_ =	shalt  }
0x5f: {  	_ =	shalt  }
0x60: {  	_ =	shalt  }
0x61: {  	_ =	shalt  }
0x62: {  	_ =	shalt  }
0x63: {  	_ =	shalt  }
0x64: {  	_ =	shalt  }
0x65: {  	_ =	shalt  }
0x66: {  	_ =	shalt  }
0x67: {  	_ =	shalt  }
0x68: {  	_ =	shalt  }
0x69: {  	_ =	shalt  }
0x6a: {  	_ =	shalt  }
0x6b: {  	_ =	shalt  }
0x6c: {  	_ =	shalt  }
0x6d: {  	_ =	shalt  }
0x6e: {  	_ =	shalt  }
0x6f: {  	_ =	shalt  }
0x70: {  	_ =	shalt  }
0x71: {  	_ =	shalt  }
0x72: {  	_ =	shalt  }
0x73: {  	_ =	shalt  }
0x74: {  	_ =	shalt  }
0x75: {  	_ =	shalt  }
0x76: {  	_ =	shalt  }
0x77: {  	_ =	shalt  }
0x78: {  	_ =	shalt  }
0x79: {  	_ =	shalt  }
0x7a: {  	_ =	shalt  }
0x7b: {  	_ =	shalt  }
0x7c: {  	_ =	shalt  }
0x7d: {  	_ =	shalt  }
0x7e: {  	_ =	shalt  }
0x7f: {  	_ =	shalt  }
0x80: {  	_ =	shalt  }
0x81: {  	_ =	shalt  }
0x82: {  	_ =	shalt  }
0x83: {  	_ =	shalt  }
0x84: {  	_ =	shalt  }
0x85: {  	_ =	shalt  }
0x86: {  	_ =	shalt  }
0x87: {  	_ =	shalt  }
.Lfunc_end0:
.L_simem_size_0:
called_computation.2_lowered:
.L_overlay_start_0:
0x88: {  	s2 =	sld [smem:$0x3FD9]  }
0x89: {  	s3 =	sld [smem:$0x3FFE];
	_ =	sdelay $0x1  }
0x8a: {  	s1 =	srdreg.scid  }
0x8b: {  	s0 =	sand.u32 $0x1, s1  }
0x8c: {  	s17 =	sshll.u32 s0, $0xA;
	s2 =	sadd.s32 s3, s2  }
0x8d: {  	s2 =	sadd.s32 s2, s17  }
0x8e: {  	[smem:$0x3FC6] =	sst s2  }
0x8f: {  	_ = 	snop  }
0x90: {  	s2 =	sld [smem:$0x3FD0];
	(tm) =	ssettm $0x1  }
0x91: {  	s18 =	sld [smem:$0x3FFB];
	_ =	sdelay $0x3  }
0x92: {  	_ =	strace s18  }
0x93: {  	s3 =	sld [smem:$0x3FFC];
	_ =	sdelay $0x3  }
0x94: {  	_ =	strace s3  }
0x95: {  	s3 =	sld [smem:$0x3FFD];
	_ =	sdelay $0x3  }
0x96: {  	_ =	strace s3  }
0x97: {  	_ =	strace $0x8FFFFFFF  }
0x98: {  	s19 =	sld [smem:$0x3FDB];
	_ =	sdelay $0x1  }
0x99: {  	s4 =	simm.s32 $_scs_section_size  }
0x9a: {  	s5 =	simm.s32 $_size__tile_overlayer_lowered;
	s6 =	simm.s32 $_tile_overlayer_lowered  }
0x9b: {  	s22 =	simm.s32 $0x1BFF;
	s21 =	sshll.u32 s6, $0x1;
	s3 =	sadd.s32 s4, s19  }
0x9c: {  	s7 =	simm.s32 $0x0;
	s20 =	sshll.u32 s5, $0x1;
	s5 =	sadd.s32 s21, s3  }
0x9d: {  	[timem:s7], [sflag:s22] =	dma.local [hbm:s5], s20  }
0x9e: {  	_ =	swait.ge [sflag:s22], s20  }
0x9f: {  	s4 =	ssub.s32 $0x0, s20;
	[sflag:s22] =	ssyncset.done $0x0  }
0xa0: {  	[sflag:s22] =	ssyncadd.s32 s4;
	_ =	sdelay $0x1  }
0xa1: {  	s23 =	simm.s32 $0x1B8B  }
0xa2: {  	_ =	swait.ge [sflag:s23], $0x1  }
0xa3: {  	[sflag:s23] =	ssyncset.done $0x0  }
0xa4: {  	s25 =	simm.s32 $0x1B8E;
	s24 =	sld [smem:$0x3FFE];
	[sflag:s23] =	ssyncadd.s32 $0xFFFFFFFF  }
0xa5: {  	s26 =	simm.s32 $execute0_lowered;
	[smem:$0x3FD2] =	sst s25  }
0xa6: {  	s5 =	sshll.u32 s26, $0x1;
	_ =	strace $0x80000046;
	[dreg:$0x1] =	wrdreg $0xFFFFFFFF  }
0xa7: {  	s28 =	simm.s32 $_size_execute0_lowered;
	s3 =	sadd.s32 s3, s5;
	[dreg:$0x0] =	wrdreg $0x0  }
0xa8: {  	s5 =	sshll.u32 s28, $0x1;
	[dreg:$0x2] =	wrdreg s3  }
0xa9: {  	[dreg:$0x3] =	wrdreg s5  }
0xaa: {  	[dreg:$0x4] =	wrdreg $0xC0  }
0xab: {  	_ =	task [dreg:s7], $0x5FFFF  }
0xac: {  	[dreg:$0x1] =	wrdreg $0xFFFFFFFF  }
0xad: {  	[dreg:$0x0] =	wrdreg $0x60  }
0xae: {  	[dreg:$0x2] =	wrdreg s24  }
0xaf: {  	[dreg:$0x3] =	wrdreg s2  }
0xb0: {  	[dreg:$0x4] =	wrdreg $0x9  }
0xb1: {  	_ =	task.clear_ibuf [dreg:s7], $0x5FFFF;
	_ =	strace $0x90000046  }
0xb2: {  	s29 =	simm.s32 $0x9;
	_ =	strace $0x80000048  }
0xb3: {  	_ =	swait.ge [sflag:s29], $0x1  }
0xb4: {  	[sflag:s29] =	ssyncadd.s32 $0xFFFFFFFF  }
0xb5: {  	_ =	strace $0x90000048  }
0xb6: {  	_ =	sfence  }
0xb7: {  	s30 =	sld [smem:$0x0];
	_ =	sdelay $0x2  }
0xb8: {  	s31 =	sshll.u32 s1, $0xD;
	s1 =	sshrl.u32 s1, $0x2  }
0xb9: {  	s3 =	sand.u32 $0x4000, s31;
	s1 =	sadd.s32 s1, s30  }
0xba: {  	s0 =	sor.u32 s3, s0;
	s1 =	sshll.u32 s1, $0x11  }
0xbb: {  	s0 =	sor.u32 s1, s0  }
0xbc: {  	s0 =	sadd.s32 $0x8F2B, s0  }
0xbd: {  	[sflag:s0] =	ssyncadd.remote.s32 $0x1  }
0xbe: {  	_ =	sfence.sel $0xFFFF  }
0xbf: {  	[dreg:$0x0] =	wrdreg $0xFFFFFFFF;
	(pc) =	sbr.abs _section_cstart, $3  }
0xc0: {  	[dreg:$0x1] =	wrdreg $0xFFFFFFFF  }
0xc1: {  	_ =	task.clear_ibuf [dreg:s7], $0x2FFFF;
	_ =	strace $0x9FFFFFFF  }
0xc2: {  	(tm) =	ssettm $0x7FFFFFFF  }
0xc3: {  	_ =	shalt  }
tec
execute0_lowered:
.L_overlay_start_1:
0x0: {  	(tag) =	ssettag $0x1  }
0x1: {  	s0 =	srdreg.scid;
	s17 =	stileid.u32  }
0x2: {  	s0 =	sand.u32 $0x1, s0;
	s1 =	sshll.u32 s17, $0x1  }
0x3: {  	s1 =	sor.u32 s0, s1  }
0x4: {  	s3 =	rddreg [dreg:$0x0];
	s5 =	smul.u32 $0xC80, s1  }
0x5: {  	s4 =	rddreg [dreg:$0x1];
	s2 =	simm.s32 $0x0;
	s6 =	smul.u32 $0x64000, s1  }
0x6: {  	s22 =	simm.s32 $0xA00;
	[smem:$0x7FF] =	sst s2;
	s1 =	smul.u32 $0xC800, s1  }
0x7: {  	_ =	strace $0x80000047;
	[dreg:$0x18] =	wrdreg s22  }
0x8: {  	s5 =	sadd.s32 s5, s3;
	s6 =	sshrl.u32 s6, $0x3;
	s1 =	sadd.s32 s4, s1  }
0x9: {  	s5 =	sadd.s32 $0xE00, s5;
	s4 =	sadd.s32 s4, s6;
	[dreg:$0x4] =	wrdreg s1  }
0xa: {  	[dreg:$0x3] =	wrdreg s5;
	s23 =	sadd.s32 $0xA00, s4  }
0xb: {  	s24 =	sadd.s32 $0x1400, s4;
	[dreg:$0x5] =	wrdreg s23  }
0xc: {  	s25 =	sadd.s32 $0x1E00, s4;
	[dreg:$0x6] =	wrdreg s24  }
0xd: {  	s26 =	sadd.s32 $0x2800, s4;
	[dreg:$0x7] =	wrdreg s25  }
0xe: {  	s31 =	simm.s32 $0x9;
	s5 =	sadd.s32 $0x3200, s4;
	[dreg:$0x8] =	wrdreg s26  }
0xf: {  	s30 =	simm.s32 $0x2800;
	s6 =	sadd.s32 $0x3C00, s4;
	[dreg:$0x9] =	wrdreg s5  }
0x10: {  	s29 =	simm.s32 $0x2D00;
	s7 =	sadd.s32 $0x4600, s4;
	[dreg:$0xa] =	wrdreg s6  }
0x11: {  	s28 =	simm.s32 $0x3200;
	s8 =	sadd.s32 $0x5000, s4;
	[dreg:$0xb] =	wrdreg s7  }
0x12: {  	p0 =	por $0x0, $0x0;
	s9 =	sadd.s32 $0x5A00, s4;
	[dreg:$0xc] =	wrdreg s8  }
0x13: {  	s0 =	ssub.s32 $0x2, s0;
	s10 =	sadd.s32 $0x6400, s4;
	[dreg:$0xd] =	wrdreg s9  }
0x14: {  	s22 =	simm.s32 $0x4B00;
	s11 =	sadd.s32 $0x6E00, s4;
	[dreg:$0xe] =	wrdreg s10  }
0x15: {  	s20 =	sshrl.u32 s0, $0x1;
	s12 =	sadd.s32 $0x7800, s4;
	[dreg:$0xf] =	wrdreg s11  }
0x16: {  	s0 =	ssub.s32 s0, s20;
	s13 =	sadd.s32 $0x8200, s4;
	[dreg:$0x10] =	wrdreg s12  }
0x17: {  	s20 =	simm.s32 $0x5500;
	s14 =	sadd.s32 $0x8C00, s4;
	[dreg:$0x11] =	wrdreg s13  }
0x18: {  	s0 =	smax.u32 s0, $0x1;
	s15 =	sadd.s32 $0x9600, s4;
	[dreg:$0x12] =	wrdreg s14  }
0x19: {  	p1 =	sne.s32 s0, $0x1;
	s16 =	sadd.s32 $0xA000, s4;
	[dreg:$0x13] =	wrdreg s15  }
0x1a: {  	s1 =	sadd.s32 $0xFFFFFFFF, s0;
	s18 =	sadd.s32 $0xAA00, s4;
	[dreg:$0x14] =	wrdreg s16  }
0x1b: {  	s19 =	sadd.s32 $0xB400, s4;
	s21 =	sadd.s32 $0xBE00, s4;
	[dreg:$0x15] =	wrdreg s18  }
0x1c: {  	s4 =	simm.s32 $0x15400;
	[dreg:$0x16] =	wrdreg s19;
	s5 =	sadd.s32 $0xF43200, s3  }
0x1d: {  	[dreg:$0x17] =	wrdreg s21;
	s11 =	simm.s32 $0x500;
	s12 =	simm.s32 $0x6400  }
0x1e: {  	s10 =	simm.s32 $0xB400;
	s6 =	simm.s32 $0x10400;
	s23 =	simm.s32 $0xF00  }
0x1f: {  	s16 =	simm.s32 $0x1;
	s15 =	simm.s32 $0x2;
	s3 =	simm.s32 $0x5  }
0x20: {  	s24 =	simm.s32 $0x1400;
	s13 =	simm.s32 $0x3;
	s25 =	simm.s32 $0x1900  }
0x21: {  	s7 =	simm.s32 $0x6;
	s26 =	simm.s32 $0x1E00;
	s0 =	rddreg [dreg:$0x3]  }
.Ltmp0:
0x22: {  	s14 =	simm.s32 $0x4;
	[dreg:$0x19] =	wrdreg s23;
	(pc) =	sbr.rel @!p1 .LBB2_1-.Ltmp0, $4  }
0x23: {  	s9 =	simm.s32 $0x7;
	s8 =	simm.s32 $0x8;
	[dreg:$0x1a] =	wrdreg s24  }
0x24: {  	s21 =	simm.s32 $0x5000;
	s19 =	simm.s32 $0x5A00;
	[dreg:$0x1b] =	wrdreg s25  }
0x25: {  	s18 =	simm.s32 $0x5F00;
	[dreg:$0x1c] =	wrdreg s26;
	s26 =	simm.s32 $0x3700  }
0x26: {  	s25 =	simm.s32 $0x3C00;
	s24 =	simm.s32 $0x4100;
	s23 =	simm.s32 $0x4600  }
0x27: {  	[tilespmem:s2], [sflag:$0x9] =	stream.linear.gather [hbm4b:s0+s2], $0x6400, $0x38;
	[tilespmem:$0x1A400] =	vst v63  }
0x28: {  	_ =	swait.ge [sflag:s31], $0x6400  }
0x29: {  	[sflag:s31] =	ssyncset.done $0x0  }
0x2a: {  	[sflag:s31] =	ssyncadd.s32 $0xFFFF9C00  }
0x2b: {  	[tilespmem:s12], [sflag:$0x1] =	stream.indirect.gather [hbm4b:s5+s11], $0x10, s2, s11, $0xb8;
	[tilespmem:$0x1A400] =	vst v63  }
0x2c: {  	_ = 	snop  }
0x2d: {  	[tilespmem:s10], [sflag:$0x2] =	stream.indirect.gather [hbm4b:s5+s11], $0x10, s11, s11, $0xb8;
	[tilespmem:$0x1A400] =	vst v63  }
0x2e: {  	s17 =	rddreg [dreg:$0x18]  }
0x2f: {  	[tilespmem:s6], [sflag:$0x3] =	stream.indirect.gather [hbm4b:s5+s11], $0x10, s17, s11, $0xb8;
	[tilespmem:$0x1A400] =	vst v63  }
0x30: {  	_ =	swait.ge [sflag:s16], $0x5000  }
0x31: {  	[sflag:s16] =	ssyncset.done $0x0  }
0x32: {  	s0 =	rddreg [dreg:$0x4];
	[sflag:s16] =	ssyncadd.s32 $0xFFFFB000  }
0x33: {  	[hbm4b:s0+s2] =	stream.linear.scatter [tilespmem:s12], [sflag:$0x5], $0x5000, $0x38;
	[tilespmem:$0x1A400] =	vst v63  }
0x34: {  	s17 =	smov.u32 s1;
	s1 =	rddreg [dreg:$0x19]  }
0x35: {  	[tilespmem:s4], [sflag:$0x4] =	stream.indirect.gather [hbm4b:s5+s11], $0x10, s1, s11, $0xb8;
	[tilespmem:$0x1A400] =	vst v63  }
0x36: {  	_ =	swait.ge [sflag:s15], $0x5000  }
0x37: {  	[sflag:s15] =	ssyncset.done $0x0  }
0x38: {  	s1 =	rddreg [dreg:$0x5];
	[sflag:s15] =	ssyncadd.s32 $0xFFFFB000  }
0x39: {  	[hbm4b:s1+s2] =	stream.linear.scatter [tilespmem:s10], [sflag:$0x6], $0x5000, $0x38;
	[tilespmem:$0x1A400] =	vst v63  }
0x3a: {  	_ =	swait.ge [sflag:s3], $0x5000  }
0x3b: {  	[sflag:s3] =	ssyncset.done $0x0  }
0x3c: {  	s1 =	rddreg [dreg:$0x1a];
	[sflag:s3] =	ssyncadd.s32 $0xFFFFB000  }
0x3d: {  	[tilespmem:s12], [sflag:$0x1] =	stream.indirect.gather [hbm4b:s5+s11], $0x10, s1, s11, $0xb8;
	[tilespmem:$0x1A400] =	vst v63  }
0x3e: {  	_ =	swait.ge [sflag:s13], $0x5000  }
0x3f: {  	[sflag:s13] =	ssyncset.done $0x0  }
0x40: {  	s1 =	rddreg [dreg:$0x6];
	[sflag:s13] =	ssyncadd.s32 $0xFFFFB000  }
0x41: {  	[hbm4b:s1+s2] =	stream.linear.scatter [tilespmem:s6], [sflag:$0x7], $0x5000, $0x38;
	[tilespmem:$0x1A400] =	vst v63  }
0x42: {  	_ =	swait.ge [sflag:s7], $0x5000  }
0x43: {  	[sflag:s7] =	ssyncset.done $0x0  }
0x44: {  	s1 =	rddreg [dreg:$0x1b];
	[sflag:s7] =	ssyncadd.s32 $0xFFFFB000  }
0x45: {  	[tilespmem:s10], [sflag:$0x2] =	stream.indirect.gather [hbm4b:s5+s11], $0x10, s1, s11, $0xb8;
	[tilespmem:$0x1A400] =	vst v63  }
0x46: {  	_ =	swait.ge [sflag:s14], $0x5000  }
0x47: {  	[sflag:s14] =	ssyncset.done $0x0  }
0x48: {  	s1 =	rddreg [dreg:$0x7];
	[sflag:s14] =	ssyncadd.s32 $0xFFFFB000  }
0x49: {  	[hbm4b:s1+s2] =	stream.linear.scatter [tilespmem:s4], [sflag:$0x8], $0x5000, $0x38;
	[tilespmem:$0x1A400] =	vst v63  }
0x4a: {  	_ =	swait.ge [sflag:s9], $0x5000  }
0x4b: {  	[sflag:s9] =	ssyncset.done $0x0  }
0x4c: {  	s1 =	rddreg [dreg:$0x1c];
	[sflag:s9] =	ssyncadd.s32 $0xFFFFB000  }
0x4d: {  	[tilespmem:s6], [sflag:$0x3] =	stream.indirect.gather [hbm4b:s5+s11], $0x10, s1, s11, $0xb8;
	[tilespmem:$0x1A400] =	vst v63  }
0x4e: {  	_ =	swait.ge [sflag:s16], $0x5000  }
0x4f: {  	[sflag:s16] =	ssyncset.done $0x0  }
0x50: {  	s1 =	rddreg [dreg:$0x8];
	[sflag:s16] =	ssyncadd.s32 $0xFFFFB000  }
0x51: {  	[hbm4b:s1+s2] =	stream.linear.scatter [tilespmem:s12], [sflag:$0x5], $0x5000, $0x38;
	[tilespmem:$0x1A400] =	vst v63  }
0x52: {  	_ =	swait.ge [sflag:s8], $0x5000  }
0x53: {  	[sflag:s8] =	ssyncset.done $0x0  }
0x54: {  	s1 =	simm.s32 $0x2300;
	[sflag:s8] =	ssyncadd.s32 $0xFFFFB000  }
0x55: {  	[tilespmem:s4], [sflag:$0x4] =	stream.indirect.gather [hbm4b:s5+s11], $0x10, s1, s11, $0xb8;
	[tilespmem:$0x1A400] =	vst v63  }
0x56: {  	_ =	swait.ge [sflag:s15], $0x5000  }
0x57: {  	[sflag:s15] =	ssyncset.done $0x0  }
0x58: {  	s1 =	rddreg [dreg:$0x9];
	[sflag:s15] =	ssyncadd.s32 $0xFFFFB000  }
0x59: {  	[hbm4b:s1+s2] =	stream.linear.scatter [tilespmem:s10], [sflag:$0x6], $0x5000, $0x38;
	[tilespmem:$0x1A400] =	vst v63  }
0x5a: {  	_ =	swait.ge [sflag:s3], $0x5000  }
0x5b: {  	[sflag:s3] =	ssyncset.done $0x0  }
0x5c: {  	[sflag:s3] =	ssyncadd.s32 $0xFFFFB000  }
0x5d: {  	[tilespmem:s12], [sflag:$0x1] =	stream.indirect.gather [hbm4b:s5+s11], $0x10, s30, s11, $0xb8;
	[tilespmem:$0x1A400] =	vst v63  }
0x5e: {  	_ =	swait.ge [sflag:s13], $0x5000  }
0x5f: {  	[sflag:s13] =	ssyncset.done $0x0  }
0x60: {  	s1 =	rddreg [dreg:$0xa];
	[sflag:s13] =	ssyncadd.s32 $0xFFFFB000  }
0x61: {  	[hbm4b:s1+s2] =	stream.linear.scatter [tilespmem:s6], [sflag:$0x7], $0x5000, $0x38;
	[tilespmem:$0x1A400] =	vst v63  }
0x62: {  	_ =	swait.ge [sflag:s7], $0x5000  }
0x63: {  	[sflag:s7] =	ssyncset.done $0x0  }
0x64: {  	[sflag:s7] =	ssyncadd.s32 $0xFFFFB000  }
0x65: {  	[tilespmem:s10], [sflag:$0x2] =	stream.indirect.gather [hbm4b:s5+s11], $0x10, s29, s11, $0xb8;
	[tilespmem:$0x1A400] =	vst v63  }
0x66: {  	_ =	swait.ge [sflag:s14], $0x5000  }
0x67: {  	[sflag:s14] =	ssyncset.done $0x0  }
0x68: {  	s1 =	rddreg [dreg:$0xb];
	[sflag:s14] =	ssyncadd.s32 $0xFFFFB000  }
0x69: {  	[hbm4b:s1+s2] =	stream.linear.scatter [tilespmem:s4], [sflag:$0x8], $0x5000, $0x38;
	[tilespmem:$0x1A400] =	vst v63  }
0x6a: {  	_ =	swait.ge [sflag:s9], $0x5000  }
0x6b: {  	[sflag:s9] =	ssyncset.done $0x0  }
0x6c: {  	[sflag:s9] =	ssyncadd.s32 $0xFFFFB000  }
0x6d: {  	[tilespmem:s6], [sflag:$0x3] =	stream.indirect.gather [hbm4b:s5+s11], $0x10, s28, s11, $0xb8;
	[tilespmem:$0x1A400] =	vst v63  }
0x6e: {  	_ =	swait.ge [sflag:s16], $0x5000  }
0x6f: {  	[sflag:s16] =	ssyncset.done $0x0  }
0x70: {  	s1 =	rddreg [dreg:$0xc];
	[sflag:s16] =	ssyncadd.s32 $0xFFFFB000  }
0x71: {  	[hbm4b:s1+s2] =	stream.linear.scatter [tilespmem:s12], [sflag:$0x5], $0x5000, $0x38;
	[tilespmem:$0x1A400] =	vst v63  }
0x72: {  	_ =	swait.ge [sflag:s8], $0x5000  }
0x73: {  	[sflag:s8] =	ssyncset.done $0x0  }
0x74: {  	[sflag:s8] =	ssyncadd.s32 $0xFFFFB000  }
0x75: {  	[tilespmem:s4], [sflag:$0x4] =	stream.indirect.gather [hbm4b:s5+s11], $0x10, s26, s11, $0xb8;
	[tilespmem:$0x1A400] =	vst v63  }
0x76: {  	_ =	swait.ge [sflag:s15], $0x5000  }
0x77: {  	[sflag:s15] =	ssyncset.done $0x0  }
0x78: {  	s1 =	rddreg [dreg:$0xd];
	[sflag:s15] =	ssyncadd.s32 $0xFFFFB000  }
0x79: {  	[hbm4b:s1+s2] =	stream.linear.scatter [tilespmem:s10], [sflag:$0x6], $0x5000, $0x38;
	[tilespmem:$0x1A400] =	vst v63  }
0x7a: {  	_ =	swait.ge [sflag:s3], $0x5000  }
0x7b: {  	[sflag:s3] =	ssyncset.done $0x0  }
0x7c: {  	[sflag:s3] =	ssyncadd.s32 $0xFFFFB000  }
0x7d: {  	[tilespmem:s12], [sflag:$0x1] =	stream.indirect.gather [hbm4b:s5+s11], $0x10, s25, s11, $0xb8;
	[tilespmem:$0x1A400] =	vst v63  }
0x7e: {  	_ =	swait.ge [sflag:s13], $0x5000  }
0x7f: {  	[sflag:s13] =	ssyncset.done $0x0  }
0x80: {  	s1 =	rddreg [dreg:$0xe];
	[sflag:s13] =	ssyncadd.s32 $0xFFFFB000  }
0x81: {  	[hbm4b:s1+s2] =	stream.linear.scatter [tilespmem:s6], [sflag:$0x7], $0x5000, $0x38;
	[tilespmem:$0x1A400] =	vst v63  }
0x82: {  	_ =	swait.ge [sflag:s7], $0x5000  }
0x83: {  	[sflag:s7] =	ssyncset.done $0x0  }
0x84: {  	[sflag:s7] =	ssyncadd.s32 $0xFFFFB000  }
0x85: {  	[tilespmem:s10], [sflag:$0x2] =	stream.indirect.gather [hbm4b:s5+s11], $0x10, s24, s11, $0xb8;
	[tilespmem:$0x1A400] =	vst v63  }
0x86: {  	_ =	swait.ge [sflag:s14], $0x5000  }
0x87: {  	[sflag:s14] =	ssyncset.done $0x0  }
0x88: {  	s1 =	rddreg [dreg:$0xf];
	[sflag:s14] =	ssyncadd.s32 $0xFFFFB000  }
0x89: {  	[hbm4b:s1+s2] =	stream.linear.scatter [tilespmem:s4], [sflag:$0x8], $0x5000, $0x38;
	[tilespmem:$0x1A400] =	vst v63  }
0x8a: {  	_ =	swait.ge [sflag:s9], $0x5000  }
0x8b: {  	[sflag:s9] =	ssyncset.done $0x0  }
0x8c: {  	[sflag:s9] =	ssyncadd.s32 $0xFFFFB000  }
0x8d: {  	[tilespmem:s6], [sflag:$0x3] =	stream.indirect.gather [hbm4b:s5+s11], $0x10, s23, s11, $0xb8;
	[tilespmem:$0x1A400] =	vst v63  }
0x8e: {  	_ =	swait.ge [sflag:s16], $0x5000  }
0x8f: {  	[sflag:s16] =	ssyncset.done $0x0  }
0x90: {  	s1 =	rddreg [dreg:$0x10];
	[sflag:s16] =	ssyncadd.s32 $0xFFFFB000  }
0x91: {  	[hbm4b:s1+s2] =	stream.linear.scatter [tilespmem:s12], [sflag:$0x5], $0x5000, $0x38;
	[tilespmem:$0x1A400] =	vst v63  }
0x92: {  	_ =	swait.ge [sflag:s8], $0x5000  }
0x93: {  	[sflag:s8] =	ssyncset.done $0x0  }
0x94: {  	[sflag:s8] =	ssyncadd.s32 $0xFFFFB000  }
0x95: {  	[tilespmem:s4], [sflag:$0x4] =	stream.indirect.gather [hbm4b:s5+s11], $0x10, s22, s11, $0xb8;
	[tilespmem:$0x1A400] =	vst v63  }
0x96: {  	_ =	swait.ge [sflag:s15], $0x5000  }
0x97: {  	[sflag:s15] =	ssyncset.done $0x0  }
0x98: {  	s1 =	rddreg [dreg:$0x11];
	[sflag:s15] =	ssyncadd.s32 $0xFFFFB000  }
0x99: {  	[hbm4b:s1+s2] =	stream.linear.scatter [tilespmem:s10], [sflag:$0x6], $0x5000, $0x38;
	[tilespmem:$0x1A400] =	vst v63  }
0x9a: {  	_ =	swait.ge [sflag:s3], $0x5000  }
0x9b: {  	[sflag:s3] =	ssyncset.done $0x0  }
0x9c: {  	[sflag:s3] =	ssyncadd.s32 $0xFFFFB000  }
0x9d: {  	[tilespmem:s12], [sflag:$0x1] =	stream.indirect.gather [hbm4b:s5+s11], $0x10, s21, s11, $0xb8;
	[tilespmem:$0x1A400] =	vst v63  }
0x9e: {  	_ =	swait.ge [sflag:s13], $0x5000  }
0x9f: {  	[sflag:s13] =	ssyncset.done $0x0  }
0xa0: {  	s1 =	rddreg [dreg:$0x12];
	[sflag:s13] =	ssyncadd.s32 $0xFFFFB000  }
0xa1: {  	[hbm4b:s1+s2] =	stream.linear.scatter [tilespmem:s6], [sflag:$0x7], $0x5000, $0x38;
	[tilespmem:$0x1A400] =	vst v63  }
0xa2: {  	_ =	swait.ge [sflag:s7], $0x5000  }
0xa3: {  	[sflag:s7] =	ssyncset.done $0x0  }
0xa4: {  	[sflag:s7] =	ssyncadd.s32 $0xFFFFB000  }
0xa5: {  	[tilespmem:s10], [sflag:$0x2] =	stream.indirect.gather [hbm4b:s5+s11], $0x10, s20, s11, $0xb8;
	[tilespmem:$0x1A400] =	vst v63  }
0xa6: {  	_ =	swait.ge [sflag:s14], $0x5000  }
0xa7: {  	[sflag:s14] =	ssyncset.done $0x0  }
0xa8: {  	s1 =	rddreg [dreg:$0x13];
	[sflag:s14] =	ssyncadd.s32 $0xFFFFB000  }
0xa9: {  	[hbm4b:s1+s2] =	stream.linear.scatter [tilespmem:s4], [sflag:$0x8], $0x5000, $0x38;
	[tilespmem:$0x1A400] =	vst v63  }
0xaa: {  	_ =	swait.ge [sflag:s9], $0x5000  }
0xab: {  	[sflag:s9] =	ssyncset.done $0x0  }
0xac: {  	[sflag:s9] =	ssyncadd.s32 $0xFFFFB000  }
0xad: {  	[tilespmem:s6], [sflag:$0x3] =	stream.indirect.gather [hbm4b:s5+s11], $0x10, s19, s11, $0xb8;
	[tilespmem:$0x1A400] =	vst v63  }
0xae: {  	_ =	swait.ge [sflag:s16], $0x5000  }
0xaf: {  	[sflag:s16] =	ssyncset.done $0x0  }
0xb0: {  	s1 =	rddreg [dreg:$0x14];
	[sflag:s16] =	ssyncadd.s32 $0xFFFFB000  }
0xb1: {  	[hbm4b:s1+s2] =	stream.linear.scatter [tilespmem:s12], [sflag:$0x5], $0x5000, $0x38;
	[tilespmem:$0x1A400] =	vst v63  }
0xb2: {  	_ =	swait.ge [sflag:s8], $0x5000  }
0xb3: {  	[sflag:s8] =	ssyncset.done $0x0  }
0xb4: {  	[sflag:s8] =	ssyncadd.s32 $0xFFFFB000  }
0xb5: {  	[tilespmem:s4], [sflag:$0x4] =	stream.indirect.gather [hbm4b:s5+s11], $0x10, s18, s11, $0xb8;
	[tilespmem:$0x1A400] =	vst v63  }
0xb6: {  	_ =	swait.ge [sflag:s15], $0x5000  }
0xb7: {  	[sflag:s15] =	ssyncset.done $0x0  }
0xb8: {  	s1 =	rddreg [dreg:$0x15];
	[sflag:s15] =	ssyncadd.s32 $0xFFFFB000  }
0xb9: {  	[hbm4b:s1+s2] =	stream.linear.scatter [tilespmem:s10], [sflag:$0x6], $0x5000, $0x38;
	[tilespmem:$0x1A400] =	vst v63  }
0xba: {  	_ =	swait.ge [sflag:s13], $0x5000  }
0xbb: {  	[sflag:s13] =	ssyncset.done $0x0  }
0xbc: {  	s1 =	rddreg [dreg:$0x16];
	[sflag:s13] =	ssyncadd.s32 $0xFFFFB000  }
0xbd: {  	[hbm4b:s1+s2] =	stream.linear.scatter [tilespmem:s6], [sflag:$0x7], $0x5000, $0x38;
	[tilespmem:$0x1A400] =	vst v63  }
0xbe: {  	_ =	swait.ge [sflag:s14], $0x5000  }
0xbf: {  	[sflag:s14] =	ssyncset.done $0x0  }
0xc0: {  	s1 =	rddreg [dreg:$0x17];
	[sflag:s14] =	ssyncadd.s32 $0xFFFFB000  }
0xc1: {  	[hbm4b:s1+s2] =	stream.linear.scatter [tilespmem:s4], [sflag:$0x8], $0x5000, $0x38;
	[tilespmem:$0x1A400] =	vst v63  }
0xc2: {  	_ =	swait.ge [sflag:s3], $0x5000  }
0xc3: {  	[sflag:s3] =	ssyncset.done $0x0  }
0xc4: {  	[sflag:s3] =	ssyncadd.s32 $0xFFFFB000  }
0xc5: {  	_ =	swait.ge [sflag:s7], $0x5000  }
0xc6: {  	[sflag:s7] =	ssyncset.done $0x0  }
0xc7: {  	p1 =	sne.s32 s17, $0x1;
	[sflag:s7] =	ssyncadd.s32 $0xFFFFB000  }
.Ltmp1:
0xc8: {  	_ =	swait.ge [sflag:s9], $0x5000;
	(pc) =	sbr.rel @!p1 .LBB2_3-.Ltmp1, $4  }
0xc9: {  	[sflag:s9] =	ssyncset.done $0x0  }
0xca: {  	[sflag:s9] =	ssyncadd.s32 $0xFFFFB000  }
0xcb: {  	p0 =	por $0x1, $0x1;
	_ =	swait.ge [sflag:s8], $0x5000  }
0xcc: {  	s1 =	sadd.s32 $0xFFFFFFFF, s17;
	s0 =	rddreg [dreg:$0x3];
	[sflag:s8] =	ssyncset.done $0x0  }
.LBB2_4:
0xcd: {  	[sflag:s8] =	ssyncadd.s32 $0xFFFFB000  }
0xce: {  	[tilespmem:s2], [sflag:$0x9] =	stream.linear.gather [hbm4b:s0+s2], $0x6400, $0x38;
	[tilespmem:$0x1A400] =	vst v63  }
0xcf: {  	_ =	swait.ge [sflag:s31], $0x6400  }
0xd0: {  	[sflag:s31] =	ssyncset.done $0x0  }
0xd1: {  	[sflag:s31] =	ssyncadd.s32 $0xFFFF9C00  }
0xd2: {  	[tilespmem:s12], [sflag:$0x1] =	stream.indirect.gather [hbm4b:s5+s11], $0x10, s2, s11, $0xb8;
	[tilespmem:$0x1A400] =	vst v63  }
0xd3: {  	_ = 	snop  }
0xd4: {  	[tilespmem:s10], [sflag:$0x2] =	stream.indirect.gather [hbm4b:s5+s11], $0x10, s11, s11, $0xb8;
	[tilespmem:$0x1A400] =	vst v63  }
0xd5: {  	s17 =	rddreg [dreg:$0x18]  }
0xd6: {  	[tilespmem:s6], [sflag:$0x3] =	stream.indirect.gather [hbm4b:s5+s11], $0x10, s17, s11, $0xb8;
	[tilespmem:$0x1A400] =	vst v63  }
0xd7: {  	_ =	swait.ge [sflag:s16], $0x5000  }
0xd8: {  	[sflag:s16] =	ssyncset.done $0x0  }
0xd9: {  	s0 =	rddreg [dreg:$0x4];
	[sflag:s16] =	ssyncadd.s32 $0xFFFFB000  }
0xda: {  	[hbm4b:s0+s2] =	stream.linear.scatter [tilespmem:s12], [sflag:$0x5], $0x5000, $0x38;
	[tilespmem:$0x1A400] =	vst v63  }
0xdb: {  	s17 =	rddreg [dreg:$0x19]  }
0xdc: {  	[tilespmem:s4], [sflag:$0x4] =	stream.indirect.gather [hbm4b:s5+s11], $0x10, s17, s11, $0xb8;
	[tilespmem:$0x1A400] =	vst v63  }
0xdd: {  	_ =	swait.ge [sflag:s15], $0x5000  }
0xde: {  	[sflag:s15] =	ssyncset.done $0x0  }
0xdf: {  	s17 =	rddreg [dreg:$0x5];
	[sflag:s15] =	ssyncadd.s32 $0xFFFFB000  }
0xe0: {  	[hbm4b:s17+s2] =	stream.linear.scatter [tilespmem:s10], [sflag:$0x6], $0x5000, $0x38;
	[tilespmem:$0x1A400] =	vst v63  }
0xe1: {  	_ =	swait.ge [sflag:s3], $0x5000  }
0xe2: {  	[sflag:s3] =	ssyncset.done $0x0  }
0xe3: {  	s17 =	rddreg [dreg:$0x1a];
	[sflag:s3] =	ssyncadd.s32 $0xFFFFB000  }
0xe4: {  	[tilespmem:s12], [sflag:$0x1] =	stream.indirect.gather [hbm4b:s5+s11], $0x10, s17, s11, $0xb8;
	[tilespmem:$0x1A400] =	vst v63  }
0xe5: {  	_ =	swait.ge [sflag:s13], $0x5000  }
0xe6: {  	[sflag:s13] =	ssyncset.done $0x0  }
0xe7: {  	s17 =	rddreg [dreg:$0x6];
	[sflag:s13] =	ssyncadd.s32 $0xFFFFB000  }
0xe8: {  	[hbm4b:s17+s2] =	stream.linear.scatter [tilespmem:s6], [sflag:$0x7], $0x5000, $0x38;
	[tilespmem:$0x1A400] =	vst v63  }
0xe9: {  	_ =	swait.ge [sflag:s7], $0x5000  }
0xea: {  	[sflag:s7] =	ssyncset.done $0x0  }
0xeb: {  	s17 =	rddreg [dreg:$0x1b];
	[sflag:s7] =	ssyncadd.s32 $0xFFFFB000  }
0xec: {  	[tilespmem:s10], [sflag:$0x2] =	stream.indirect.gather [hbm4b:s5+s11], $0x10, s17, s11, $0xb8;
	[tilespmem:$0x1A400] =	vst v63  }
0xed: {  	_ =	swait.ge [sflag:s14], $0x5000  }
0xee: {  	[sflag:s14] =	ssyncset.done $0x0  }
0xef: {  	s17 =	rddreg [dreg:$0x7];
	[sflag:s14] =	ssyncadd.s32 $0xFFFFB000  }
0xf0: {  	[hbm4b:s17+s2] =	stream.linear.scatter [tilespmem:s4], [sflag:$0x8], $0x5000, $0x38;
	[tilespmem:$0x1A400] =	vst v63  }
0xf1: {  	_ =	swait.ge [sflag:s9], $0x5000  }
0xf2: {  	[sflag:s9] =	ssyncset.done $0x0  }
0xf3: {  	s17 =	rddreg [dreg:$0x1c];
	[sflag:s9] =	ssyncadd.s32 $0xFFFFB000  }
0xf4: {  	[tilespmem:s6], [sflag:$0x3] =	stream.indirect.gather [hbm4b:s5+s11], $0x10, s17, s11, $0xb8;
	[tilespmem:$0x1A400] =	vst v63  }
0xf5: {  	_ =	swait.ge [sflag:s16], $0x5000  }
0xf6: {  	[sflag:s16] =	ssyncset.done $0x0  }
0xf7: {  	s17 =	rddreg [dreg:$0x8];
	[sflag:s16] =	ssyncadd.s32 $0xFFFFB000  }
0xf8: {  	[hbm4b:s17+s2] =	stream.linear.scatter [tilespmem:s12], [sflag:$0x5], $0x5000, $0x38;
	[tilespmem:$0x1A400] =	vst v63  }
0xf9: {  	_ =	swait.ge [sflag:s8], $0x5000  }
0xfa: {  	[sflag:s8] =	ssyncset.done $0x0  }
0xfb: {  	s17 =	simm.s32 $0x2300;
	[sflag:s8] =	ssyncadd.s32 $0xFFFFB000  }
0xfc: {  	[tilespmem:s4], [sflag:$0x4] =	stream.indirect.gather [hbm4b:s5+s11], $0x10, s17, s11, $0xb8;
	[tilespmem:$0x1A400] =	vst v63  }
0xfd: {  	_ =	swait.ge [sflag:s15], $0x5000  }
0xfe: {  	[sflag:s15] =	ssyncset.done $0x0  }
0xff: {  	s17 =	rddreg [dreg:$0x9];
	[sflag:s15] =	ssyncadd.s32 $0xFFFFB000  }
0x100: {  	[hbm4b:s17+s2] =	stream.linear.scatter [tilespmem:s10], [sflag:$0x6], $0x5000, $0x38;
	[tilespmem:$0x1A400] =	vst v63  }
0x101: {  	_ =	swait.ge [sflag:s3], $0x5000  }
0x102: {  	[sflag:s3] =	ssyncset.done $0x0  }
0x103: {  	[sflag:s3] =	ssyncadd.s32 $0xFFFFB000  }
0x104: {  	[tilespmem:s12], [sflag:$0x1] =	stream.indirect.gather [hbm4b:s5+s11], $0x10, s30, s11, $0xb8;
	[tilespmem:$0x1A400] =	vst v63  }
0x105: {  	_ =	swait.ge [sflag:s13], $0x5000  }
0x106: {  	[sflag:s13] =	ssyncset.done $0x0  }
0x107: {  	s17 =	rddreg [dreg:$0xa];
	[sflag:s13] =	ssyncadd.s32 $0xFFFFB000  }
0x108: {  	[hbm4b:s17+s2] =	stream.linear.scatter [tilespmem:s6], [sflag:$0x7], $0x5000, $0x38;
	[tilespmem:$0x1A400] =	vst v63  }
0x109: {  	_ =	swait.ge [sflag:s7], $0x5000  }
0x10a: {  	[sflag:s7] =	ssyncset.done $0x0  }
0x10b: {  	[sflag:s7] =	ssyncadd.s32 $0xFFFFB000  }
0x10c: {  	[tilespmem:s10], [sflag:$0x2] =	stream.indirect.gather [hbm4b:s5+s11], $0x10, s29, s11, $0xb8;
	[tilespmem:$0x1A400] =	vst v63  }
0x10d: {  	_ =	swait.ge [sflag:s14], $0x5000  }
0x10e: {  	[sflag:s14] =	ssyncset.done $0x0  }
0x10f: {  	s17 =	rddreg [dreg:$0xb];
	[sflag:s14] =	ssyncadd.s32 $0xFFFFB000  }
0x110: {  	[hbm4b:s17+s2] =	stream.linear.scatter [tilespmem:s4], [sflag:$0x8], $0x5000, $0x38;
	[tilespmem:$0x1A400] =	vst v63  }
0x111: {  	_ =	swait.ge [sflag:s9], $0x5000  }
0x112: {  	[sflag:s9] =	ssyncset.done $0x0  }
0x113: {  	[sflag:s9] =	ssyncadd.s32 $0xFFFFB000  }
0x114: {  	[tilespmem:s6], [sflag:$0x3] =	stream.indirect.gather [hbm4b:s5+s11], $0x10, s28, s11, $0xb8;
	[tilespmem:$0x1A400] =	vst v63  }
0x115: {  	_ =	swait.ge [sflag:s16], $0x5000  }
0x116: {  	[sflag:s16] =	ssyncset.done $0x0  }
0x117: {  	s17 =	rddreg [dreg:$0xc];
	[sflag:s16] =	ssyncadd.s32 $0xFFFFB000  }
0x118: {  	[hbm4b:s17+s2] =	stream.linear.scatter [tilespmem:s12], [sflag:$0x5], $0x5000, $0x38;
	[tilespmem:$0x1A400] =	vst v63  }
0x119: {  	_ =	swait.ge [sflag:s8], $0x5000  }
0x11a: {  	[sflag:s8] =	ssyncset.done $0x0  }
0x11b: {  	[sflag:s8] =	ssyncadd.s32 $0xFFFFB000  }
0x11c: {  	[tilespmem:s4], [sflag:$0x4] =	stream.indirect.gather [hbm4b:s5+s11], $0x10, s26, s11, $0xb8;
	[tilespmem:$0x1A400] =	vst v63  }
0x11d: {  	_ =	swait.ge [sflag:s15], $0x5000  }
0x11e: {  	[sflag:s15] =	ssyncset.done $0x0  }
0x11f: {  	s17 =	rddreg [dreg:$0xd];
	[sflag:s15] =	ssyncadd.s32 $0xFFFFB000  }
0x120: {  	[hbm4b:s17+s2] =	stream.linear.scatter [tilespmem:s10], [sflag:$0x6], $0x5000, $0x38;
	[tilespmem:$0x1A400] =	vst v63  }
0x121: {  	_ =	swait.ge [sflag:s3], $0x5000  }
0x122: {  	[sflag:s3] =	ssyncset.done $0x0  }
0x123: {  	[sflag:s3] =	ssyncadd.s32 $0xFFFFB000  }
0x124: {  	[tilespmem:s12], [sflag:$0x1] =	stream.indirect.gather [hbm4b:s5+s11], $0x10, s25, s11, $0xb8;
	[tilespmem:$0x1A400] =	vst v63  }
0x125: {  	_ =	swait.ge [sflag:s13], $0x5000  }
0x126: {  	[sflag:s13] =	ssyncset.done $0x0  }
0x127: {  	s17 =	rddreg [dreg:$0xe];
	[sflag:s13] =	ssyncadd.s32 $0xFFFFB000  }
0x128: {  	[hbm4b:s17+s2] =	stream.linear.scatter [tilespmem:s6], [sflag:$0x7], $0x5000, $0x38;
	[tilespmem:$0x1A400] =	vst v63  }
0x129: {  	_ =	swait.ge [sflag:s7], $0x5000  }
0x12a: {  	[sflag:s7] =	ssyncset.done $0x0  }
0x12b: {  	[sflag:s7] =	ssyncadd.s32 $0xFFFFB000  }
0x12c: {  	[tilespmem:s10], [sflag:$0x2] =	stream.indirect.gather [hbm4b:s5+s11], $0x10, s24, s11, $0xb8;
	[tilespmem:$0x1A400] =	vst v63  }
0x12d: {  	_ =	swait.ge [sflag:s14], $0x5000  }
0x12e: {  	[sflag:s14] =	ssyncset.done $0x0  }
0x12f: {  	s17 =	rddreg [dreg:$0xf];
	[sflag:s14] =	ssyncadd.s32 $0xFFFFB000  }
0x130: {  	[hbm4b:s17+s2] =	stream.linear.scatter [tilespmem:s4], [sflag:$0x8], $0x5000, $0x38;
	[tilespmem:$0x1A400] =	vst v63  }
0x131: {  	_ =	swait.ge [sflag:s9], $0x5000  }
0x132: {  	[sflag:s9] =	ssyncset.done $0x0  }
0x133: {  	[sflag:s9] =	ssyncadd.s32 $0xFFFFB000  }
0x134: {  	[tilespmem:s6], [sflag:$0x3] =	stream.indirect.gather [hbm4b:s5+s11], $0x10, s23, s11, $0xb8;
	[tilespmem:$0x1A400] =	vst v63  }
0x135: {  	_ =	swait.ge [sflag:s16], $0x5000  }
0x136: {  	[sflag:s16] =	ssyncset.done $0x0  }
0x137: {  	s17 =	rddreg [dreg:$0x10];
	[sflag:s16] =	ssyncadd.s32 $0xFFFFB000  }
0x138: {  	[hbm4b:s17+s2] =	stream.linear.scatter [tilespmem:s12], [sflag:$0x5], $0x5000, $0x38;
	[tilespmem:$0x1A400] =	vst v63  }
0x139: {  	_ =	swait.ge [sflag:s8], $0x5000  }
0x13a: {  	[sflag:s8] =	ssyncset.done $0x0  }
0x13b: {  	[sflag:s8] =	ssyncadd.s32 $0xFFFFB000  }
0x13c: {  	[tilespmem:s4], [sflag:$0x4] =	stream.indirect.gather [hbm4b:s5+s11], $0x10, s22, s11, $0xb8;
	[tilespmem:$0x1A400] =	vst v63  }
0x13d: {  	_ =	swait.ge [sflag:s15], $0x5000  }
0x13e: {  	[sflag:s15] =	ssyncset.done $0x0  }
0x13f: {  	s17 =	rddreg [dreg:$0x11];
	[sflag:s15] =	ssyncadd.s32 $0xFFFFB000  }
0x140: {  	[hbm4b:s17+s2] =	stream.linear.scatter [tilespmem:s10], [sflag:$0x6], $0x5000, $0x38;
	[tilespmem:$0x1A400] =	vst v63  }
0x141: {  	_ =	swait.ge [sflag:s3], $0x5000  }
0x142: {  	[sflag:s3] =	ssyncset.done $0x0  }
0x143: {  	[sflag:s3] =	ssyncadd.s32 $0xFFFFB000  }
0x144: {  	[tilespmem:s12], [sflag:$0x1] =	stream.indirect.gather [hbm4b:s5+s11], $0x10, s21, s11, $0xb8;
	[tilespmem:$0x1A400] =	vst v63  }
0x145: {  	_ =	swait.ge [sflag:s13], $0x5000  }
0x146: {  	[sflag:s13] =	ssyncset.done $0x0  }
0x147: {  	s17 =	rddreg [dreg:$0x12];
	[sflag:s13] =	ssyncadd.s32 $0xFFFFB000  }
0x148: {  	[hbm4b:s17+s2] =	stream.linear.scatter [tilespmem:s6], [sflag:$0x7], $0x5000, $0x38;
	[tilespmem:$0x1A400] =	vst v63  }
0x149: {  	_ =	swait.ge [sflag:s7], $0x5000  }
0x14a: {  	[sflag:s7] =	ssyncset.done $0x0  }
0x14b: {  	[sflag:s7] =	ssyncadd.s32 $0xFFFFB000  }
0x14c: {  	[tilespmem:s10], [sflag:$0x2] =	stream.indirect.gather [hbm4b:s5+s11], $0x10, s20, s11, $0xb8;
	[tilespmem:$0x1A400] =	vst v63  }
0x14d: {  	_ =	swait.ge [sflag:s14], $0x5000  }
0x14e: {  	[sflag:s14] =	ssyncset.done $0x0  }
0x14f: {  	s17 =	rddreg [dreg:$0x13];
	[sflag:s14] =	ssyncadd.s32 $0xFFFFB000  }
0x150: {  	[hbm4b:s17+s2] =	stream.linear.scatter [tilespmem:s4], [sflag:$0x8], $0x5000, $0x38;
	[tilespmem:$0x1A400] =	vst v63  }
0x151: {  	_ =	swait.ge [sflag:s9], $0x5000  }
0x152: {  	[sflag:s9] =	ssyncset.done $0x0  }
0x153: {  	[sflag:s9] =	ssyncadd.s32 $0xFFFFB000  }
0x154: {  	[tilespmem:s6], [sflag:$0x3] =	stream.indirect.gather [hbm4b:s5+s11], $0x10, s19, s11, $0xb8;
	[tilespmem:$0x1A400] =	vst v63  }
0x155: {  	_ =	swait.ge [sflag:s16], $0x5000  }
0x156: {  	[sflag:s16] =	ssyncset.done $0x0  }
0x157: {  	s17 =	rddreg [dreg:$0x14];
	[sflag:s16] =	ssyncadd.s32 $0xFFFFB000  }
0x158: {  	[hbm4b:s17+s2] =	stream.linear.scatter [tilespmem:s12], [sflag:$0x5], $0x5000, $0x38;
	[tilespmem:$0x1A400] =	vst v63  }
0x159: {  	_ =	swait.ge [sflag:s8], $0x5000  }
0x15a: {  	[sflag:s8] =	ssyncset.done $0x0  }
0x15b: {  	[sflag:s8] =	ssyncadd.s32 $0xFFFFB000  }
0x15c: {  	[tilespmem:s4], [sflag:$0x4] =	stream.indirect.gather [hbm4b:s5+s11], $0x10, s18, s11, $0xb8;
	[tilespmem:$0x1A400] =	vst v63  }
0x15d: {  	_ =	swait.ge [sflag:s15], $0x5000  }
0x15e: {  	[sflag:s15] =	ssyncset.done $0x0  }
0x15f: {  	s17 =	rddreg [dreg:$0x15];
	[sflag:s15] =	ssyncadd.s32 $0xFFFFB000  }
0x160: {  	[hbm4b:s17+s2] =	stream.linear.scatter [tilespmem:s10], [sflag:$0x6], $0x5000, $0x38;
	[tilespmem:$0x1A400] =	vst v63  }
0x161: {  	_ =	swait.ge [sflag:s13], $0x5000  }
0x162: {  	[sflag:s13] =	ssyncset.done $0x0  }
0x163: {  	s17 =	rddreg [dreg:$0x16];
	[sflag:s13] =	ssyncadd.s32 $0xFFFFB000  }
0x164: {  	[hbm4b:s17+s2] =	stream.linear.scatter [tilespmem:s6], [sflag:$0x7], $0x5000, $0x38;
	[tilespmem:$0x1A400] =	vst v63  }
0x165: {  	_ =	swait.ge [sflag:s14], $0x5000  }
0x166: {  	[sflag:s14] =	ssyncset.done $0x0  }
0x167: {  	s17 =	rddreg [dreg:$0x17];
	[sflag:s14] =	ssyncadd.s32 $0xFFFFB000  }
0x168: {  	[hbm4b:s17+s2] =	stream.linear.scatter [tilespmem:s4], [sflag:$0x8], $0x5000, $0x38;
	[tilespmem:$0x1A400] =	vst v63  }
0x169: {  	_ =	swait.ge [sflag:s3], $0x5000  }
0x16a: {  	[sflag:s3] =	ssyncset.done $0x0  }
0x16b: {  	[sflag:s3] =	ssyncadd.s32 $0xFFFFB000  }
0x16c: {  	_ =	swait.ge [sflag:s7], $0x5000  }
0x16d: {  	[sflag:s7] =	ssyncset.done $0x0  }
0x16e: {  	p1 =	sne.s32 s1, $0x1;
	[sflag:s7] =	ssyncadd.s32 $0xFFFFB000  }
.Ltmp2:
0x16f: {  	_ =	swait.ge [sflag:s9], $0x5000;
	(pc) =	sbr.rel @p1 .LBB2_4-.Ltmp2, $4  }
0x170: {  	[sflag:s9] =	ssyncset.done $0x0  }
0x171: {  	[sflag:s9] =	ssyncadd.s32 $0xFFFFB000  }
0x172: {  	_ =	swait.ge [sflag:s8], $0x5000  }
0x173: {  	s1 =	sadd.s32 $0xFFFFFFFF, s1;
	s0 =	rddreg [dreg:$0x3];
	[sflag:s8] =	ssyncset.done $0x0  }
0x174: {  	s18 =	simm.s32 $0x2300  }
0x175: {  	s30 =	simm.s32 $0x2800;
	s29 =	simm.s32 $0x2D00;
	s28 =	simm.s32 $0x3200  }
0x176: {  	s26 =	simm.s32 $0x3700;
	s25 =	simm.s32 $0x3C00;
	s24 =	simm.s32 $0x4100  }
0x177: {  	s23 =	simm.s32 $0x4600;
	s22 =	simm.s32 $0x4B00;
	s21 =	simm.s32 $0x5000  }
0x178: {  	s20 =	simm.s32 $0x5500;
	s19 =	simm.s32 $0x5A00;
	s17 =	stileid.u32  }
.LBB2_6:
0x179: {  	[sflag:s8] =	ssyncadd.s32 @p0 $0xFFFFB000  }
0x17a: {  	[tilespmem:s2], [sflag:$0x9] =	stream.linear.gather [hbm4b:s0+s2], $0x6400, $0x38;
	[tilespmem:$0x1A400] =	vst v63  }
0x17b: {  	_ =	swait.ge [sflag:s31], $0x6400  }
0x17c: {  	[sflag:s31] =	ssyncset.done $0x0  }
0x17d: {  	[sflag:s31] =	ssyncadd.s32 $0xFFFF9C00  }
0x17e: {  	[tilespmem:s12], [sflag:$0x1] =	stream.indirect.gather [hbm4b:s5+s11], $0x10, s2, s11, $0xb8;
	[tilespmem:$0x1A400] =	vst v63  }
0x17f: {  	_ = 	snop  }
0x180: {  	[tilespmem:s10], [sflag:$0x2] =	stream.indirect.gather [hbm4b:s5+s11], $0x10, s11, s11, $0xb8;
	[tilespmem:$0x1A400] =	vst v63  }
0x181: {  	s1 =	rddreg [dreg:$0x18]  }
0x182: {  	[tilespmem:s6], [sflag:$0x3] =	stream.indirect.gather [hbm4b:s5+s11], $0x10, s1, s11, $0xb8;
	[tilespmem:$0x1A400] =	vst v63  }
0x183: {  	_ =	swait.ge [sflag:s16], $0x5000  }
0x184: {  	[sflag:s16] =	ssyncset.done $0x0  }
0x185: {  	s31 =	rddreg [dreg:$0x4];
	[sflag:s16] =	ssyncadd.s32 $0xFFFFB000  }
0x186: {  	[hbm4b:s31+s2] =	stream.linear.scatter [tilespmem:s12], [sflag:$0x5], $0x5000, $0x38;
	[tilespmem:$0x1A400] =	vst v63  }
0x187: {  	s1 =	rddreg [dreg:$0x19]  }
0x188: {  	[tilespmem:s4], [sflag:$0x4] =	stream.indirect.gather [hbm4b:s5+s11], $0x10, s1, s11, $0xb8;
	[tilespmem:$0x1A400] =	vst v63  }
0x189: {  	_ =	swait.ge [sflag:s15], $0x5000  }
0x18a: {  	[sflag:s15] =	ssyncset.done $0x0  }
0x18b: {  	s1 =	rddreg [dreg:$0x5];
	[sflag:s15] =	ssyncadd.s32 $0xFFFFB000  }
0x18c: {  	[hbm4b:s1+s2] =	stream.linear.scatter [tilespmem:s10], [sflag:$0x6], $0x5000, $0x38;
	[tilespmem:$0x1A400] =	vst v63  }
0x18d: {  	_ =	swait.ge [sflag:s3], $0x5000  }
0x18e: {  	[sflag:s3] =	ssyncset.done $0x0  }
0x18f: {  	s31 =	rddreg [dreg:$0x1a];
	[sflag:s3] =	ssyncadd.s32 $0xFFFFB000  }
0x190: {  	[tilespmem:s12], [sflag:$0x1] =	stream.indirect.gather [hbm4b:s5+s11], $0x10, s31, s11, $0xb8;
	[tilespmem:$0x1A400] =	vst v63  }
0x191: {  	_ =	swait.ge [sflag:s13], $0x5000  }
0x192: {  	[sflag:s13] =	ssyncset.done $0x0  }
0x193: {  	s1 =	rddreg [dreg:$0x6];
	[sflag:s13] =	ssyncadd.s32 $0xFFFFB000  }
0x194: {  	[hbm4b:s1+s2] =	stream.linear.scatter [tilespmem:s6], [sflag:$0x7], $0x5000, $0x38;
	[tilespmem:$0x1A400] =	vst v63  }
0x195: {  	_ =	swait.ge [sflag:s7], $0x5000  }
0x196: {  	[sflag:s7] =	ssyncset.done $0x0  }
0x197: {  	s31 =	rddreg [dreg:$0x1b];
	[sflag:s7] =	ssyncadd.s32 $0xFFFFB000  }
0x198: {  	[tilespmem:s10], [sflag:$0x2] =	stream.indirect.gather [hbm4b:s5+s11], $0x10, s31, s11, $0xb8;
	[tilespmem:$0x1A400] =	vst v63  }
0x199: {  	_ =	swait.ge [sflag:s14], $0x5000  }
0x19a: {  	[sflag:s14] =	ssyncset.done $0x0  }
0x19b: {  	s1 =	rddreg [dreg:$0x7];
	[sflag:s14] =	ssyncadd.s32 $0xFFFFB000  }
0x19c: {  	[hbm4b:s1+s2] =	stream.linear.scatter [tilespmem:s4], [sflag:$0x8], $0x5000, $0x38;
	[tilespmem:$0x1A400] =	vst v63  }
0x19d: {  	_ =	swait.ge [sflag:s9], $0x5000  }
0x19e: {  	[sflag:s9] =	ssyncset.done $0x0  }
0x19f: {  	s31 =	rddreg [dreg:$0x1c];
	[sflag:s9] =	ssyncadd.s32 $0xFFFFB000  }
0x1a0: {  	[tilespmem:s6], [sflag:$0x3] =	stream.indirect.gather [hbm4b:s5+s11], $0x10, s31, s11, $0xb8;
	[tilespmem:$0x1A400] =	vst v63  }
0x1a1: {  	_ =	swait.ge [sflag:s16], $0x5000  }
0x1a2: {  	[sflag:s16] =	ssyncset.done $0x0  }
0x1a3: {  	s1 =	rddreg [dreg:$0x8];
	[sflag:s16] =	ssyncadd.s32 $0xFFFFB000  }
0x1a4: {  	[hbm4b:s1+s2] =	stream.linear.scatter [tilespmem:s12], [sflag:$0x5], $0x5000, $0x38;
	[tilespmem:$0x1A400] =	vst v63  }
0x1a5: {  	_ =	swait.ge [sflag:s8], $0x5000  }
0x1a6: {  	[sflag:s8] =	ssyncset.done $0x0  }
0x1a7: {  	[sflag:s8] =	ssyncadd.s32 $0xFFFFB000  }
0x1a8: {  	[tilespmem:s4], [sflag:$0x4] =	stream.indirect.gather [hbm4b:s5+s11], $0x10, s18, s11, $0xb8;
	[tilespmem:$0x1A400] =	vst v63  }
0x1a9: {  	_ =	swait.ge [sflag:s15], $0x5000  }
0x1aa: {  	[sflag:s15] =	ssyncset.done $0x0  }
0x1ab: {  	s31 =	rddreg [dreg:$0x9];
	[sflag:s15] =	ssyncadd.s32 $0xFFFFB000  }
0x1ac: {  	[hbm4b:s31+s2] =	stream.linear.scatter [tilespmem:s10], [sflag:$0x6], $0x5000, $0x38;
	[tilespmem:$0x1A400] =	vst v63  }
0x1ad: {  	_ =	swait.ge [sflag:s3], $0x5000  }
0x1ae: {  	[sflag:s3] =	ssyncset.done $0x0  }
0x1af: {  	[sflag:s3] =	ssyncadd.s32 $0xFFFFB000  }
0x1b0: {  	[tilespmem:s12], [sflag:$0x1] =	stream.indirect.gather [hbm4b:s5+s11], $0x10, s30, s11, $0xb8;
	[tilespmem:$0x1A400] =	vst v63  }
0x1b1: {  	_ =	swait.ge [sflag:s13], $0x5000  }
0x1b2: {  	[sflag:s13] =	ssyncset.done $0x0  }
0x1b3: {  	s1 =	rddreg [dreg:$0xa];
	[sflag:s13] =	ssyncadd.s32 $0xFFFFB000  }
0x1b4: {  	[hbm4b:s1+s2] =	stream.linear.scatter [tilespmem:s6], [sflag:$0x7], $0x5000, $0x38;
	[tilespmem:$0x1A400] =	vst v63  }
0x1b5: {  	_ =	swait.ge [sflag:s7], $0x5000  }
0x1b6: {  	[sflag:s7] =	ssyncset.done $0x0  }
0x1b7: {  	[sflag:s7] =	ssyncadd.s32 $0xFFFFB000  }
0x1b8: {  	[tilespmem:s10], [sflag:$0x2] =	stream.indirect.gather [hbm4b:s5+s11], $0x10, s29, s11, $0xb8;
	[tilespmem:$0x1A400] =	vst v63  }
0x1b9: {  	_ =	swait.ge [sflag:s14], $0x5000  }
0x1ba: {  	[sflag:s14] =	ssyncset.done $0x0  }
0x1bb: {  	s18 =	rddreg [dreg:$0xb];
	[sflag:s14] =	ssyncadd.s32 $0xFFFFB000  }
0x1bc: {  	[hbm4b:s18+s2] =	stream.linear.scatter [tilespmem:s4], [sflag:$0x8], $0x5000, $0x38;
	[tilespmem:$0x1A400] =	vst v63  }
0x1bd: {  	_ =	swait.ge [sflag:s9], $0x5000  }
0x1be: {  	[sflag:s9] =	ssyncset.done $0x0  }
0x1bf: {  	[sflag:s9] =	ssyncadd.s32 $0xFFFFB000  }
0x1c0: {  	[tilespmem:s6], [sflag:$0x3] =	stream.indirect.gather [hbm4b:s5+s11], $0x10, s28, s11, $0xb8;
	[tilespmem:$0x1A400] =	vst v63  }
0x1c1: {  	_ =	swait.ge [sflag:s16], $0x5000  }
0x1c2: {  	[sflag:s16] =	ssyncset.done $0x0  }
0x1c3: {  	s29 =	rddreg [dreg:$0xc];
	[sflag:s16] =	ssyncadd.s32 $0xFFFFB000  }
0x1c4: {  	[hbm4b:s29+s2] =	stream.linear.scatter [tilespmem:s12], [sflag:$0x5], $0x5000, $0x38;
	[tilespmem:$0x1A400] =	vst v63  }
0x1c5: {  	_ =	swait.ge [sflag:s8], $0x5000  }
0x1c6: {  	[sflag:s8] =	ssyncset.done $0x0  }
0x1c7: {  	[sflag:s8] =	ssyncadd.s32 $0xFFFFB000  }
0x1c8: {  	[tilespmem:s4], [sflag:$0x4] =	stream.indirect.gather [hbm4b:s5+s11], $0x10, s26, s11, $0xb8;
	[tilespmem:$0x1A400] =	vst v63  }
0x1c9: {  	_ =	swait.ge [sflag:s15], $0x5000  }
0x1ca: {  	[sflag:s15] =	ssyncset.done $0x0  }
0x1cb: {  	s30 =	rddreg [dreg:$0xd];
	[sflag:s15] =	ssyncadd.s32 $0xFFFFB000  }
0x1cc: {  	[hbm4b:s30+s2] =	stream.linear.scatter [tilespmem:s10], [sflag:$0x6], $0x5000, $0x38;
	[tilespmem:$0x1A400] =	vst v63  }
0x1cd: {  	_ =	swait.ge [sflag:s3], $0x5000  }
0x1ce: {  	[sflag:s3] =	ssyncset.done $0x0  }
0x1cf: {  	[sflag:s3] =	ssyncadd.s32 $0xFFFFB000  }
0x1d0: {  	[tilespmem:s12], [sflag:$0x1] =	stream.indirect.gather [hbm4b:s5+s11], $0x10, s25, s11, $0xb8;
	[tilespmem:$0x1A400] =	vst v63  }
0x1d1: {  	_ =	swait.ge [sflag:s13], $0x5000  }
0x1d2: {  	[sflag:s13] =	ssyncset.done $0x0  }
0x1d3: {  	s31 =	rddreg [dreg:$0xe];
	[sflag:s13] =	ssyncadd.s32 $0xFFFFB000  }
0x1d4: {  	[hbm4b:s31+s2] =	stream.linear.scatter [tilespmem:s6], [sflag:$0x7], $0x5000, $0x38;
	[tilespmem:$0x1A400] =	vst v63  }
0x1d5: {  	_ =	swait.ge [sflag:s7], $0x5000  }
0x1d6: {  	[sflag:s7] =	ssyncset.done $0x0  }
0x1d7: {  	[sflag:s7] =	ssyncadd.s32 $0xFFFFB000  }
0x1d8: {  	[tilespmem:s10], [sflag:$0x2] =	stream.indirect.gather [hbm4b:s5+s11], $0x10, s24, s11, $0xb8;
	[tilespmem:$0x1A400] =	vst v63  }
0x1d9: {  	_ =	swait.ge [sflag:s14], $0x5000  }
0x1da: {  	[sflag:s14] =	ssyncset.done $0x0  }
0x1db: {  	s1 =	rddreg [dreg:$0xf];
	[sflag:s14] =	ssyncadd.s32 $0xFFFFB000  }
0x1dc: {  	[hbm4b:s1+s2] =	stream.linear.scatter [tilespmem:s4], [sflag:$0x8], $0x5000, $0x38;
	[tilespmem:$0x1A400] =	vst v63  }
0x1dd: {  	_ =	swait.ge [sflag:s9], $0x5000  }
0x1de: {  	[sflag:s9] =	ssyncset.done $0x0  }
0x1df: {  	[sflag:s9] =	ssyncadd.s32 $0xFFFFB000  }
0x1e0: {  	[tilespmem:s6], [sflag:$0x3] =	stream.indirect.gather [hbm4b:s5+s11], $0x10, s23, s11, $0xb8;
	[tilespmem:$0x1A400] =	vst v63  }
0x1e1: {  	_ =	swait.ge [sflag:s16], $0x5000  }
0x1e2: {  	[sflag:s16] =	ssyncset.done $0x0  }
0x1e3: {  	s18 =	rddreg [dreg:$0x10];
	[sflag:s16] =	ssyncadd.s32 $0xFFFFB000  }
0x1e4: {  	[hbm4b:s18+s2] =	stream.linear.scatter [tilespmem:s12], [sflag:$0x5], $0x5000, $0x38;
	[tilespmem:$0x1A400] =	vst v63  }
0x1e5: {  	_ =	swait.ge [sflag:s8], $0x5000  }
0x1e6: {  	[sflag:s8] =	ssyncset.done $0x0  }
0x1e7: {  	[sflag:s8] =	ssyncadd.s32 $0xFFFFB000  }
0x1e8: {  	[tilespmem:s4], [sflag:$0x4] =	stream.indirect.gather [hbm4b:s5+s11], $0x10, s22, s11, $0xb8;
	[tilespmem:$0x1A400] =	vst v63  }
0x1e9: {  	_ =	swait.ge [sflag:s15], $0x5000  }
0x1ea: {  	[sflag:s15] =	ssyncset.done $0x0  }
0x1eb: {  	s23 =	rddreg [dreg:$0x11];
	[sflag:s15] =	ssyncadd.s32 $0xFFFFB000  }
0x1ec: {  	[hbm4b:s23+s2] =	stream.linear.scatter [tilespmem:s10], [sflag:$0x6], $0x5000, $0x38;
	[tilespmem:$0x1A400] =	vst v63  }
0x1ed: {  	_ =	swait.ge [sflag:s3], $0x5000  }
0x1ee: {  	[sflag:s3] =	ssyncset.done $0x0  }
0x1ef: {  	[sflag:s3] =	ssyncadd.s32 $0xFFFFB000  }
0x1f0: {  	[tilespmem:s12], [sflag:$0x1] =	stream.indirect.gather [hbm4b:s5+s11], $0x10, s21, s11, $0xb8;
	[tilespmem:$0x1A400] =	vst v63  }
0x1f1: {  	_ =	swait.ge [sflag:s13], $0x5000  }
0x1f2: {  	[sflag:s13] =	ssyncset.done $0x0  }
0x1f3: {  	s24 =	rddreg [dreg:$0x12];
	[sflag:s13] =	ssyncadd.s32 $0xFFFFB000  }
0x1f4: {  	[hbm4b:s24+s2] =	stream.linear.scatter [tilespmem:s6], [sflag:$0x7], $0x5000, $0x38;
	[tilespmem:$0x1A400] =	vst v63  }
0x1f5: {  	_ =	swait.ge [sflag:s7], $0x5000  }
0x1f6: {  	[sflag:s7] =	ssyncset.done $0x0  }
0x1f7: {  	[sflag:s7] =	ssyncadd.s32 $0xFFFFB000  }
0x1f8: {  	[tilespmem:s10], [sflag:$0x2] =	stream.indirect.gather [hbm4b:s5+s11], $0x10, s20, s11, $0xb8;
	[tilespmem:$0x1A400] =	vst v63  }
0x1f9: {  	_ =	swait.ge [sflag:s14], $0x5000  }
0x1fa: {  	[sflag:s14] =	ssyncset.done $0x0  }
0x1fb: {  	s25 =	rddreg [dreg:$0x13];
	[sflag:s14] =	ssyncadd.s32 $0xFFFFB000  }
0x1fc: {  	[hbm4b:s25+s2] =	stream.linear.scatter [tilespmem:s4], [sflag:$0x8], $0x5000, $0x38;
	[tilespmem:$0x1A400] =	vst v63  }
0x1fd: {  	_ =	swait.ge [sflag:s9], $0x5000  }
0x1fe: {  	[sflag:s9] =	ssyncset.done $0x0  }
0x1ff: {  	[sflag:s9] =	ssyncadd.s32 $0xFFFFB000  }
0x200: {  	[tilespmem:s6], [sflag:$0x3] =	stream.indirect.gather [hbm4b:s5+s11], $0x10, s19, s11, $0xb8;
	[tilespmem:$0x1A400] =	vst v63  }
0x201: {  	_ =	swait.ge [sflag:s16], $0x5000  }
0x202: {  	[sflag:s16] =	ssyncset.done $0x0  }
0x203: {  	s26 =	rddreg [dreg:$0x14];
	[sflag:s16] =	ssyncadd.s32 $0xFFFFB000  }
0x204: {  	[hbm4b:s26+s2] =	stream.linear.scatter [tilespmem:s12], [sflag:$0x5], $0x5000, $0x38;
	[tilespmem:$0x1A400] =	vst v63  }
0x205: {  	_ =	swait.ge [sflag:s8], $0x5000  }
0x206: {  	[sflag:s8] =	ssyncset.done $0x0  }
0x207: {  	s28 =	simm.s32 $0x5F00;
	[sflag:s8] =	ssyncadd.s32 $0xFFFFB000  }
0x208: {  	[tilespmem:s4], [sflag:$0x4] =	stream.indirect.gather [hbm4b:s5+s11], $0x10, s28, s11, $0xb8;
	[tilespmem:$0x1A400] =	vst v63  }
0x209: {  	_ =	swait.ge [sflag:s15], $0x5000  }
0x20a: {  	[sflag:s15] =	ssyncset.done $0x0  }
0x20b: {  	s29 =	rddreg [dreg:$0x15];
	[sflag:s15] =	ssyncadd.s32 $0xFFFFB000  }
0x20c: {  	[hbm4b:s29+s2] =	stream.linear.scatter [tilespmem:s10], [sflag:$0x6], $0x5000, $0x38;
	[tilespmem:$0x1A400] =	vst v63  }
0x20d: {  	_ =	swait.ge [sflag:s13], $0x5000  }
0x20e: {  	[sflag:s13] =	ssyncset.done $0x0  }
0x20f: {  	s30 =	rddreg [dreg:$0x16];
	[sflag:s13] =	ssyncadd.s32 $0xFFFFB000  }
0x210: {  	[hbm4b:s30+s2] =	stream.linear.scatter [tilespmem:s6], [sflag:$0x7], $0x5000, $0x38;
	[tilespmem:$0x1A400] =	vst v63  }
0x211: {  	_ =	swait.ge [sflag:s14], $0x5000  }
0x212: {  	[sflag:s14] =	ssyncset.done $0x0  }
0x213: {  	s31 =	rddreg [dreg:$0x17];
	[sflag:s14] =	ssyncadd.s32 $0xFFFFB000  }
0x214: {  	[hbm4b:s31+s2] =	stream.linear.scatter [tilespmem:s4], [sflag:$0x8], $0x5000, $0x38;
	[tilespmem:$0x1A400] =	vst v63  }
0x215: {  	_ =	swait.ge [sflag:s3], $0x5000  }
0x216: {  	[sflag:s3] =	ssyncset.done $0x0  }
0x217: {  	[sflag:s3] =	ssyncadd.s32 $0xFFFFB000  }
0x218: {  	_ =	swait.ge [sflag:s7], $0x5000  }
0x219: {  	[sflag:s7] =	ssyncset.done $0x0  }
0x21a: {  	[sflag:s7] =	ssyncadd.s32 $0xFFFFB000  }
0x21b: {  	_ =	swait.ge [sflag:s9], $0x5000  }
0x21c: {  	[sflag:s9] =	ssyncset.done $0x0  }
0x21d: {  	[sflag:s9] =	ssyncadd.s32 $0xFFFFB000  }
0x21e: {  	_ =	swait.ge [sflag:s8], $0x5000  }
0x21f: {  	[sflag:s8] =	ssyncset.done $0x0  }
0x220: {  	[sflag:s8] =	ssyncadd.s32 $0xFFFFB000  }
0x221: {  	_ =	sfence.sel $0x180000  }
0x222: {  	[bflag:$0x0] =	sbarrier.arrive $0xFFFF  }
0x223: {  	_ =	strace $0x90000047  }
0x224: {  	[bflag:$0x2] =	sbarrier.arrive $0xFFFF  }
0x225: {  	p0 =	sne.s32 s17, $0x0;
	s0 =	rddreg [dreg:$0x2]  }
0x226: {  	s0 =	sadd.s32 @!p0 $0x100000, s0  }
0x227: {  	[sflag:s0] =	ssyncadd.tile.s32 @!p0 $0x1;
	_ =	shalt  }
.LBB2_1:
.Ltmp3:
0x228: {  	(pc) =	sbr.rel .LBB2_6-.Ltmp3, $4  }
0x229: {  	s18 =	simm.s32 $0x2300;
	s30 =	simm.s32 $0x2800;
	s29 =	simm.s32 $0x2D00  }
0x22a: {  	s28 =	simm.s32 $0x3200;
	s26 =	simm.s32 $0x3700;
	s25 =	simm.s32 $0x3C00  }
0x22b: {  	s24 =	simm.s32 $0x4100;
	s23 =	simm.s32 $0x4600;
	s22 =	simm.s32 $0x4B00  }
0x22c: {  	s21 =	simm.s32 $0x5000;
	s20 =	simm.s32 $0x5500;
	s19 =	simm.s32 $0x5A00  }
.LBB2_3:
.Ltmp4:
0x22d: {  	s18 =	simm.s32 $0x2300;
	(pc) =	sbr.rel .LBB2_6-.Ltmp4, $4  }
0x22e: {  	s30 =	simm.s32 $0x2800;
	s29 =	simm.s32 $0x2D00;
	s28 =	simm.s32 $0x3200  }
0x22f: {  	s26 =	simm.s32 $0x3700;
	s25 =	simm.s32 $0x3C00;
	s24 =	simm.s32 $0x4100  }
0x230: {  	s23 =	simm.s32 $0x4600;
	s22 =	simm.s32 $0x4B00;
	s21 =	simm.s32 $0x5000  }
0x231: {  	s20 =	simm.s32 $0x5500;
	s19 =	simm.s32 $0x5A00;
	s17 =	stileid.u32  }
.Lfunc_end2:
_tile_overlayer_lowered:
.L_overlay_start_2:
0x232: {  	(tag) =	ssettag $0x2  }
0x233: {  	s0 =	rddreg [dreg:$0x0];
	s2 =	stileid.u32  }
0x234: {  	s1 =	rddreg [dreg:$0x1];
	p0 =	sne.s32 s2, $0x0  }
0x235: {  	s3 =	rddreg [dreg:$0x2];
	[bflag:$0x3] =	sbarrier.arrive $0xFFFF;
	s2 =	simm.s32 @!p0 $0x1C09  }
0x236: {  	[timem:s3], [sflag:s2] =	dma.local @!p0 [hbm:s0], s1  }
0x237: {  	s0 =	simm.s32 @!p0 $0x9  }
0x238: {  	_ =	swait.ge @!p0 [sflag:s0], s1  }
0x239: {  	s1 =	ssub.s32 @!p0 $0x0, s1;
	[sflag:s0] =	ssyncset.done @!p0 $0x0  }
0x23a: {  	[sflag:s0] =	ssyncadd.s32 @!p0 s1  }
0x23b: {  	[bflag:$0x3] =	sbarrier.arrive $0xFFFF  }
0x23c: {  	_ =	shalt  }

// kernel: sparse-core-data-format-call.1.cloned.1.call-start
scs
called_computation.1_lowered:
.L_overlay_start_0:
0x0: {  	s2 =	sld [smem:$0x3FD9]  }
0x1: {  	s3 =	sld [smem:$0x3FFE];
	_ =	sdelay $0x1  }
0x2: {  	s1 =	srdreg.scid  }
0x3: {  	s0 =	sand.u32 $0x1, s1  }
0x4: {  	s18 =	sshll.u32 s0, $0xA;
	s2 =	sadd.s32 s3, s2  }
0x5: {  	s2 =	sadd.s32 s2, s18  }
0x6: {  	[smem:$0x3FC6] =	sst s2  }
0x7: {  	_ = 	snop  }
0x8: {  	s2 =	sld [smem:$0x3FD0];
	(tm) =	ssettm $0x1  }
0x9: {  	s19 =	sld [smem:$0x3FFB];
	_ =	sdelay $0x3  }
0xa: {  	_ =	strace s19  }
0xb: {  	s3 =	sld [smem:$0x3FFC];
	_ =	sdelay $0x3  }
0xc: {  	_ =	strace s3  }
0xd: {  	s3 =	sld [smem:$0x3FFD];
	_ =	sdelay $0x3  }
0xe: {  	_ =	strace s3  }
0xf: {  	_ =	strace $0x8FFFFFFF  }
0x10: {  	s20 =	sld [smem:$0x3FDB];
	_ =	sdelay $0x1  }
0x11: {  	s4 =	simm.s32 $_scs_section_size  }
0x12: {  	s5 =	simm.s32 $_size__tile_overlayer_lowered;
	s6 =	simm.s32 $_tile_overlayer_lowered  }
0x13: {  	s23 =	simm.s32 $0x1BFF;
	s22 =	sshll.u32 s6, $0x1;
	s3 =	sadd.s32 s4, s20  }
0x14: {  	s7 =	simm.s32 $0x0;
	s21 =	sshll.u32 s5, $0x1;
	s5 =	sadd.s32 s22, s3  }
0x15: {  	[timem:s7], [sflag:s23] =	dma.local [hbm:s5], s21  }
0x16: {  	_ =	swait.ge [sflag:s23], s21  }
0x17: {  	s4 =	ssub.s32 $0x0, s21;
	[sflag:s23] =	ssyncset.done $0x0  }
0x18: {  	[sflag:s23] =	ssyncadd.s32 s4;
	_ =	sdelay $0x1  }
0x19: {  	s24 =	simm.s32 $0x1B8B  }
0x1a: {  	_ =	swait.ge [sflag:s24], $0x1  }
0x1b: {  	[sflag:s24] =	ssyncset.done $0x0  }
0x1c: {  	s26 =	simm.s32 $0x1B8E;
	s25 =	sld [smem:$0x3FFE];
	[sflag:s24] =	ssyncadd.s32 $0xFFFFFFFF  }
0x1d: {  	s27 =	simm.s32 $execute0_lowered;
	[smem:$0x3FD2] =	sst s26  }
0x1e: {  	s5 =	sshll.u32 s27, $0x1;
	_ =	strace $0x80000049;
	[dreg:$0x1] =	wrdreg $0xFFFFFFFF  }
0x1f: {  	s28 =	simm.s32 $_size_execute0_lowered;
	s3 =	sadd.s32 s3, s5;
	[dreg:$0x0] =	wrdreg $0x0  }
0x20: {  	s5 =	sshll.u32 s28, $0x1;
	[dreg:$0x2] =	wrdreg s3  }
0x21: {  	[dreg:$0x3] =	wrdreg s5  }
0x22: {  	[dreg:$0x4] =	wrdreg $0xC0  }
0x23: {  	_ =	task [dreg:s7], $0x5FFFF  }
0x24: {  	[dreg:$0x1] =	wrdreg $0xFFFFFFFF  }
0x25: {  	[dreg:$0x0] =	wrdreg $0x60  }
0x26: {  	[dreg:$0x2] =	wrdreg s25  }
0x27: {  	[dreg:$0x3] =	wrdreg s2  }
0x28: {  	[dreg:$0x4] =	wrdreg $0x9  }
0x29: {  	_ =	task.clear_ibuf [dreg:s7], $0x5FFFF;
	_ =	strace $0x90000049  }
0x2a: {  	s29 =	simm.s32 $0x9;
	_ =	strace $0x8000004B  }
0x2b: {  	_ =	swait.ge [sflag:s29], $0x1  }
0x2c: {  	[sflag:s29] =	ssyncadd.s32 $0xFFFFFFFF  }
0x2d: {  	_ =	strace $0x9000004B  }
0x2e: {  	_ =	sfence  }
0x2f: {  	s30 =	sld [smem:$0x0];
	_ =	sdelay $0x2  }
0x30: {  	s31 =	sshll.u32 s1, $0xD;
	s1 =	sshrl.u32 s1, $0x2  }
0x31: {  	s3 =	sand.u32 $0x4000, s31;
	s1 =	sadd.s32 s1, s30  }
0x32: {  	s0 =	sor.u32 s3, s0;
	s1 =	sshll.u32 s1, $0x11  }
0x33: {  	s0 =	sor.u32 s1, s0  }
0x34: {  	s0 =	sadd.s32 $0x8F2B, s0  }
0x35: {  	[sflag:s0] =	ssyncadd.remote.s32 $0x1  }
0x36: {  	_ =	sfence.sel $0xFFFF  }
0x37: {  	[dreg:$0x0] =	wrdreg $0xFFFFFFFF;
	(pc) =	sbr.abs _section_cstart, $3  }
0x38: {  	[dreg:$0x1] =	wrdreg $0xFFFFFFFF  }
0x39: {  	_ =	task.clear_ibuf [dreg:s7], $0x2FFFF;
	_ =	strace $0x9FFFFFFF  }
0x3a: {  	(tm) =	ssettm $0x7FFFFFFF  }
0x3b: {  	_ =	shalt  }
tec
execute0_lowered:
.L_overlay_start_1:
0x0: {  	(tag) =	ssettag $0x1  }
0x1: {  	s0 =	srdreg.scid  }
0x2: {  	s1 =	sshll.u32 s0, $0x4  }
0x3: {  	s4 =	rddreg [dreg:$0x0];
	s0 =	stileid.u32;
	s1 =	sand.u32 $0x10, s1  }
0x4: {  	s2 =	rddreg [dreg:$0x1];
	s7 =	simm.s32 $0x1;
	s1 =	sor.u32 s0, s1  }
0x5: {  	s8 =	simm.s32 $0x2;
	s11 =	simm.s32 $0x0;
	s3 =	sshll.u32 s1, $0x7  }
0x6: {  	s10 =	simm.s32 $0x0;
	s4 =	sadd.s32 $0xE00, s4;
	s6 =	ssub.s32 $0xC8000, s3  }
.Ltmp0:
0x7: {  	s1 =	rddreg [dreg:$0x2];
	s5 =	sand.u32 $0xF80, s6;
	(pc) =	sbr.rel .LBB1_1-.Ltmp0, $4  }
0x8: {  	_ =	strace $0x8000004A;
	s9 =	smov.u32 s3;
	p0 =	sne.s32 s5, $0x0  }
0x9: {  	s6 =	sshrl.u32 s6, $0xC;
	s5 =	simm.s32 $0x1;
	s7 =	simm.s32 @!p0 $0x0  }
0xa: {  	[sflag:s5] =	ssyncpa.u1 $0x0;
	p0 =	por $0x0, $0x0;
	s6 =	sadd.s32 s7, s6  }
0xb: {  	[sflag:s8] =	ssyncpa.u1 $0x0;
	s8 =	simm.s32 $0x640000;
	s7 =	sadd.s32 $0x1, s6  }
.LBB1_4:
0xc: {  	s14 =	sshll.u32 s11, $0x3  }
0xd: {  	s30 =	sand.u32 $0x7F, s11;
	s15 =	sand.u32 $0xFFFFFC00, s14  }
0xe: {  	s11 =	sor.u32 s30, s15  }
0xf: {  	s15 =	smulhi.u32 $0x51EB851F, s11  }
0x10: {  	s14 =	smulhi.u32 $0x51EB851F, s14  }
0x11: {  	s15 =	sshrl.u32 s15, $0x12  }
0x12: {  	s14 =	sshrl.u32 s14, $0x12;
	s15 =	smul.u32 $0xC8000, s15  }
0x13: {  	[tilespmem:s12+$0xFFFFFFFC ss:$0x81] =	vst.msk $0xffff, v1;
	s14 =	sand.u32 $0xF, s14  }
0x14: {  	[tilespmem:s12+$0xFFFFFFFD ss:$0x81] =	vst.msk $0xffff, v2;
	s14 =	smul.u32 $0x19000, s14;
	s11 =	ssub.s32 s11, s15  }
0x15: {  	[tilespmem:s12+$0xFFFFFFFE ss:$0x81] =	vst.msk $0xffff, v0;
	s15 =	sand.u32 $0x7, s11  }
0x16: {  	[tilespmem:s12+$0xFFFFFFFF ss:$0x81] =	vst.msk $0xffff, v4;
	s14 =	sadd.s32 s2, s14;
	s11 =	sshrl.u32 s11, $0x3;
	s15 =	sshll.u32 s15, $0x12  }
0x17: {  	[tilespmem:s12+$0xFFFFFFF9 ss:$0x81] =	vst.msk $0xffff, v3;
	s11 =	sadd.s32 s11, s14;
	s31 =	sor.u32 $0x400, s15  }
0x18: {  	[hbm4b:s11+s31] =	stream.strided.scatter [tilespmem:s13], [sflag:$0x2], $0x800, s8, s31, $0x20;
	[tilespmem:$0x2020] =	vst v63  }
.LBB1_5:
0x19: {  	s13 =	sadd.s32 $0x1000, s9  }
0x1a: {  	p2 =	sgt.s32 s13, $0xC7FFF  }
0x1b: {  	s13 =	smov.u32 @p2 s3;
	p2 =	sne.s32 s10, s7  }
.Ltmp1:
0x1c: {  	p1 =	slt.u32 s10, $0x2;
	(pc) =	sbr.rel @!p2 .LBB1_6-.Ltmp1, $4  }
0x1d: {  	s12 =	simm.s32 @!p1 $0x2  }
0x1e: {  	s14 =	sadd.s32 $0x1, s10;
	_ =	swait.ge @!p1 [sflag:s12], $0x800  }
0x1f: {  	s11 =	smov.u32 s9;
	p0 =	por !p0, !p0;
	[sflag:s12] =	ssyncset.done @!p1 $0x0  }
0x20: {  	s10 =	smov.u32 s14;
	s9 =	smov.u32 s13;
	[sflag:s12] =	ssyncadd.s32 @!p1 $0xFFFFF800  }
.LBB1_1:
0x21: {  	p1 =	sge.u32 s10, s6  }
0x22: {  	s12 =	sand.u32 @!p1 $0x1FFFFFF, s9  }
0x23: {  	s13 =	smulhi.u32 @!p1 $0x147AE15, s12;
	_ =	sdelay $0x1  }
0x24: {  	s13 =	sshrl.u32 @!p1 s13, $0xC  }
0x25: {  	s13 =	smul.u32 @!p1 $0xC8000, s13;
	_ =	sdelay $0x1  }
0x26: {  	s31 =	sadd.s32 $0xFFFFFFFF, s10;
	s14 =	sxor.u32 @!p1 $0xFFFFFFFF, s10;
	s12 =	ssub.s32 @!p1 s12, s13  }
0x27: {  	s15 =	simm.s32 @!p1 $0x80;
	s14 =	sshll.u32 @!p1 s14, $0xB;
	s12 =	sshll.u32 @!p1 s12, $0x4  }
0x28: {  	s13 =	sand.u32 @!p1 $0x800, s14;
	s14 =	simm.s32 @!p1 $0x10;
	s12 =	sadd.s32 @!p1 s4, s12  }
0x29: {  	[tilespmem:s13], [sflag:$0x1] =	stream.strided.gather @!p1 [hbm4b:s12+s14], $0x800, s15, s14, $0x38;
	[tilespmem:$0x2020] =	vst v63  }
0x2a: {  	p1 =	sge.u32 s31, s6  }
.Ltmp2:
0x2b: {  	_ = 	snop;
	(pc) =	sbr.rel @p1 .LBB1_5-.Ltmp2, $1  }
0x2c: {  	_ =	sdelay $0x3  }
0x2d: {  	s12 =	simm.s32 $0x1  }
0x2e: {  	_ =	swait.ge [sflag:s5], $0x800;
	s12 =	simm.s32 @!p0 $0x0  }
0x2f: {  	[sflag:s5] =	ssyncset.done $0x0;
	s13 =	sshll.u32 s12, $0xB  }
0x30: {  	[sflag:s5] =	ssyncadd.s32 $0xFFFFF800;
	s15 =	sor.u32 $0x40, s13  }
0x31: {  	v3 =	vld [tilespmem:s15+$0x30]  }
0x32: {  	s12 =	smul.u32 $0x2040, s12;
	v4 =	vld [tilespmem:s15+$0xFFFFFFD0]  }
0x33: {  	v5 =	vld [tilespmem:s15+$0xFFFFFFE0]  }
0x34: {  	s31 =	sand.u32 $0x1, s10;
	s12 =	sshrl.u32 s12, $0x2;
	v1 =	vld [tilespmem:s15+$0xFFFFFFF0]  }
0x35: {  	s13 =	smul.u32 $0x2040, s31;
	v2 =	vld [tilespmem:s15+$0x0];
	s12 =	sor.u32 $0x1007, s12  }
0x36: {  	v0 =	vld [tilespmem:s15+$0x10];
	[tilespmem:s12+$0x0 ss:$0x81] =	vst.msk $0xffff, v3  }
0x37: {  	s13 =	sshrl.u32 s13, $0x2;
	[tilespmem:s12+$0xFFFFFFFA ss:$0x81] =	vst.msk $0xffff, v4;
	v4 =	vld [tilespmem:s15+$0x20]  }
0x38: {  	s14 =	simm.s32 $0x0;
	s13 =	sor.u32 $0x1000, s13;
	v3 =	vld [tilespmem:s15+$0xFFFFFFC0];
	[tilespmem:s12+$0xFFFFFFFB ss:$0x81] =	vst.msk $0xffff, v5;
	s15 =	sadd.s32 $0x80, s15  }
.LBB1_3:
0x39: {  	v5 =	vld [tilespmem:s15+$0x30];
	s14 =	sadd.s32 $0x8, s14;
	[tilespmem:s12+$0xFFFFFFFC ss:$0x81] =	vst.msk $0xffff, v1  }
0x3a: {  	v6 =	vld [tilespmem:s15+$0xFFFFFFD0];
	p1 =	slt.u32 s14, $0x78;
	[tilespmem:s12+$0xFFFFFFFD ss:$0x81] =	vst.msk $0xffff, v2  }
0x3b: {  	v7 =	vld [tilespmem:s15+$0xFFFFFFE0];
	[tilespmem:s12+$0xFFFFFFFE ss:$0x81] =	vst.msk $0xffff, v0  }
.Ltmp3:
0x3c: {  	v1 =	vld [tilespmem:s15+$0xFFFFFFF0];
	[tilespmem:s12+$0xFFFFFFFF ss:$0x81] =	vst.msk $0xffff, v4;
	(pc) =	sbr.rel @p1 .LBB1_3-.Ltmp3, $4  }
0x3d: {  	v2 =	vld [tilespmem:s15+$0x0];
	[tilespmem:s12+$0xFFFFFFF9 ss:$0x81] =	vst.msk $0xffff, v3;
	s12 =	sadd.s32 $0x8, s12  }
0x3e: {  	v0 =	vld [tilespmem:s15+$0x10];
	[tilespmem:s12+$0x0 ss:$0x81] =	vst.msk $0xffff, v5  }
0x3f: {  	[tilespmem:s12+$0xFFFFFFFA ss:$0x81] =	vst.msk $0xffff, v6;
	v4 =	vld [tilespmem:s15+$0x20]  }
0x40: {  	v3 =	vld [tilespmem:s15+$0xFFFFFFC0];
	[tilespmem:s12+$0xFFFFFFFB ss:$0x81] =	vst.msk $0xffff, v7;
	s15 =	sadd.s32 $0x80, s15  }
.Ltmp4:
0x41: {  	_ = 	snop;
	(pc) =	sbr.rel .LBB1_4-.Ltmp4, $1  }
0x42: {  	_ =	sdelay $0x3  }
.LBB1_6:
0x43: {  	_ =	sfence.sel $0x180000  }
0x44: {  	s2 =	simm.s32 $0x1;
	[bflag:$0x0] =	sbarrier.arrive $0xFFFF  }
0x45: {  	s31 =	simm.s32 $0x2;
	[sflag:s2] =	ssyncpa.u1 $0x1  }
0x46: {  	[sflag:s31] =	ssyncpa.u1 $0x1  }
0x47: {  	p0 =	sne.s32 s0, $0x0;
	_ =	strace $0x9000004A  }
0x48: {  	s0 =	sadd.s32 @!p0 $0x100000, s1;
	[bflag:$0x2] =	sbarrier.arrive $0xFFFF  }
0x49: {  	[sflag:s0] =	ssyncadd.tile.s32 @!p0 $0x1;
	_ =	shalt  }
.Lfunc_end1:
_tile_overlayer_lowered:
.L_overlay_start_2:
0x4a: {  	(tag) =	ssettag $0x2  }
0x4b: {  	s0 =	rddreg [dreg:$0x0];
	s2 =	stileid.u32  }
0x4c: {  	s1 =	rddreg [dreg:$0x1];
	p0 =	sne.s32 s2, $0x0  }
0x4d: {  	s3 =	rddreg [dreg:$0x2];
	[bflag:$0x3] =	sbarrier.arrive $0xFFFF;
	s2 =	simm.s32 @!p0 $0x1C01  }
0x4e: {  	[timem:s3], [sflag:s2] =	dma.local @!p0 [hbm:s0], s1  }
0x4f: {  	s0 =	simm.s32 @!p0 $0x1  }
0x50: {  	_ =	swait.ge @!p0 [sflag:s0], s1  }
0x51: {  	s1 =	ssub.s32 @!p0 $0x0, s1;
	[sflag:s0] =	ssyncset.done @!p0 $0x0  }
0x52: {  	[sflag:s0] =	ssyncadd.s32 @!p0 s1  }
0x53: {  	[bflag:$0x3] =	sbarrier.arrive $0xFFFF  }
0x54: {  	_ =	shalt  }

// kernel: sparse-core-data-format-call.cloned.1.call-start
scs
called_computation_lowered:
.L_overlay_start_0:
0x0: {  	s2 =	sld [smem:$0x3FD9]  }
0x1: {  	s3 =	sld [smem:$0x3FFE];
	_ =	sdelay $0x1  }
0x2: {  	s1 =	srdreg.scid  }
0x3: {  	s0 =	sand.u32 $0x1, s1  }
0x4: {  	s18 =	sshll.u32 s0, $0xA;
	s2 =	sadd.s32 s3, s2  }
0x5: {  	s2 =	sadd.s32 s2, s18  }
0x6: {  	[smem:$0x3FC6] =	sst s2  }
0x7: {  	_ = 	snop  }
0x8: {  	s2 =	sld [smem:$0x3FD0];
	(tm) =	ssettm $0x1  }
0x9: {  	s19 =	sld [smem:$0x3FFB];
	_ =	sdelay $0x3  }
0xa: {  	_ =	strace s19  }
0xb: {  	s3 =	sld [smem:$0x3FFC];
	_ =	sdelay $0x3  }
0xc: {  	_ =	strace s3  }
0xd: {  	s3 =	sld [smem:$0x3FFD];
	_ =	sdelay $0x3  }
0xe: {  	_ =	strace s3  }
0xf: {  	_ =	strace $0x8FFFFFFF  }
0x10: {  	s20 =	sld [smem:$0x3FDB];
	_ =	sdelay $0x1  }
0x11: {  	s4 =	simm.s32 $_scs_section_size  }
0x12: {  	s5 =	simm.s32 $_size__tile_overlayer_lowered;
	s6 =	simm.s32 $_tile_overlayer_lowered  }
0x13: {  	s23 =	simm.s32 $0x1BFF;
	s22 =	sshll.u32 s6, $0x1;
	s3 =	sadd.s32 s4, s20  }
0x14: {  	s7 =	simm.s32 $0x0;
	s21 =	sshll.u32 s5, $0x1;
	s5 =	sadd.s32 s22, s3  }
0x15: {  	[timem:s7], [sflag:s23] =	dma.local [hbm:s5], s21  }
0x16: {  	_ =	swait.ge [sflag:s23], s21  }
0x17: {  	s4 =	ssub.s32 $0x0, s21;
	[sflag:s23] =	ssyncset.done $0x0  }
0x18: {  	[sflag:s23] =	ssyncadd.s32 s4;
	_ =	sdelay $0x1  }
0x19: {  	s24 =	simm.s32 $0x1B8B  }
0x1a: {  	_ =	swait.ge [sflag:s24], $0x1  }
0x1b: {  	[sflag:s24] =	ssyncset.done $0x0  }
0x1c: {  	s26 =	simm.s32 $0x1B8E;
	s25 =	sld [smem:$0x3FFE];
	[sflag:s24] =	ssyncadd.s32 $0xFFFFFFFF  }
0x1d: {  	s27 =	simm.s32 $execute0_lowered;
	[smem:$0x3FD2] =	sst s26  }
0x1e: {  	s5 =	sshll.u32 s27, $0x1;
	_ =	strace $0x8000004C;
	[dreg:$0x1] =	wrdreg $0xFFFFFFFF  }
0x1f: {  	s28 =	simm.s32 $_size_execute0_lowered;
	s3 =	sadd.s32 s3, s5;
	[dreg:$0x0] =	wrdreg $0x0  }
0x20: {  	s5 =	sshll.u32 s28, $0x1;
	[dreg:$0x2] =	wrdreg s3  }
0x21: {  	[dreg:$0x3] =	wrdreg s5  }
0x22: {  	[dreg:$0x4] =	wrdreg $0xC0  }
0x23: {  	_ =	task [dreg:s7], $0x5FFFF  }
0x24: {  	[dreg:$0x1] =	wrdreg $0xFFFFFFFF  }
0x25: {  	[dreg:$0x0] =	wrdreg $0x60  }
0x26: {  	[dreg:$0x2] =	wrdreg s25  }
0x27: {  	[dreg:$0x3] =	wrdreg s2  }
0x28: {  	[dreg:$0x4] =	wrdreg $0x9  }
0x29: {  	_ =	task.clear_ibuf [dreg:s7], $0x5FFFF;
	_ =	strace $0x9000004C  }
0x2a: {  	s29 =	simm.s32 $0x9;
	_ =	strace $0x8000004E  }
0x2b: {  	_ =	swait.ge [sflag:s29], $0x1  }
0x2c: {  	[sflag:s29] =	ssyncadd.s32 $0xFFFFFFFF  }
0x2d: {  	_ =	strace $0x9000004E  }
0x2e: {  	_ =	sfence  }
0x2f: {  	s30 =	sld [smem:$0x0];
	_ =	sdelay $0x2  }
0x30: {  	s31 =	sshll.u32 s1, $0xD;
	s1 =	sshrl.u32 s1, $0x2  }
0x31: {  	s3 =	sand.u32 $0x4000, s31;
	s1 =	sadd.s32 s1, s30  }
0x32: {  	s0 =	sor.u32 s3, s0;
	s1 =	sshll.u32 s1, $0x11  }
0x33: {  	s0 =	sor.u32 s1, s0  }
0x34: {  	s0 =	sadd.s32 $0x8F2B, s0  }
0x35: {  	[sflag:s0] =	ssyncadd.remote.s32 $0x1  }
0x36: {  	_ =	sfence.sel $0xFFFF  }
0x37: {  	[dreg:$0x0] =	wrdreg $0xFFFFFFFF;
	(pc) =	sbr.abs _section_cstart, $3  }
0x38: {  	[dreg:$0x1] =	wrdreg $0xFFFFFFFF  }
0x39: {  	_ =	task.clear_ibuf [dreg:s7], $0x2FFFF;
	_ =	strace $0x9FFFFFFF  }
0x3a: {  	(tm) =	ssettm $0x7FFFFFFF  }
0x3b: {  	_ =	shalt  }
tec
execute0_lowered:
.L_overlay_start_1:
0x0: {  	(tag) =	ssettag $0x1  }
0x1: {  	s8 =	rddreg [dreg:$0x0];
	s0 =	stileid.u32  }
0x2: {  	s1 =	srdreg.scid;
	s2 =	rddreg [dreg:$0x1];
	s31 =	simm.s32 $0x2  }
0x3: {  	s16 =	simm.s32 $0x0;
	s17 =	simm.s32 $0x0;
	s11 =	simm.s32 $0x0  }
0x4: {  	s12 =	simm.s32 $0x0;
	s15 =	simm.s32 $0x0;
	s3 =	sshll.u32 s0, $0x1  }
0x5: {  	s4 =	sshll.u32 s0, $0x4;
	s1 =	sshll.u32 s1, $0x8;
	s3 =	sand.u32 $0xE, s3  }
0x6: {  	s4 =	sor.u32 s4, s1;
	s1 =	rddreg [dreg:$0x2];
	_ =	strace $0x8000004D  }
0x7: {  	s4 =	sand.u32 $0x180, s4;
	s5 =	ssub.s32 $0x10, s3;
	s14 =	smov.u32 s3  }
0x8: {  	s6 =	sand.u32 $0xE, s5;
	s7 =	ssub.s32 $0x4000, s4;
	s10 =	sshrl.u32 s5, $0x4  }
0x9: {  	p0 =	sne.s32 s6, $0x0;
	s6 =	simm.s32 $0x1;
	s9 =	sand.u32 $0x180, s7  }
0xa: {  	s6 =	simm.s32 @!p0 $0x0;
	p0 =	sne.s32 s9, $0x0;
	s9 =	simm.s32 $0x1  }
.Ltmp0:
0xb: {  	s7 =	sshrl.u32 s7, $0x9;
	s9 =	simm.s32 @!p0 $0x0;
	(pc) =	sbr.rel .LBB1_1-.Ltmp0, $4  }
0xc: {  	s5 =	simm.s32 $0x1;
	s6 =	sadd.s32 s6, s10;
	s7 =	sadd.s32 s9, s7  }
0xd: {  	s13 =	smov.u32 s4;
	[sflag:s5] =	ssyncpa.u1 $0x0;
	s6 =	smul.u32 s6, s7  }
0xe: {  	[sflag:s31] =	ssyncpa.u1 $0x0;
	p0 =	por $0x0, $0x0;
	s10 =	simm.s32 $0x40000  }
0xf: {  	s7 =	sadd.s32 $0xE00, s8;
	s8 =	sadd.s32 $0x40E00, s8;
	s9 =	sadd.s32 $0x1, s6  }
.LBB1_7:
0x10: {  	p1 =	slt.u32 s15, $0x2  }
0x11: {  	s19 =	smov.u32 s17;
	p2 =	sgt.s32 @!p1 s17, $0xE;
	s18 =	sshra.s32 @!p1 s17, $0x1F  }
0x12: {  	p3 =	sgt.s32 @!p1 s16, $0x3F80;
	s20 =	sshra.s32 @!p1 s16, $0x1F;
	p2 =	por !p2, p1  }
0x13: {  	s17 =	sand.u32 @!p1 s18, s17;
	p3 =	por !p3, p1;
	s18 =	smov.u32 s16  }
0x14: {  	s16 =	sand.u32 @!p1 s20, s16;
	s19 =	simm.s32 @p2 $0xE;
	s18 =	simm.s32 @p3 $0x3F80  }
0x15: {  	s20 =	smov.u32 s14;
	s17 =	ssub.s32 @!p1 s19, s17;
	s16 =	ssub.s32 @!p1 s18, s16  }
0x16: {  	s18 =	sadd.s32 @!p1 $0xFFFFFFF2, s17;
	s17 =	ssub.s32 @!p1 $0x10, s17;
	s19 =	sadd.s32 @!p1 $0xFFFFC080, s16  }
0x17: {  	p2 =	sgt.s32 @!p1 s18, $0x1;
	s17 =	smul.u32 @!p1 $0x32, s17;
	p3 =	sgt.s32 @!p1 s19, $0x7F  }
0x18: {  	s16 =	ssub.s32 @!p1 $0x4000, s16;
	p2 =	por !p2, p1;
	p3 =	por !p3, p1  }
0x19: {  	s18 =	sadd.s32 $0x200, s13;
	s17 =	simm.s32 @!p2 $0x0;
	s16 =	simm.s32 @!p3 $0x0  }
0x1a: {  	p2 =	sgt.s32 s18, $0x3FFF;
	s16 =	smul.u32 @!p1 s16, s17;
	s17 =	sadd.s32 $0x10, s14  }
0x1b: {  	s20 =	smov.u32 @p2 s17  }
0x1c: {  	s18 =	smov.u32 @p2 s4;
	p2 =	sgt.s32 s20, $0xF  }
0x1d: {  	s20 =	smov.u32 @p2 s3;
	p2 =	sne.s32 s15, s9  }
.Ltmp1:
0x1e: {  	p0 =	por !p0, !p0;
	s19 =	simm.s32 @!p1 $0x2;
	(pc) =	sbr.rel @!p2 .LBB1_8-.Ltmp1, $4  }
0x1f: {  	s17 =	smov.u32 s12;
	s12 =	smov.u32 s14;
	s16 =	sand.u32 @!p1 $0x3FFFFFFE, s16  }
0x20: {  	_ =	swait.ge @!p1 [sflag:s19], s16;
	s21 =	ssub.s32 @!p1 $0x0, s16;
	s16 =	smov.u32 s11  }
0x21: {  	s15 =	sadd.s32 $0x1, s15;
	s11 =	smov.u32 s13;
	[sflag:s19] =	ssyncset.done @!p1 $0x0  }
0x22: {  	s13 =	smov.u32 s18;
	s14 =	smov.u32 s20;
	[sflag:s19] =	ssyncadd.s32 @!p1 s21  }
.LBB1_1:
0x23: {  	p1 =	sge.u32 s15, s6  }
0x24: {  	s18 =	sxor.u32 @!p1 $0xFFFFFFFF, s15;
	s19 =	sshll.u32 @!p1 s14, $0x12  }
0x25: {  	s20 =	sshll.u32 @!p1 s13, $0x4;
	s22 =	simm.s32 @!p1 $0x40;
	s23 =	simm.s32 @!p1 $0x80  }
0x26: {  	s18 =	sshll.u32 @!p1 s18, $0xE;
	s20 =	sand.u32 @!p1 $0x3FFF0, s20;
	s21 =	sadd.s32 @!p1 s7, s19  }
0x27: {  	s19 =	sadd.s32 @!p1 s19, s8;
	s18 =	sand.u32 @!p1 $0x4000, s18;
	s21 =	sadd.s32 @!p1 s20, s21  }
0x28: {  	[tilespmem:s18], [sflag:$0x1] =	stream.strided.gather @!p1 [hbm4b:s21+s22], $0x2000, s23, s22, $0x38;
	[tilespmem:$0x10100] =	vst v63  }
0x29: {  	s31 =	sadd.s32 $0xFFFFFFFF, s15;
	s19 =	sadd.s32 @!p1 s20, s19;
	s18 =	sor.u32 @!p1 $0x2000, s18  }
0x2a: {  	[tilespmem:s18], [sflag:$0x1] =	stream.strided.gather @!p1 [hbm4b:s19+s22], $0x2000, s23, s22, $0x38;
	[tilespmem:$0x10100] =	vst v63  }
0x2b: {  	p1 =	sge.u32 s31, s6  }
.Ltmp2:
0x2c: {  	_ = 	snop;
	(pc) =	sbr.rel @p1 .LBB1_7-.Ltmp2, $1  }
0x2d: {  	_ =	sdelay $0x3  }
0x2e: {  	s18 =	simm.s32 $0x1;
	s20 =	sand.u32 $0x1, s15  }
0x2f: {  	_ =	swait.ge [sflag:s5], $0x4000;
	s18 =	simm.s32 @!p0 $0x0;
	s20 =	smul.u32 $0x10200, s20  }
0x30: {  	p2 =	por $0x1, $0x1;
	[sflag:s5] =	ssyncset.done $0x0;
	s19 =	smul.u32 $0x10200, s18  }
0x31: {  	s21 =	sshll.u32 s18, $0x10;
	[sflag:s5] =	ssyncadd.s32 $0xFFFFC000;
	s30 =	sshrl.u32 s20, $0x2  }
0x32: {  	s31 =	sshrl.u32 s21, $0x2;
	s21 =	simm.s32 $0x0;
	s19 =	sshrl.u32 s19, $0x2  }
0x33: {  	s18 =	sor.u32 $0x8000, s30;
	s20 =	sadd.s32 $0x20, s31;
	s19 =	sor.u32 $0x8000, s19  }
.LBB1_3:
0x34: {  	s22 =	sshll.u32 s21, $0xD  }
0x35: {  	s22 =	sand.u32 $0x3FFFE000, s22  }
0x36: {  	s24 =	sadd.s32 s22, s20  }
0x37: {  	s31 =	smul.u32 $0x204, s21;
	v3 =	vld [tilespmem:s24+$0x10]  }
0x38: {  	v1 =	vld [tilespmem:s24+$0xFFFFFFF0]  }
0x39: {  	s21 =	sshra.s32 s31, $0x2;
	v0 =	vld [tilespmem:s24+$0x0]  }
0x3a: {  	s21 =	sadd.s32 s21, s19;
	v2 =	vld [tilespmem:s24+$0xFFFFFFE0]  }
0x3b: {  	s22 =	sadd.s32 $0x0, s21  }
0x3c: {  	p1 =	por p2, p2;
	s23 =	simm.s32 $0x4;
	s24 =	sadd.s32 $0x40, s24;
	[tilespmem:s22+$0x3060 ss:$0x102] =	vst.msk $0xffff, v3  }
.LBB1_4:
0x3d: {  	v3 =	vld [tilespmem:s24+$0x10];
	p2 =	sne.s32 s23, $0x1FC;
	[tilespmem:s22+$0x1020 ss:$0x102] =	vst.msk $0xffff, v1;
	s25 =	smov.u32 s23;
	s23 =	sadd.s32 $0x4, s23  }
.Ltmp3:
0x3e: {  	v1 =	vld [tilespmem:s24+$0xFFFFFFF0];
	[tilespmem:s22+$0x2040 ss:$0x102] =	vst.msk $0xffff, v0;
	(pc) =	sbr.rel @p2 .LBB1_4-.Ltmp3, $4  }
0x3f: {  	v0 =	vld [tilespmem:s24+$0x0];
	[tilespmem:s22+$0x0 ss:$0x102] =	vst.msk $0xffff, v2  }
0x40: {  	s22 =	sshra.s32 s25, $0x2;
	v2 =	vld [tilespmem:s24+$0xFFFFFFE0]  }
0x41: {  	s22 =	sadd.s32 s22, s21  }
0x42: {  	s24 =	sadd.s32 $0x40, s24;
	[tilespmem:s22+$0x3060 ss:$0x102] =	vst.msk $0xffff, v3  }
.Ltmp4:
0x43: {  	(pc) =	sbr.rel @p1 .LBB1_3-.Ltmp4, $4  }
0x44: {  	_ = 	snop  }
0x45: {  	[tilespmem:s22+$0x1020 ss:$0x102] =	vst.msk $0xffff, v1  }
0x46: {  	[tilespmem:s22+$0x2040 ss:$0x102] =	vst.msk $0xffff, v0  }
0x47: {  	s21 =	simm.s32 $0x1;
	p2 =	por $0x0, $0x0;
	[tilespmem:s22+$0x0 ss:$0x102] =	vst.msk $0xffff, v2  }
0x48: {  	s19 =	sand.u32 $0x78, s11;
	p1 =	sgt.s32 s12, $0xE;
	s20 =	smov.u32 s12  }
0x49: {  	s21 =	sshra.s32 s12, $0x1F;
	s22 =	sshll.u32 s12, $0xE;
	s23 =	sshll.u32 s11, $0x3  }
0x4a: {  	s30 =	sshra.s32 s11, $0x1F;
	s25 =	sshll.u32 s12, $0x7;
	s20 =	simm.s32 @!p1 $0xE  }
0x4b: {  	s21 =	sand.u32 s21, s12;
	s22 =	sand.u32 $0x20000, s22;
	p1 =	sgt.s32 s11, $0x3F80  }
0x4c: {  	s25 =	sand.u32 $0x380, s25;
	s20 =	ssub.s32 s20, s21;
	s21 =	smov.u32 s11  }
0x4d: {  	s22 =	sadd.s32 s22, s23;
	s24 =	sadd.s32 $0xFFFFFFF2, s20;
	s21 =	simm.s32 @!p1 $0x3F80  }
0x4e: {  	s20 =	ssub.s32 $0x10, s20;
	p1 =	sgt.s32 s24, $0x1;
	s24 =	sand.u32 s30, s11  }
0x4f: {  	s23 =	sand.u32 $0x3C00, s23;
	s20 =	smul.u32 $0x32, s20;
	s21 =	ssub.s32 s21, s24  }
0x50: {  	s19 =	sor.u32 s25, s19;
	s22 =	sand.u32 $0x3C000, s22;
	s24 =	sadd.s32 $0xFFFFC080, s21  }
0x51: {  	s20 =	simm.s32 @p1 $0x0;
	s21 =	ssub.s32 $0x4000, s21;
	p1 =	sgt.s32 s24, $0x7F  }
.Ltmp5:
0x52: {  	s19 =	sor.u32 s23, s19;
	s21 =	simm.s32 @p1 $0x0;
	(pc) =	sbr.rel .LBB1_7-.Ltmp5, $4  }
0x53: {  	s31 =	sand.u32 $0x7, s11;
	s19 =	sor.u32 s22, s19;
	s20 =	smul.u32 s21, s20  }
0x54: {  	s19 =	sshrl.u32 s19, $0x3;
	s21 =	sshll.u32 s31, $0x12  }
0x55: {  	s19 =	sadd.s32 s2, s19;
	s21 =	sor.u32 $0x100, s21;
	s20 =	sand.u32 $0x3FFFFFFE, s20  }
0x56: {  	[hbm4b:s19+s21] =	stream.strided.scatter [tilespmem:s18], [sflag:$0x2], s20, s10, s21, $0x20;
	[tilespmem:$0x10100] =	vst v63  }
.LBB1_8:
0x57: {  	_ =	sfence.sel $0x180000  }
0x58: {  	s2 =	simm.s32 $0x1;
	[bflag:$0x0] =	sbarrier.arrive $0xFFFF  }
0x59: {  	s31 =	simm.s32 $0x2;
	[sflag:s2] =	ssyncpa.u1 $0x1  }
0x5a: {  	[sflag:s31] =	ssyncpa.u1 $0x1  }
0x5b: {  	p0 =	sne.s32 s0, $0x0;
	_ =	strace $0x9000004D  }
0x5c: {  	s0 =	sadd.s32 @!p0 $0x100000, s1;
	[bflag:$0x2] =	sbarrier.arrive $0xFFFF  }
0x5d: {  	[sflag:s0] =	ssyncadd.tile.s32 @!p0 $0x1;
	_ =	shalt  }
.Lfunc_end1:
_tile_overlayer_lowered:
.L_overlay_start_2:
0x5e: {  	(tag) =	ssettag $0x2  }
0x5f: {  	s0 =	rddreg [dreg:$0x0];
	s2 =	stileid.u32  }
0x60: {  	s1 =	rddreg [dreg:$0x1];
	p0 =	sne.s32 s2, $0x0  }
0x61: {  	s3 =	rddreg [dreg:$0x2];
	[bflag:$0x3] =	sbarrier.arrive $0xFFFF;
	s2 =	simm.s32 @!p0 $0x1C01  }
0x62: {  	[timem:s3], [sflag:s2] =	dma.local @!p0 [hbm:s0], s1  }
0x63: {  	s0 =	simm.s32 @!p0 $0x1  }
0x64: {  	_ =	swait.ge @!p0 [sflag:s0], s1  }
0x65: {  	s1 =	ssub.s32 @!p0 $0x0, s1;
	[sflag:s0] =	ssyncset.done @!p0 $0x0  }
0x66: {  	[sflag:s0] =	ssyncadd.s32 @!p0 s1  }
0x67: {  	[bflag:$0x3] =	sbarrier.arrive $0xFFFF  }
0x68: {  	_ =	shalt  }

</sc_bundles>
